<compile_context>
chip_gen: v7x
topology: tpu7x:2x2x1
jax: 0.10.2.dev20260603
libtpu: 0.0.44.dev20260713+nightly
codegen_flags: <defaults>
</compile_context>

<pallas_src>
import functools

import jax
import jax.numpy as jnp
from jax import lax
from jax.experimental import pallas as pl
from jax.experimental.pallas import tpu as pltpu
from jax.experimental.pallas import tpu_sc as plsc

D = 256
K = 8192
RB = 1024
JB = 8192
RT = 1024
LN = 128


def _argmin_body(x_ref, w_ref, wsq_ref, idx_ref, mm_s):
    xneg = x_ref[...] * -2.0
    for jb in range(K // JB):
        wb = w_ref[pl.ds(jb * JB, JB), :]
        mm_s[:, pl.ds(jb * JB, JB)] = lax.dot_general(
            xneg, wb, (((1,), (1,)), ((), ())),
            preferred_element_type=jnp.float32)

    lane = lax.broadcasted_iota(jnp.int32, (RT, LN), 1)

    def rt_body(rt, carry):
        xt = x_ref[pl.ds(rt * RT, RT), :]
        xsq = jnp.sum(xt * xt, axis=1, keepdims=True)
        vals = jnp.full((RT, LN), jnp.inf, jnp.float32)
        jchunk = jnp.zeros((RT, LN), jnp.int32)
        for c in range(K // LN):
            mmc = mm_s[pl.ds(rt * RT, RT), c * LN:(c + 1) * LN]
            wsqc = wsq_ref[:, c * LN:(c + 1) * LN]
            dist = (wsqc + mmc) + xsq
            upd = dist < vals
            jchunk = jnp.where(upd, c, jchunk)
            vals = jnp.minimum(vals, dist)
        gmin = jnp.min(vals, axis=1, keepdims=True)
        jglob = jchunk * LN + lane
        cand = jnp.where(vals == gmin, jglob, K)
        idx_ref[pl.ds(rt * RT, RT), :] = jnp.min(cand, axis=1, keepdims=True)
        return carry

    lax.fori_loop(0, RB // RT, rt_body, 0)


def _argmin_indices(flat, weight, wsq):
    n = flat.shape[0]
    grid = (n // RB,)
    out = pl.pallas_call(
        _argmin_body,
        grid=grid,
        in_specs=[
            pl.BlockSpec((RB, D), lambda i: (i, 0)),
            pl.BlockSpec((K, D), lambda i: (0, 0)),
            pl.BlockSpec((1, K), lambda i: (0, 0)),
        ],
        out_specs=pl.BlockSpec((RB, 1), lambda i: (i, 0)),
        out_shape=jax.ShapeDtypeStruct((n, 1), jnp.int32),
        scratch_shapes=[
            pltpu.VMEM((RB, K), jnp.float32),
        ],
        compiler_params=pltpu.CompilerParams(
            dimension_semantics=("arbitrary",),
        ),
    )(flat, weight, wsq)
    return out.reshape(n)


def _make_sc_gather(n):
    info = plsc.get_sparse_core_info()
    nw = info.num_cores * info.num_subcores
    b_per_w = n // nw
    chunk = 128
    nchunks = b_per_w // chunk
    mesh = plsc.VectorSubcoreMesh(core_axis_name="c", subcore_axis_name="s")

    @functools.partial(
        pl.kernel,
        out_type=jax.ShapeDtypeStruct((n, D), jnp.float32),
        mesh=mesh,
        scratch_types=[
            pltpu.VMEM((b_per_w,), jnp.int32),
            pltpu.VMEM((2, chunk, D), jnp.float32),
            pltpu.SemaphoreType.DMA,
            pltpu.SemaphoreType.DMA,
        ],
    )
    def gather(table_hbm, idx_hbm, out_hbm, idx_v, rows_v, sem0, sem1):
        wid = lax.axis_index("s") * info.num_cores + lax.axis_index("c")
        base = wid * b_per_w
        pltpu.sync_copy(idx_hbm.at[pl.ds(base, b_per_w)], idx_v)
        sems = (sem0, sem1)
        copies = [None, None]
        for c in range(nchunks):
            s = c % 2
            copies[s] = pltpu.async_copy(
                table_hbm.at[idx_v.at[pl.ds(c * chunk, chunk)]],
                rows_v.at[s], sems[s])
            if c > 0:
                p = (c - 1) % 2
                copies[p].wait()
                pltpu.sync_copy(
                    rows_v.at[p],
                    out_hbm.at[pl.ds(base + (c - 1) * chunk, chunk)])
        copies[(nchunks - 1) % 2].wait()
        pltpu.sync_copy(
            rows_v.at[(nchunks - 1) % 2],
            out_hbm.at[pl.ds(base + (nchunks - 1) * chunk, chunk)])

    return gather


def kernel(x, weight):
    b, t, d = x.shape
    n = b * t
    flat = x.reshape(n, d)
    wsq = jnp.sum(jnp.power(weight, 2), axis=1).reshape(1, K)
    idx_flat = _argmin_indices(flat, weight, wsq)
    embed = _make_sc_gather(n)(weight, idx_flat).reshape(b, t, d)
    idx = idx_flat.reshape(b, t)
    return (embed, embed, idx)

# --- scband reference (transcript-rebuilt; emitter-appended) ---
"""Pipeline reference for scband-vqvae2-59691455480606 (READ-ONLY COPY).

The authoritative reference and input builder live on the scoring server;
editing this copy changes nothing except your own understanding.
"""

import jax, jax.numpy as jnp
import numpy as np

EMB_DIM = 256
EMB_SIZE = 8192
B = 32
T = 1024


def setup_inputs(seed: int = 0) -> dict:
    key = jax.random.key(seed)
    k1, k2 = jax.random.split(key)
    x = jax.random.normal(k1, (B, T, EMB_DIM), dtype=jnp.float32)
    weight = jax.random.uniform(k2, (EMB_SIZE, EMB_DIM), minval=-1.0 / EMB_SIZE, maxval=1.0 / EMB_SIZE, dtype=jnp.float32)
    return {"x": x, "weight": weight}


def reference(x, weight):
    # Quantizer.vq: pairwise squared L2 distance via expansion
    flat = x.reshape(-1, EMB_DIM)
    dist = (
        jnp.sum(jnp.power(weight, 2), axis=1)
        - 2.0 * jnp.matmul(flat, weight.T)
        + jnp.sum(jnp.power(flat, 2), axis=1, keepdims=True)
    )
    quantized_idx = jnp.argmin(dist, axis=1).reshape(x.shape[0], x.shape[1])
    quantized_onehot = jax.nn.one_hot(quantized_idx, EMB_SIZE, dtype=jnp.float32)
    # embed lookup expressed as onehot matmul, faithful to the torch module
    embed_idx = jnp.matmul(quantized_onehot, weight)
    # straight-through estimator output
    embed_idx_qx = x + jax.lax.stop_gradient(embed_idx - x)
    return (embed_idx, embed_idx_qx, quantized_idx)

if __name__ == "__main__":
    import jax
    _d = setup_inputs()
    print(jax.jit(kernel)(*tuple(_d.values())))

</pallas_src>

<mosaic_0001>
#map = affine_map<(d0, d1) -> (0, 0)>
#map1 = affine_map<(d0, d1) -> (0)>
module attributes {stable_mosaic.version = 14 : i64} {
  func.func @gather(%arg0: i32, %arg1: i32, %arg2: memref<8192x256xf32, #tpu.memory_space<hbm>>, %arg3: memref<32768xi32, #tpu.memory_space<hbm>>, %arg4: memref<32768x256xf32, #tpu.memory_space<hbm>>, %arg5: memref<1024xi32, #tpu.memory_space<vmem>>, %arg6: memref<2x128x256xf32, #tpu.memory_space<vmem>>, %arg7: memref<!tpu.dma_semaphore, #tpu.memory_space<semaphore_mem>>, %arg8: memref<!tpu.dma_semaphore, #tpu.memory_space<semaphore_mem>>) attributes {dimension_semantics = [#tpu.dimension_semantics<core_parallel>, #tpu.dimension_semantics<subcore_parallel>], iteration_bounds = array<i64: 2, 16>, scalar_prefetch = 0 : i64, scratch_operands = 4 : i64, tpu.core_type = #tpu.core_type<sc_vector_subcore>, window_params = [{transform_indices = #map}, {transform_indices = #map1}, {transform_indices = #map}]} {
    %mul3A = arith.constant 2 : i32
    %mul3A_0 = arith.muli %arg1, %mul3A : i32
    %add3A = arith.addi %mul3A_0, %arg0 : i32
    %mul3A_1 = arith.constant 1024 : i32
    %mul3A_2 = arith.muli %add3A, %mul3A_1 : i32
    "tpu.region"() ({
      %run_scoped3A_184 = tpu.sem_alloc : memref<!tpu.dma_semaphore, #tpu.memory_space<semaphore_mem>>
      %dma_start3A_185 = tpu.memref_slice %arg3[%mul3A_2] : memref<32768xi32, #tpu.memory_space<hbm>> -> memref<1024xi32, #tpu.memory_space<hbm>>
      %dma_start3A_186 = tpu.memref_slice %arg3[%mul3A_2] : memref<32768xi32, #tpu.memory_space<hbm>> -> memref<1024xi32, #tpu.memory_space<hbm>>
      tpu.enqueue_dma source(%dma_start3A_186 : memref<1024xi32, #tpu.memory_space<hbm>>) target(%arg5 : memref<1024xi32, #tpu.memory_space<vmem>>) target_semaphore(%run_scoped3A_184 : memref<!tpu.dma_semaphore, #tpu.memory_space<semaphore_mem>>)
      %dma_wait3A_187 = tpu.memref_slice %arg3[%mul3A_2] : memref<32768xi32, #tpu.memory_space<hbm>> -> memref<1024xi32, #tpu.memory_space<hbm>>
      %dma_wait3A_188 = tpu.memref_slice %arg3[%mul3A_2] : memref<32768xi32, #tpu.memory_space<hbm>> -> memref<1024xi32, #tpu.memory_space<hbm>>
      tpu.wait_dma2 semaphore(%run_scoped3A_184 : memref<!tpu.dma_semaphore, #tpu.memory_space<semaphore_mem>>) src(%dma_wait3A_188 : memref<1024xi32, #tpu.memory_space<hbm>>) dst(%arg5 : memref<1024xi32, #tpu.memory_space<vmem>>)
      tpu.yield
    }) : () -> ()
    %dma_start3A = arith.constant 0 : i32
    %dma_start3A_3 = arith.constant 0 : i32
    %dma_start3A_4 = arith.constant 0 : i32
    %dma_start3A_5 = tpu.memref_slice %arg6[%dma_start3A, %dma_start3A_3, %dma_start3A_4] : memref<2x128x256xf32, #tpu.memory_space<vmem>> -> memref<1x128x256xf32, #tpu.memory_space<vmem>>
    %dma_start3A_6 = tpu.memref_squeeze %dma_start3A_5 : memref<1x128x256xf32, #tpu.memory_space<vmem>> -> memref<128x256xf32, #tpu.memory_space<vmem>>
    %dma_start3A_7 = arith.constant 0 : i32
    %dma_start3A_8 = tpu.memref_slice %arg5[%dma_start3A_7] : memref<1024xi32, #tpu.memory_space<vmem>> -> memref<128xi32, #tpu.memory_space<vmem>>
    %dma_start3A_9 = arith.constant 0 : i32
    %dma_start3A_10 = arith.constant 0 : i32
    %dma_start3A_11 = tpu.memref_slice %arg2[%dma_start3A_9, %dma_start3A_10] : memref<8192x256xf32, #tpu.memory_space<hbm>> -> memref<8192x256xf32, #tpu.memory_space<hbm>>
    tpu.enqueue_indirect_dma source(%dma_start3A_11 : memref<8192x256xf32, #tpu.memory_space<hbm>>) target(%dma_start3A_6 : memref<128x256xf32, #tpu.memory_space<vmem>>) offsets(%dma_start3A_8 : memref<128xi32, #tpu.memory_space<vmem>>) semaphore(%arg7 : memref<!tpu.dma_semaphore, #tpu.memory_space<semaphore_mem>>)
    %dma_start3A_12 = arith.constant 1 : i32
    %dma_start3A_13 = arith.constant 0 : i32
    %dma_start3A_14 = arith.constant 0 : i32
    %dma_start3A_15 = tpu.memref_slice %arg6[%dma_start3A_12, %dma_start3A_13, %dma_start3A_14] : memref<2x128x256xf32, #tpu.memory_space<vmem>> -> memref<1x128x256xf32, #tpu.memory_space<vmem>>
    %dma_start3A_16 = tpu.memref_squeeze %dma_start3A_15 : memref<1x128x256xf32, #tpu.memory_space<vmem>> -> memref<128x256xf32, #tpu.memory_space<vmem>>
    %dma_start3A_17 = arith.constant 128 : i32
    %dma_start3A_18 = tpu.memref_slice %arg5[%dma_start3A_17] : memref<1024xi32, #tpu.memory_space<vmem>> -> memref<128xi32, #tpu.memory_space<vmem>>
    %dma_start3A_19 = arith.constant 0 : i32
    %dma_start3A_20 = arith.constant 0 : i32
    %dma_start3A_21 = tpu.memref_slice %arg2[%dma_start3A_19, %dma_start3A_20] : memref<8192x256xf32, #tpu.memory_space<hbm>> -> memref<8192x256xf32, #tpu.memory_space<hbm>>
    tpu.enqueue_indirect_dma source(%dma_start3A_21 : memref<8192x256xf32, #tpu.memory_space<hbm>>) target(%dma_start3A_16 : memref<128x256xf32, #tpu.memory_space<vmem>>) offsets(%dma_start3A_18 : memref<128xi32, #tpu.memory_space<vmem>>) semaphore(%arg8 : memref<!tpu.dma_semaphore, #tpu.memory_space<semaphore_mem>>)
    %dma_wait3A = arith.constant 0 : i32
    %dma_wait3A_22 = arith.constant 0 : i32
    %dma_wait3A_23 = arith.constant 0 : i32
    %dma_wait3A_24 = tpu.memref_slice %arg6[%dma_wait3A, %dma_wait3A_22, %dma_wait3A_23] : memref<2x128x256xf32, #tpu.memory_space<vmem>> -> memref<1x128x256xf32, #tpu.memory_space<vmem>>
    %dma_wait3A_25 = tpu.memref_squeeze %dma_wait3A_24 : memref<1x128x256xf32, #tpu.memory_space<vmem>> -> memref<128x256xf32, #tpu.memory_space<vmem>>
    %dma_wait3A_26 = arith.constant 0 : i32
    %dma_wait3A_27 = tpu.memref_slice %arg5[%dma_wait3A_26] : memref<1024xi32, #tpu.memory_space<vmem>> -> memref<128xi32, #tpu.memory_space<vmem>>
    %dma_wait3A_28 = arith.constant 0 : i32
    %dma_wait3A_29 = arith.constant 0 : i32
    %dma_wait3A_30 = tpu.memref_slice %arg2[%dma_wait3A_28, %dma_wait3A_29] : memref<8192x256xf32, #tpu.memory_space<hbm>> -> memref<8192x256xf32, #tpu.memory_space<hbm>>
    tpu.wait_indirect_dma semaphore(%arg7 : memref<!tpu.dma_semaphore, #tpu.memory_space<semaphore_mem>>) src(%dma_wait3A_30 : memref<8192x256xf32, #tpu.memory_space<hbm>>) dst(%dma_wait3A_25 : memref<128x256xf32, #tpu.memory_space<vmem>>)
    %add3A_31 = arith.constant 0 : i32
    %add3A_32 = arith.addi %mul3A_2, %add3A_31 : i32
    %run_scoped3A = arith.constant 0 : i32
    "tpu.region"() ({
      %run_scoped3A_184 = tpu.sem_alloc : memref<!tpu.dma_semaphore, #tpu.memory_space<semaphore_mem>>
      %dma_start3A_185 = arith.constant 0 : i32
      %dma_start3A_186 = arith.constant 0 : i32
      %dma_start3A_187 = tpu.memref_slice %arg6[%run_scoped3A, %dma_start3A_185, %dma_start3A_186] : memref<2x128x256xf32, #tpu.memory_space<vmem>> -> memref<1x128x256xf32, #tpu.memory_space<vmem>>
      %dma_start3A_188 = tpu.memref_squeeze %dma_start3A_187 : memref<1x128x256xf32, #tpu.memory_space<vmem>> -> memref<128x256xf32, #tpu.memory_space<vmem>>
      %dma_start3A_189 = arith.constant 0 : i32
      %dma_start3A_190 = tpu.memref_slice %arg4[%add3A_32, %dma_start3A_189] : memref<32768x256xf32, #tpu.memory_space<hbm>> -> memref<128x256xf32, #tpu.memory_space<hbm>>
      %dma_start3A_191 = arith.constant 0 : i32
      %dma_start3A_192 = tpu.memref_slice %arg4[%add3A_32, %dma_start3A_191] : memref<32768x256xf32, #tpu.memory_space<hbm>> -> memref<128x256xf32, #tpu.memory_space<hbm>>
      %dma_start3A_193 = arith.constant 0 : i32
      %dma_start3A_194 = arith.constant 0 : i32
      %dma_start3A_195 = tpu.memref_slice %arg6[%run_scoped3A, %dma_start3A_193, %dma_start3A_194] : memref<2x128x256xf32, #tpu.memory_space<vmem>> -> memref<1x128x256xf32, #tpu.memory_space<vmem>>
      %dma_start3A_196 = tpu.memref_squeeze %dma_start3A_195 : memref<1x128x256xf32, #tpu.memory_space<vmem>> -> memref<128x256xf32, #tpu.memory_space<vmem>>
      tpu.enqueue_dma source(%dma_start3A_196 : memref<128x256xf32, #tpu.memory_space<vmem>>) target(%dma_start3A_192 : memref<128x256xf32, #tpu.memory_space<hbm>>) target_semaphore(%run_scoped3A_184 : memref<!tpu.dma_semaphore, #tpu.memory_space<semaphore_mem>>)
      %dma_wait3A_197 = arith.constant 0 : i32
      %dma_wait3A_198 = arith.constant 0 : i32
      %dma_wait3A_199 = tpu.memref_slice %arg6[%run_scoped3A, %dma_wait3A_197, %dma_wait3A_198] : memref<2x128x256xf32, #tpu.memory_space<vmem>> -> memref<1x128x256xf32, #tpu.memory_space<vmem>>
      %dma_wait3A_200 = tpu.memref_squeeze %dma_wait3A_199 : memref<1x128x256xf32, #tpu.memory_space<vmem>> -> memref<128x256xf32, #tpu.memory_space<vmem>>
      %dma_wait3A_201 = arith.constant 0 : i32
      %dma_wait3A_202 = tpu.memref_slice %arg4[%add3A_32, %dma_wait3A_201] : memref<32768x256xf32, #tpu.memory_space<hbm>> -> memref<128x256xf32, #tpu.memory_space<hbm>>
      %dma_wait3A_203 = arith.constant 0 : i32
      %dma_wait3A_204 = tpu.memref_slice %arg4[%add3A_32, %dma_wait3A_203] : memref<32768x256xf32, #tpu.memory_space<hbm>> -> memref<128x256xf32, #tpu.memory_space<hbm>>
      %dma_wait3A_205 = arith.constant 0 : i32
      %dma_wait3A_206 = arith.constant 0 : i32
      %dma_wait3A_207 = tpu.memref_slice %arg6[%run_scoped3A, %dma_wait3A_205, %dma_wait3A_206] : memref<2x128x256xf32, #tpu.memory_space<vmem>> -> memref<1x128x256xf32, #tpu.memory_space<vmem>>
      %dma_wait3A_208 = tpu.memref_squeeze %dma_wait3A_207 : memref<1x128x256xf32, #tpu.memory_space<vmem>> -> memref<128x256xf32, #tpu.memory_space<vmem>>
      tpu.wait_dma2 semaphore(%run_scoped3A_184 : memref<!tpu.dma_semaphore, #tpu.memory_space<semaphore_mem>>) src(%dma_wait3A_208 : memref<128x256xf32, #tpu.memory_space<vmem>>) dst(%dma_wait3A_204 : memref<128x256xf32, #tpu.memory_space<hbm>>)
      tpu.yield
    }) : () -> ()
    %dma_start3A_33 = arith.constant 0 : i32
    %dma_start3A_34 = arith.constant 0 : i32
    %dma_start3A_35 = arith.constant 0 : i32
    %dma_start3A_36 = tpu.memref_slice %arg6[%dma_start3A_33, %dma_start3A_34, %dma_start3A_35] : memref<2x128x256xf32, #tpu.memory_space<vmem>> -> memref<1x128x256xf32, #tpu.memory_space<vmem>>
    %dma_start3A_37 = tpu.memref_squeeze %dma_start3A_36 : memref<1x128x256xf32, #tpu.memory_space<vmem>> -> memref<128x256xf32, #tpu.memory_space<vmem>>
    %dma_start3A_38 = arith.constant 256 : i32
    %dma_start3A_39 = tpu.memref_slice %arg5[%dma_start3A_38] : memref<1024xi32, #tpu.memory_space<vmem>> -> memref<128xi32, #tpu.memory_space<vmem>>
    %dma_start3A_40 = arith.constant 0 : i32
    %dma_start3A_41 = arith.constant 0 : i32
    %dma_start3A_42 = tpu.memref_slice %arg2[%dma_start3A_40, %dma_start3A_41] : memref<8192x256xf32, #tpu.memory_space<hbm>> -> memref<8192x256xf32, #tpu.memory_space<hbm>>
    tpu.enqueue_indirect_dma source(%dma_start3A_42 : memref<8192x256xf32, #tpu.memory_space<hbm>>) target(%dma_start3A_37 : memref<128x256xf32, #tpu.memory_space<vmem>>) offsets(%dma_start3A_39 : memref<128xi32, #tpu.memory_space<vmem>>) semaphore(%arg7 : memref<!tpu.dma_semaphore, #tpu.memory_space<semaphore_mem>>)
    %dma_wait3A_43 = arith.constant 1 : i32
    %dma_wait3A_44 = arith.constant 0 : i32
    %dma_wait3A_45 = arith.constant 0 : i32
    %dma_wait3A_46 = tpu.memref_slice %arg6[%dma_wait3A_43, %dma_wait3A_44, %dma_wait3A_45] : memref<2x128x256xf32, #tpu.memory_space<vmem>> -> memref<1x128x256xf32, #tpu.memory_space<vmem>>
    %dma_wait3A_47 = tpu.memref_squeeze %dma_wait3A_46 : memref<1x128x256xf32, #tpu.memory_space<vmem>> -> memref<128x256xf32, #tpu.memory_space<vmem>>
    %dma_wait3A_48 = arith.constant 128 : i32
    %dma_wait3A_49 = tpu.memref_slice %arg5[%dma_wait3A_48] : memref<1024xi32, #tpu.memory_space<vmem>> -> memref<128xi32, #tpu.memory_space<vmem>>
    %dma_wait3A_50 = arith.constant 0 : i32
    %dma_wait3A_51 = arith.constant 0 : i32
    %dma_wait3A_52 = tpu.memref_slice %arg2[%dma_wait3A_50, %dma_wait3A_51] : memref<8192x256xf32, #tpu.memory_space<hbm>> -> memref<8192x256xf32, #tpu.memory_space<hbm>>
    tpu.wait_indirect_dma semaphore(%arg8 : memref<!tpu.dma_semaphore, #tpu.memory_space<semaphore_mem>>) src(%dma_wait3A_52 : memref<8192x256xf32, #tpu.memory_space<hbm>>) dst(%dma_wait3A_47 : memref<128x256xf32, #tpu.memory_space<vmem>>)
    %add3A_53 = arith.constant 128 : i32
    %add3A_54 = arith.addi %mul3A_2, %add3A_53 : i32
    %run_scoped3A_55 = arith.constant 1 : i32
    "tpu.region"() ({
      %run_scoped3A_184 = tpu.sem_alloc : memref<!tpu.dma_semaphore, #tpu.memory_space<semaphore_mem>>
      %dma_start3A_185 = arith.constant 0 : i32
      %dma_start3A_186 = arith.constant 0 : i32
      %dma_start3A_187 = tpu.memref_slice %arg6[%run_scoped3A_55, %dma_start3A_185, %dma_start3A_186] : memref<2x128x256xf32, #tpu.memory_space<vmem>> -> memref<1x128x256xf32, #tpu.memory_space<vmem>>
      %dma_start3A_188 = tpu.memref_squeeze %dma_start3A_187 : memref<1x128x256xf32, #tpu.memory_space<vmem>> -> memref<128x256xf32, #tpu.memory_space<vmem>>
      %dma_start3A_189 = arith.constant 0 : i32
      %dma_start3A_190 = tpu.memref_slice %arg4[%add3A_54, %dma_start3A_189] : memref<32768x256xf32, #tpu.memory_space<hbm>> -> memref<128x256xf32, #tpu.memory_space<hbm>>
      %dma_start3A_191 = arith.constant 0 : i32
      %dma_start3A_192 = tpu.memref_slice %arg4[%add3A_54, %dma_start3A_191] : memref<32768x256xf32, #tpu.memory_space<hbm>> -> memref<128x256xf32, #tpu.memory_space<hbm>>
      %dma_start3A_193 = arith.constant 0 : i32
      %dma_start3A_194 = arith.constant 0 : i32
      %dma_start3A_195 = tpu.memref_slice %arg6[%run_scoped3A_55, %dma_start3A_193, %dma_start3A_194] : memref<2x128x256xf32, #tpu.memory_space<vmem>> -> memref<1x128x256xf32, #tpu.memory_space<vmem>>
      %dma_start3A_196 = tpu.memref_squeeze %dma_start3A_195 : memref<1x128x256xf32, #tpu.memory_space<vmem>> -> memref<128x256xf32, #tpu.memory_space<vmem>>
      tpu.enqueue_dma source(%dma_start3A_196 : memref<128x256xf32, #tpu.memory_space<vmem>>) target(%dma_start3A_192 : memref<128x256xf32, #tpu.memory_space<hbm>>) target_semaphore(%run_scoped3A_184 : memref<!tpu.dma_semaphore, #tpu.memory_space<semaphore_mem>>)
      %dma_wait3A_197 = arith.constant 0 : i32
      %dma_wait3A_198 = arith.constant 0 : i32
      %dma_wait3A_199 = tpu.memref_slice %arg6[%run_scoped3A_55, %dma_wait3A_197, %dma_wait3A_198] : memref<2x128x256xf32, #tpu.memory_space<vmem>> -> memref<1x128x256xf32, #tpu.memory_space<vmem>>
      %dma_wait3A_200 = tpu.memref_squeeze %dma_wait3A_199 : memref<1x128x256xf32, #tpu.memory_space<vmem>> -> memref<128x256xf32, #tpu.memory_space<vmem>>
      %dma_wait3A_201 = arith.constant 0 : i32
      %dma_wait3A_202 = tpu.memref_slice %arg4[%add3A_54, %dma_wait3A_201] : memref<32768x256xf32, #tpu.memory_space<hbm>> -> memref<128x256xf32, #tpu.memory_space<hbm>>
      %dma_wait3A_203 = arith.constant 0 : i32
      %dma_wait3A_204 = tpu.memref_slice %arg4[%add3A_54, %dma_wait3A_203] : memref<32768x256xf32, #tpu.memory_space<hbm>> -> memref<128x256xf32, #tpu.memory_space<hbm>>
      %dma_wait3A_205 = arith.constant 0 : i32
      %dma_wait3A_206 = arith.constant 0 : i32
      %dma_wait3A_207 = tpu.memref_slice %arg6[%run_scoped3A_55, %dma_wait3A_205, %dma_wait3A_206] : memref<2x128x256xf32, #tpu.memory_space<vmem>> -> memref<1x128x256xf32, #tpu.memory_space<vmem>>
      %dma_wait3A_208 = tpu.memref_squeeze %dma_wait3A_207 : memref<1x128x256xf32, #tpu.memory_space<vmem>> -> memref<128x256xf32, #tpu.memory_space<vmem>>
      tpu.wait_dma2 semaphore(%run_scoped3A_184 : memref<!tpu.dma_semaphore, #tpu.memory_space<semaphore_mem>>) src(%dma_wait3A_208 : memref<128x256xf32, #tpu.memory_space<vmem>>) dst(%dma_wait3A_204 : memref<128x256xf32, #tpu.memory_space<hbm>>)
      tpu.yield
    }) : () -> ()
    %dma_start3A_56 = arith.constant 1 : i32
    %dma_start3A_57 = arith.constant 0 : i32
    %dma_start3A_58 = arith.constant 0 : i32
    %dma_start3A_59 = tpu.memref_slice %arg6[%dma_start3A_56, %dma_start3A_57, %dma_start3A_58] : memref<2x128x256xf32, #tpu.memory_space<vmem>> -> memref<1x128x256xf32, #tpu.memory_space<vmem>>
    %dma_start3A_60 = tpu.memref_squeeze %dma_start3A_59 : memref<1x128x256xf32, #tpu.memory_space<vmem>> -> memref<128x256xf32, #tpu.memory_space<vmem>>
    %dma_start3A_61 = arith.constant 384 : i32
    %dma_start3A_62 = tpu.memref_slice %arg5[%dma_start3A_61] : memref<1024xi32, #tpu.memory_space<vmem>> -> memref<128xi32, #tpu.memory_space<vmem>>
    %dma_start3A_63 = arith.constant 0 : i32
    %dma_start3A_64 = arith.constant 0 : i32
    %dma_start3A_65 = tpu.memref_slice %arg2[%dma_start3A_63, %dma_start3A_64] : memref<8192x256xf32, #tpu.memory_space<hbm>> -> memref<8192x256xf32, #tpu.memory_space<hbm>>
    tpu.enqueue_indirect_dma source(%dma_start3A_65 : memref<8192x256xf32, #tpu.memory_space<hbm>>) target(%dma_start3A_60 : memref<128x256xf32, #tpu.memory_space<vmem>>) offsets(%dma_start3A_62 : memref<128xi32, #tpu.memory_space<vmem>>) semaphore(%arg8 : memref<!tpu.dma_semaphore, #tpu.memory_space<semaphore_mem>>)
    %dma_wait3A_66 = arith.constant 0 : i32
    %dma_wait3A_67 = arith.constant 0 : i32
    %dma_wait3A_68 = arith.constant 0 : i32
    %dma_wait3A_69 = tpu.memref_slice %arg6[%dma_wait3A_66, %dma_wait3A_67, %dma_wait3A_68] : memref<2x128x256xf32, #tpu.memory_space<vmem>> -> memref<1x128x256xf32, #tpu.memory_space<vmem>>
    %dma_wait3A_70 = tpu.memref_squeeze %dma_wait3A_69 : memref<1x128x256xf32, #tpu.memory_space<vmem>> -> memref<128x256xf32, #tpu.memory_space<vmem>>
    %dma_wait3A_71 = arith.constant 256 : i32
    %dma_wait3A_72 = tpu.memref_slice %arg5[%dma_wait3A_71] : memref<1024xi32, #tpu.memory_space<vmem>> -> memref<128xi32, #tpu.memory_space<vmem>>
    %dma_wait3A_73 = arith.constant 0 : i32
    %dma_wait3A_74 = arith.constant 0 : i32
    %dma_wait3A_75 = tpu.memref_slice %arg2[%dma_wait3A_73, %dma_wait3A_74] : memref<8192x256xf32, #tpu.memory_space<hbm>> -> memref<8192x256xf32, #tpu.memory_space<hbm>>
    tpu.wait_indirect_dma semaphore(%arg7 : memref<!tpu.dma_semaphore, #tpu.memory_space<semaphore_mem>>) src(%dma_wait3A_75 : memref<8192x256xf32, #tpu.memory_space<hbm>>) dst(%dma_wait3A_70 : memref<128x256xf32, #tpu.memory_space<vmem>>)
    %add3A_76 = arith.constant 256 : i32
    %add3A_77 = arith.addi %mul3A_2, %add3A_76 : i32
    %run_scoped3A_78 = arith.constant 0 : i32
    "tpu.region"() ({
      %run_scoped3A_184 = tpu.sem_alloc : memref<!tpu.dma_semaphore, #tpu.memory_space<semaphore_mem>>
      %dma_start3A_185 = arith.constant 0 : i32
      %dma_start3A_186 = arith.constant 0 : i32
      %dma_start3A_187 = tpu.memref_slice %arg6[%run_scoped3A_78, %dma_start3A_185, %dma_start3A_186] : memref<2x128x256xf32, #tpu.memory_space<vmem>> -> memref<1x128x256xf32, #tpu.memory_space<vmem>>
      %dma_start3A_188 = tpu.memref_squeeze %dma_start3A_187 : memref<1x128x256xf32, #tpu.memory_space<vmem>> -> memref<128x256xf32, #tpu.memory_space<vmem>>
      %dma_start3A_189 = arith.constant 0 : i32
      %dma_start3A_190 = tpu.memref_slice %arg4[%add3A_77, %dma_start3A_189] : memref<32768x256xf32, #tpu.memory_space<hbm>> -> memref<128x256xf32, #tpu.memory_space<hbm>>
      %dma_start3A_191 = arith.constant 0 : i32
      %dma_start3A_192 = tpu.memref_slice %arg4[%add3A_77, %dma_start3A_191] : memref<32768x256xf32, #tpu.memory_space<hbm>> -> memref<128x256xf32, #tpu.memory_space<hbm>>
      %dma_start3A_193 = arith.constant 0 : i32
      %dma_start3A_194 = arith.constant 0 : i32
      %dma_start3A_195 = tpu.memref_slice %arg6[%run_scoped3A_78, %dma_start3A_193, %dma_start3A_194] : memref<2x128x256xf32, #tpu.memory_space<vmem>> -> memref<1x128x256xf32, #tpu.memory_space<vmem>>
      %dma_start3A_196 = tpu.memref_squeeze %dma_start3A_195 : memref<1x128x256xf32, #tpu.memory_space<vmem>> -> memref<128x256xf32, #tpu.memory_space<vmem>>
      tpu.enqueue_dma source(%dma_start3A_196 : memref<128x256xf32, #tpu.memory_space<vmem>>) target(%dma_start3A_192 : memref<128x256xf32, #tpu.memory_space<hbm>>) target_semaphore(%run_scoped3A_184 : memref<!tpu.dma_semaphore, #tpu.memory_space<semaphore_mem>>)
      %dma_wait3A_197 = arith.constant 0 : i32
      %dma_wait3A_198 = arith.constant 0 : i32
      %dma_wait3A_199 = tpu.memref_slice %arg6[%run_scoped3A_78, %dma_wait3A_197, %dma_wait3A_198] : memref<2x128x256xf32, #tpu.memory_space<vmem>> -> memref<1x128x256xf32, #tpu.memory_space<vmem>>
      %dma_wait3A_200 = tpu.memref_squeeze %dma_wait3A_199 : memref<1x128x256xf32, #tpu.memory_space<vmem>> -> memref<128x256xf32, #tpu.memory_space<vmem>>
      %dma_wait3A_201 = arith.constant 0 : i32
      %dma_wait3A_202 = tpu.memref_slice %arg4[%add3A_77, %dma_wait3A_201] : memref<32768x256xf32, #tpu.memory_space<hbm>> -> memref<128x256xf32, #tpu.memory_space<hbm>>
      %dma_wait3A_203 = arith.constant 0 : i32
      %dma_wait3A_204 = tpu.memref_slice %arg4[%add3A_77, %dma_wait3A_203] : memref<32768x256xf32, #tpu.memory_space<hbm>> -> memref<128x256xf32, #tpu.memory_space<hbm>>
      %dma_wait3A_205 = arith.constant 0 : i32
      %dma_wait3A_206 = arith.constant 0 : i32
      %dma_wait3A_207 = tpu.memref_slice %arg6[%run_scoped3A_78, %dma_wait3A_205, %dma_wait3A_206] : memref<2x128x256xf32, #tpu.memory_space<vmem>> -> memref<1x128x256xf32, #tpu.memory_space<vmem>>
      %dma_wait3A_208 = tpu.memref_squeeze %dma_wait3A_207 : memref<1x128x256xf32, #tpu.memory_space<vmem>> -> memref<128x256xf32, #tpu.memory_space<vmem>>
      tpu.wait_dma2 semaphore(%run_scoped3A_184 : memref<!tpu.dma_semaphore, #tpu.memory_space<semaphore_mem>>) src(%dma_wait3A_208 : memref<128x256xf32, #tpu.memory_space<vmem>>) dst(%dma_wait3A_204 : memref<128x256xf32, #tpu.memory_space<hbm>>)
      tpu.yield
    }) : () -> ()
    %dma_start3A_79 = arith.constant 0 : i32
    %dma_start3A_80 = arith.constant 0 : i32
    %dma_start3A_81 = arith.constant 0 : i32
    %dma_start3A_82 = tpu.memref_slice %arg6[%dma_start3A_79, %dma_start3A_80, %dma_start3A_81] : memref<2x128x256xf32, #tpu.memory_space<vmem>> -> memref<1x128x256xf32, #tpu.memory_space<vmem>>
    %dma_start3A_83 = tpu.memref_squeeze %dma_start3A_82 : memref<1x128x256xf32, #tpu.memory_space<vmem>> -> memref<128x256xf32, #tpu.memory_space<vmem>>
    %dma_start3A_84 = arith.constant 512 : i32
    %dma_start3A_85 = tpu.memref_slice %arg5[%dma_start3A_84] : memref<1024xi32, #tpu.memory_space<vmem>> -> memref<128xi32, #tpu.memory_space<vmem>>
    %dma_start3A_86 = arith.constant 0 : i32
    %dma_start3A_87 = arith.constant 0 : i32
    %dma_start3A_88 = tpu.memref_slice %arg2[%dma_start3A_86, %dma_start3A_87] : memref<8192x256xf32, #tpu.memory_space<hbm>> -> memref<8192x256xf32, #tpu.memory_space<hbm>>
    tpu.enqueue_indirect_dma source(%dma_start3A_88 : memref<8192x256xf32, #tpu.memory_space<hbm>>) target(%dma_start3A_83 : memref<128x256xf32, #tpu.memory_space<vmem>>) offsets(%dma_start3A_85 : memref<128xi32, #tpu.memory_space<vmem>>) semaphore(%arg7 : memref<!tpu.dma_semaphore, #tpu.memory_space<semaphore_mem>>)
    %dma_wait3A_89 = arith.constant 1 : i32
    %dma_wait3A_90 = arith.constant 0 : i32
    %dma_wait3A_91 = arith.constant 0 : i32
    %dma_wait3A_92 = tpu.memref_slice %arg6[%dma_wait3A_89, %dma_wait3A_90, %dma_wait3A_91] : memref<2x128x256xf32, #tpu.memory_space<vmem>> -> memref<1x128x256xf32, #tpu.memory_space<vmem>>
    %dma_wait3A_93 = tpu.memref_squeeze %dma_wait3A_92 : memref<1x128x256xf32, #tpu.memory_space<vmem>> -> memref<128x256xf32, #tpu.memory_space<vmem>>
    %dma_wait3A_94 = arith.constant 384 : i32
    %dma_wait3A_95 = tpu.memref_slice %arg5[%dma_wait3A_94] : memref<1024xi32, #tpu.memory_space<vmem>> -> memref<128xi32, #tpu.memory_space<vmem>>
    %dma_wait3A_96 = arith.constant 0 : i32
    %dma_wait3A_97 = arith.constant 0 : i32
    %dma_wait3A_98 = tpu.memref_slice %arg2[%dma_wait3A_96, %dma_wait3A_97] : memref<8192x256xf32, #tpu.memory_space<hbm>> -> memref<8192x256xf32, #tpu.memory_space<hbm>>
    tpu.wait_indirect_dma semaphore(%arg8 : memref<!tpu.dma_semaphore, #tpu.memory_space<semaphore_mem>>) src(%dma_wait3A_98 : memref<8192x256xf32, #tpu.memory_space<hbm>>) dst(%dma_wait3A_93 : memref<128x256xf32, #tpu.memory_space<vmem>>)
    %add3A_99 = arith.constant 384 : i32
    %add3A_100 = arith.addi %mul3A_2, %add3A_99 : i32
    %run_scoped3A_101 = arith.constant 1 : i32
    "tpu.region"() ({
      %run_scoped3A_184 = tpu.sem_alloc : memref<!tpu.dma_semaphore, #tpu.memory_space<semaphore_mem>>
      %dma_start3A_185 = arith.constant 0 : i32
      %dma_start3A_186 = arith.constant 0 : i32
      %dma_start3A_187 = tpu.memref_slice %arg6[%run_scoped3A_101, %dma_start3A_185, %dma_start3A_186] : memref<2x128x256xf32, #tpu.memory_space<vmem>> -> memref<1x128x256xf32, #tpu.memory_space<vmem>>
      %dma_start3A_188 = tpu.memref_squeeze %dma_start3A_187 : memref<1x128x256xf32, #tpu.memory_space<vmem>> -> memref<128x256xf32, #tpu.memory_space<vmem>>
      %dma_start3A_189 = arith.constant 0 : i32
      %dma_start3A_190 = tpu.memref_slice %arg4[%add3A_100, %dma_start3A_189] : memref<32768x256xf32, #tpu.memory_space<hbm>> -> memref<128x256xf32, #tpu.memory_space<hbm>>
      %dma_start3A_191 = arith.constant 0 : i32
      %dma_start3A_192 = tpu.memref_slice %arg4[%add3A_100, %dma_start3A_191] : memref<32768x256xf32, #tpu.memory_space<hbm>> -> memref<128x256xf32, #tpu.memory_space<hbm>>
      %dma_start3A_193 = arith.constant 0 : i32
      %dma_start3A_194 = arith.constant 0 : i32
      %dma_start3A_195 = tpu.memref_slice %arg6[%run_scoped3A_101, %dma_start3A_193, %dma_start3A_194] : memref<2x128x256xf32, #tpu.memory_space<vmem>> -> memref<1x128x256xf32, #tpu.memory_space<vmem>>
      %dma_start3A_196 = tpu.memref_squeeze %dma_start3A_195 : memref<1x128x256xf32, #tpu.memory_space<vmem>> -> memref<128x256xf32, #tpu.memory_space<vmem>>
      tpu.enqueue_dma source(%dma_start3A_196 : memref<128x256xf32, #tpu.memory_space<vmem>>) target(%dma_start3A_192 : memref<128x256xf32, #tpu.memory_space<hbm>>) target_semaphore(%run_scoped3A_184 : memref<!tpu.dma_semaphore, #tpu.memory_space<semaphore_mem>>)
      %dma_wait3A_197 = arith.constant 0 : i32
      %dma_wait3A_198 = arith.constant 0 : i32
      %dma_wait3A_199 = tpu.memref_slice %arg6[%run_scoped3A_101, %dma_wait3A_197, %dma_wait3A_198] : memref<2x128x256xf32, #tpu.memory_space<vmem>> -> memref<1x128x256xf32, #tpu.memory_space<vmem>>
      %dma_wait3A_200 = tpu.memref_squeeze %dma_wait3A_199 : memref<1x128x256xf32, #tpu.memory_space<vmem>> -> memref<128x256xf32, #tpu.memory_space<vmem>>
      %dma_wait3A_201 = arith.constant 0 : i32
      %dma_wait3A_202 = tpu.memref_slice %arg4[%add3A_100, %dma_wait3A_201] : memref<32768x256xf32, #tpu.memory_space<hbm>> -> memref<128x256xf32, #tpu.memory_space<hbm>>
      %dma_wait3A_203 = arith.constant 0 : i32
      %dma_wait3A_204 = tpu.memref_slice %arg4[%add3A_100, %dma_wait3A_203] : memref<32768x256xf32, #tpu.memory_space<hbm>> -> memref<128x256xf32, #tpu.memory_space<hbm>>
      %dma_wait3A_205 = arith.constant 0 : i32
      %dma_wait3A_206 = arith.constant 0 : i32
      %dma_wait3A_207 = tpu.memref_slice %arg6[%run_scoped3A_101, %dma_wait3A_205, %dma_wait3A_206] : memref<2x128x256xf32, #tpu.memory_space<vmem>> -> memref<1x128x256xf32, #tpu.memory_space<vmem>>
      %dma_wait3A_208 = tpu.memref_squeeze %dma_wait3A_207 : memref<1x128x256xf32, #tpu.memory_space<vmem>> -> memref<128x256xf32, #tpu.memory_space<vmem>>
      tpu.wait_dma2 semaphore(%run_scoped3A_184 : memref<!tpu.dma_semaphore, #tpu.memory_space<semaphore_mem>>) src(%dma_wait3A_208 : memref<128x256xf32, #tpu.memory_space<vmem>>) dst(%dma_wait3A_204 : memref<128x256xf32, #tpu.memory_space<hbm>>)
      tpu.yield
    }) : () -> ()
    %dma_start3A_102 = arith.constant 1 : i32
    %dma_start3A_103 = arith.constant 0 : i32
    %dma_start3A_104 = arith.constant 0 : i32
    %dma_start3A_105 = tpu.memref_slice %arg6[%dma_start3A_102, %dma_start3A_103, %dma_start3A_104] : memref<2x128x256xf32, #tpu.memory_space<vmem>> -> memref<1x128x256xf32, #tpu.memory_space<vmem>>
    %dma_start3A_106 = tpu.memref_squeeze %dma_start3A_105 : memref<1x128x256xf32, #tpu.memory_space<vmem>> -> memref<128x256xf32, #tpu.memory_space<vmem>>
    %dma_start3A_107 = arith.constant 640 : i32
    %dma_start3A_108 = tpu.memref_slice %arg5[%dma_start3A_107] : memref<1024xi32, #tpu.memory_space<vmem>> -> memref<128xi32, #tpu.memory_space<vmem>>
    %dma_start3A_109 = arith.constant 0 : i32
    %dma_start3A_110 = arith.constant 0 : i32
    %dma_start3A_111 = tpu.memref_slice %arg2[%dma_start3A_109, %dma_start3A_110] : memref<8192x256xf32, #tpu.memory_space<hbm>> -> memref<8192x256xf32, #tpu.memory_space<hbm>>
    tpu.enqueue_indirect_dma source(%dma_start3A_111 : memref<8192x256xf32, #tpu.memory_space<hbm>>) target(%dma_start3A_106 : memref<128x256xf32, #tpu.memory_space<vmem>>) offsets(%dma_start3A_108 : memref<128xi32, #tpu.memory_space<vmem>>) semaphore(%arg8 : memref<!tpu.dma_semaphore, #tpu.memory_space<semaphore_mem>>)
    %dma_wait3A_112 = arith.constant 0 : i32
    %dma_wait3A_113 = arith.constant 0 : i32
    %dma_wait3A_114 = arith.constant 0 : i32
    %dma_wait3A_115 = tpu.memref_slice %arg6[%dma_wait3A_112, %dma_wait3A_113, %dma_wait3A_114] : memref<2x128x256xf32, #tpu.memory_space<vmem>> -> memref<1x128x256xf32, #tpu.memory_space<vmem>>
    %dma_wait3A_116 = tpu.memref_squeeze %dma_wait3A_115 : memref<1x128x256xf32, #tpu.memory_space<vmem>> -> memref<128x256xf32, #tpu.memory_space<vmem>>
    %dma_wait3A_117 = arith.constant 512 : i32
    %dma_wait3A_118 = tpu.memref_slice %arg5[%dma_wait3A_117] : memref<1024xi32, #tpu.memory_space<vmem>> -> memref<128xi32, #tpu.memory_space<vmem>>
    %dma_wait3A_119 = arith.constant 0 : i32
    %dma_wait3A_120 = arith.constant 0 : i32
    %dma_wait3A_121 = tpu.memref_slice %arg2[%dma_wait3A_119, %dma_wait3A_120] : memref<8192x256xf32, #tpu.memory_space<hbm>> -> memref<8192x256xf32, #tpu.memory_space<hbm>>
    tpu.wait_indirect_dma semaphore(%arg7 : memref<!tpu.dma_semaphore, #tpu.memory_space<semaphore_mem>>) src(%dma_wait3A_121 : memref<8192x256xf32, #tpu.memory_space<hbm>>) dst(%dma_wait3A_116 : memref<128x256xf32, #tpu.memory_space<vmem>>)
    %add3A_122 = arith.constant 512 : i32
    %add3A_123 = arith.addi %mul3A_2, %add3A_122 : i32
    %run_scoped3A_124 = arith.constant 0 : i32
    "tpu.region"() ({
      %run_scoped3A_184 = tpu.sem_alloc : memref<!tpu.dma_semaphore, #tpu.memory_space<semaphore_mem>>
      %dma_start3A_185 = arith.constant 0 : i32
      %dma_start3A_186 = arith.constant 0 : i32
      %dma_start3A_187 = tpu.memref_slice %arg6[%run_scoped3A_124, %dma_start3A_185, %dma_start3A_186] : memref<2x128x256xf32, #tpu.memory_space<vmem>> -> memref<1x128x256xf32, #tpu.memory_space<vmem>>
      %dma_start3A_188 = tpu.memref_squeeze %dma_start3A_187 : memref<1x128x256xf32, #tpu.memory_space<vmem>> -> memref<128x256xf32, #tpu.memory_space<vmem>>
      %dma_start3A_189 = arith.constant 0 : i32
      %dma_start3A_190 = tpu.memref_slice %arg4[%add3A_123, %dma_start3A_189] : memref<32768x256xf32, #tpu.memory_space<hbm>> -> memref<128x256xf32, #tpu.memory_space<hbm>>
      %dma_start3A_191 = arith.constant 0 : i32
      %dma_start3A_192 = tpu.memref_slice %arg4[%add3A_123, %dma_start3A_191] : memref<32768x256xf32, #tpu.memory_space<hbm>> -> memref<128x256xf32, #tpu.memory_space<hbm>>
      %dma_start3A_193 = arith.constant 0 : i32
      %dma_start3A_194 = arith.constant 0 : i32
      %dma_start3A_195 = tpu.memref_slice %arg6[%run_scoped3A_124, %dma_start3A_193, %dma_start3A_194] : memref<2x128x256xf32, #tpu.memory_space<vmem>> -> memref<1x128x256xf32, #tpu.memory_space<vmem>>
      %dma_start3A_196 = tpu.memref_squeeze %dma_start3A_195 : memref<1x128x256xf32, #tpu.memory_space<vmem>> -> memref<128x256xf32, #tpu.memory_space<vmem>>
      tpu.enqueue_dma source(%dma_start3A_196 : memref<128x256xf32, #tpu.memory_space<vmem>>) target(%dma_start3A_192 : memref<128x256xf32, #tpu.memory_space<hbm>>) target_semaphore(%run_scoped3A_184 : memref<!tpu.dma_semaphore, #tpu.memory_space<semaphore_mem>>)
      %dma_wait3A_197 = arith.constant 0 : i32
      %dma_wait3A_198 = arith.constant 0 : i32
      %dma_wait3A_199 = tpu.memref_slice %arg6[%run_scoped3A_124, %dma_wait3A_197, %dma_wait3A_198] : memref<2x128x256xf32, #tpu.memory_space<vmem>> -> memref<1x128x256xf32, #tpu.memory_space<vmem>>
      %dma_wait3A_200 = tpu.memref_squeeze %dma_wait3A_199 : memref<1x128x256xf32, #tpu.memory_space<vmem>> -> memref<128x256xf32, #tpu.memory_space<vmem>>
      %dma_wait3A_201 = arith.constant 0 : i32
      %dma_wait3A_202 = tpu.memref_slice %arg4[%add3A_123, %dma_wait3A_201] : memref<32768x256xf32, #tpu.memory_space<hbm>> -> memref<128x256xf32, #tpu.memory_space<hbm>>
      %dma_wait3A_203 = arith.constant 0 : i32
      %dma_wait3A_204 = tpu.memref_slice %arg4[%add3A_123, %dma_wait3A_203] : memref<32768x256xf32, #tpu.memory_space<hbm>> -> memref<128x256xf32, #tpu.memory_space<hbm>>
      %dma_wait3A_205 = arith.constant 0 : i32
      %dma_wait3A_206 = arith.constant 0 : i32
      %dma_wait3A_207 = tpu.memref_slice %arg6[%run_scoped3A_124, %dma_wait3A_205, %dma_wait3A_206] : memref<2x128x256xf32, #tpu.memory_space<vmem>> -> memref<1x128x256xf32, #tpu.memory_space<vmem>>
      %dma_wait3A_208 = tpu.memref_squeeze %dma_wait3A_207 : memref<1x128x256xf32, #tpu.memory_space<vmem>> -> memref<128x256xf32, #tpu.memory_space<vmem>>
      tpu.wait_dma2 semaphore(%run_scoped3A_184 : memref<!tpu.dma_semaphore, #tpu.memory_space<semaphore_mem>>) src(%dma_wait3A_208 : memref<128x256xf32, #tpu.memory_space<vmem>>) dst(%dma_wait3A_204 : memref<128x256xf32, #tpu.memory_space<hbm>>)
      tpu.yield
    }) : () -> ()
    %dma_start3A_125 = arith.constant 0 : i32
    %dma_start3A_126 = arith.constant 0 : i32
    %dma_start3A_127 = arith.constant 0 : i32
    %dma_start3A_128 = tpu.memref_slice %arg6[%dma_start3A_125, %dma_start3A_126, %dma_start3A_127] : memref<2x128x256xf32, #tpu.memory_space<vmem>> -> memref<1x128x256xf32, #tpu.memory_space<vmem>>
    %dma_start3A_129 = tpu.memref_squeeze %dma_start3A_128 : memref<1x128x256xf32, #tpu.memory_space<vmem>> -> memref<128x256xf32, #tpu.memory_space<vmem>>
    %dma_start3A_130 = arith.constant 768 : i32
    %dma_start3A_131 = tpu.memref_slice %arg5[%dma_start3A_130] : memref<1024xi32, #tpu.memory_space<vmem>> -> memref<128xi32, #tpu.memory_space<vmem>>
    %dma_start3A_132 = arith.constant 0 : i32
    %dma_start3A_133 = arith.constant 0 : i32
    %dma_start3A_134 = tpu.memref_slice %arg2[%dma_start3A_132, %dma_start3A_133] : memref<8192x256xf32, #tpu.memory_space<hbm>> -> memref<8192x256xf32, #tpu.memory_space<hbm>>
    tpu.enqueue_indirect_dma source(%dma_start3A_134 : memref<8192x256xf32, #tpu.memory_space<hbm>>) target(%dma_start3A_129 : memref<128x256xf32, #tpu.memory_space<vmem>>) offsets(%dma_start3A_131 : memref<128xi32, #tpu.memory_space<vmem>>) semaphore(%arg7 : memref<!tpu.dma_semaphore, #tpu.memory_space<semaphore_mem>>)
    %dma_wait3A_135 = arith.constant 1 : i32
    %dma_wait3A_136 = arith.constant 0 : i32
    %dma_wait3A_137 = arith.constant 0 : i32
    %dma_wait3A_138 = tpu.memref_slice %arg6[%dma_wait3A_135, %dma_wait3A_136, %dma_wait3A_137] : memref<2x128x256xf32, #tpu.memory_space<vmem>> -> memref<1x128x256xf32, #tpu.memory_space<vmem>>
    %dma_wait3A_139 = tpu.memref_squeeze %dma_wait3A_138 : memref<1x128x256xf32, #tpu.memory_space<vmem>> -> memref<128x256xf32, #tpu.memory_space<vmem>>
    %dma_wait3A_140 = arith.constant 640 : i32
    %dma_wait3A_141 = tpu.memref_slice %arg5[%dma_wait3A_140] : memref<1024xi32, #tpu.memory_space<vmem>> -> memref<128xi32, #tpu.memory_space<vmem>>
    %dma_wait3A_142 = arith.constant 0 : i32
    %dma_wait3A_143 = arith.constant 0 : i32
    %dma_wait3A_144 = tpu.memref_slice %arg2[%dma_wait3A_142, %dma_wait3A_143] : memref<8192x256xf32, #tpu.memory_space<hbm>> -> memref<8192x256xf32, #tpu.memory_space<hbm>>
    tpu.wait_indirect_dma semaphore(%arg8 : memref<!tpu.dma_semaphore, #tpu.memory_space<semaphore_mem>>) src(%dma_wait3A_144 : memref<8192x256xf32, #tpu.memory_space<hbm>>) dst(%dma_wait3A_139 : memref<128x256xf32, #tpu.memory_space<vmem>>)
    %add3A_145 = arith.constant 640 : i32
    %add3A_146 = arith.addi %mul3A_2, %add3A_145 : i32
    %run_scoped3A_147 = arith.constant 1 : i32
    "tpu.region"() ({
      %run_scoped3A_184 = tpu.sem_alloc : memref<!tpu.dma_semaphore, #tpu.memory_space<semaphore_mem>>
      %dma_start3A_185 = arith.constant 0 : i32
      %dma_start3A_186 = arith.constant 0 : i32
      %dma_start3A_187 = tpu.memref_slice %arg6[%run_scoped3A_147, %dma_start3A_185, %dma_start3A_186] : memref<2x128x256xf32, #tpu.memory_space<vmem>> -> memref<1x128x256xf32, #tpu.memory_space<vmem>>
      %dma_start3A_188 = tpu.memref_squeeze %dma_start3A_187 : memref<1x128x256xf32, #tpu.memory_space<vmem>> -> memref<128x256xf32, #tpu.memory_space<vmem>>
      %dma_start3A_189 = arith.constant 0 : i32
      %dma_start3A_190 = tpu.memref_slice %arg4[%add3A_146, %dma_start3A_189] : memref<32768x256xf32, #tpu.memory_space<hbm>> -> memref<128x256xf32, #tpu.memory_space<hbm>>
      %dma_start3A_191 = arith.constant 0 : i32
      %dma_start3A_192 = tpu.memref_slice %arg4[%add3A_146, %dma_start3A_191] : memref<32768x256xf32, #tpu.memory_space<hbm>> -> memref<128x256xf32, #tpu.memory_space<hbm>>
      %dma_start3A_193 = arith.constant 0 : i32
      %dma_start3A_194 = arith.constant 0 : i32
      %dma_start3A_195 = tpu.memref_slice %arg6[%run_scoped3A_147, %dma_start3A_193, %dma_start3A_194] : memref<2x128x256xf32, #tpu.memory_space<vmem>> -> memref<1x128x256xf32, #tpu.memory_space<vmem>>
      %dma_start3A_196 = tpu.memref_squeeze %dma_start3A_195 : memref<1x128x256xf32, #tpu.memory_space<vmem>> -> memref<128x256xf32, #tpu.memory_space<vmem>>
      tpu.enqueue_dma source(%dma_start3A_196 : memref<128x256xf32, #tpu.memory_space<vmem>>) target(%dma_start3A_192 : memref<128x256xf32, #tpu.memory_space<hbm>>) target_semaphore(%run_scoped3A_184 : memref<!tpu.dma_semaphore, #tpu.memory_space<semaphore_mem>>)
      %dma_wait3A_197 = arith.constant 0 : i32
      %dma_wait3A_198 = arith.constant 0 : i32
      %dma_wait3A_199 = tpu.memref_slice %arg6[%run_scoped3A_147, %dma_wait3A_197, %dma_wait3A_198] : memref<2x128x256xf32, #tpu.memory_space<vmem>> -> memref<1x128x256xf32, #tpu.memory_space<vmem>>
      %dma_wait3A_200 = tpu.memref_squeeze %dma_wait3A_199 : memref<1x128x256xf32, #tpu.memory_space<vmem>> -> memref<128x256xf32, #tpu.memory_space<vmem>>
      %dma_wait3A_201 = arith.constant 0 : i32
      %dma_wait3A_202 = tpu.memref_slice %arg4[%add3A_146, %dma_wait3A_201] : memref<32768x256xf32, #tpu.memory_space<hbm>> -> memref<128x256xf32, #tpu.memory_space<hbm>>
      %dma_wait3A_203 = arith.constant 0 : i32
      %dma_wait3A_204 = tpu.memref_slice %arg4[%add3A_146, %dma_wait3A_203] : memref<32768x256xf32, #tpu.memory_space<hbm>> -> memref<128x256xf32, #tpu.memory_space<hbm>>
      %dma_wait3A_205 = arith.constant 0 : i32
      %dma_wait3A_206 = arith.constant 0 : i32
      %dma_wait3A_207 = tpu.memref_slice %arg6[%run_scoped3A_147, %dma_wait3A_205, %dma_wait3A_206] : memref<2x128x256xf32, #tpu.memory_space<vmem>> -> memref<1x128x256xf32, #tpu.memory_space<vmem>>
      %dma_wait3A_208 = tpu.memref_squeeze %dma_wait3A_207 : memref<1x128x256xf32, #tpu.memory_space<vmem>> -> memref<128x256xf32, #tpu.memory_space<vmem>>
      tpu.wait_dma2 semaphore(%run_scoped3A_184 : memref<!tpu.dma_semaphore, #tpu.memory_space<semaphore_mem>>) src(%dma_wait3A_208 : memref<128x256xf32, #tpu.memory_space<vmem>>) dst(%dma_wait3A_204 : memref<128x256xf32, #tpu.memory_space<hbm>>)
      tpu.yield
    }) : () -> ()
    %dma_start3A_148 = arith.constant 1 : i32
    %dma_start3A_149 = arith.constant 0 : i32
    %dma_start3A_150 = arith.constant 0 : i32
    %dma_start3A_151 = tpu.memref_slice %arg6[%dma_start3A_148, %dma_start3A_149, %dma_start3A_150] : memref<2x128x256xf32, #tpu.memory_space<vmem>> -> memref<1x128x256xf32, #tpu.memory_space<vmem>>
    %dma_start3A_152 = tpu.memref_squeeze %dma_start3A_151 : memref<1x128x256xf32, #tpu.memory_space<vmem>> -> memref<128x256xf32, #tpu.memory_space<vmem>>
    %dma_start3A_153 = arith.constant 896 : i32
    %dma_start3A_154 = tpu.memref_slice %arg5[%dma_start3A_153] : memref<1024xi32, #tpu.memory_space<vmem>> -> memref<128xi32, #tpu.memory_space<vmem>>
    %dma_start3A_155 = arith.constant 0 : i32
    %dma_start3A_156 = arith.constant 0 : i32
    %dma_start3A_157 = tpu.memref_slice %arg2[%dma_start3A_155, %dma_start3A_156] : memref<8192x256xf32, #tpu.memory_space<hbm>> -> memref<8192x256xf32, #tpu.memory_space<hbm>>
    tpu.enqueue_indirect_dma source(%dma_start3A_157 : memref<8192x256xf32, #tpu.memory_space<hbm>>) target(%dma_start3A_152 : memref<128x256xf32, #tpu.memory_space<vmem>>) offsets(%dma_start3A_154 : memref<128xi32, #tpu.memory_space<vmem>>) semaphore(%arg8 : memref<!tpu.dma_semaphore, #tpu.memory_space<semaphore_mem>>)
    %dma_wait3A_158 = arith.constant 0 : i32
    %dma_wait3A_159 = arith.constant 0 : i32
    %dma_wait3A_160 = arith.constant 0 : i32
    %dma_wait3A_161 = tpu.memref_slice %arg6[%dma_wait3A_158, %dma_wait3A_159, %dma_wait3A_160] : memref<2x128x256xf32, #tpu.memory_space<vmem>> -> memref<1x128x256xf32, #tpu.memory_space<vmem>>
    %dma_wait3A_162 = tpu.memref_squeeze %dma_wait3A_161 : memref<1x128x256xf32, #tpu.memory_space<vmem>> -> memref<128x256xf32, #tpu.memory_space<vmem>>
    %dma_wait3A_163 = arith.constant 768 : i32
    %dma_wait3A_164 = tpu.memref_slice %arg5[%dma_wait3A_163] : memref<1024xi32, #tpu.memory_space<vmem>> -> memref<128xi32, #tpu.memory_space<vmem>>
    %dma_wait3A_165 = arith.constant 0 : i32
    %dma_wait3A_166 = arith.constant 0 : i32
    %dma_wait3A_167 = tpu.memref_slice %arg2[%dma_wait3A_165, %dma_wait3A_166] : memref<8192x256xf32, #tpu.memory_space<hbm>> -> memref<8192x256xf32, #tpu.memory_space<hbm>>
    tpu.wait_indirect_dma semaphore(%arg7 : memref<!tpu.dma_semaphore, #tpu.memory_space<semaphore_mem>>) src(%dma_wait3A_167 : memref<8192x256xf32, #tpu.memory_space<hbm>>) dst(%dma_wait3A_162 : memref<128x256xf32, #tpu.memory_space<vmem>>)
    %add3A_168 = arith.constant 768 : i32
    %add3A_169 = arith.addi %mul3A_2, %add3A_168 : i32
    %run_scoped3A_170 = arith.constant 0 : i32
    "tpu.region"() ({
      %run_scoped3A_184 = tpu.sem_alloc : memref<!tpu.dma_semaphore, #tpu.memory_space<semaphore_mem>>
      %dma_start3A_185 = arith.constant 0 : i32
      %dma_start3A_186 = arith.constant 0 : i32
      %dma_start3A_187 = tpu.memref_slice %arg6[%run_scoped3A_170, %dma_start3A_185, %dma_start3A_186] : memref<2x128x256xf32, #tpu.memory_space<vmem>> -> memref<1x128x256xf32, #tpu.memory_space<vmem>>
      %dma_start3A_188 = tpu.memref_squeeze %dma_start3A_187 : memref<1x128x256xf32, #tpu.memory_space<vmem>> -> memref<128x256xf32, #tpu.memory_space<vmem>>
      %dma_start3A_189 = arith.constant 0 : i32
      %dma_start3A_190 = tpu.memref_slice %arg4[%add3A_169, %dma_start3A_189] : memref<32768x256xf32, #tpu.memory_space<hbm>> -> memref<128x256xf32, #tpu.memory_space<hbm>>
      %dma_start3A_191 = arith.constant 0 : i32
      %dma_start3A_192 = tpu.memref_slice %arg4[%add3A_169, %dma_start3A_191] : memref<32768x256xf32, #tpu.memory_space<hbm>> -> memref<128x256xf32, #tpu.memory_space<hbm>>
      %dma_start3A_193 = arith.constant 0 : i32
      %dma_start3A_194 = arith.constant 0 : i32
      %dma_start3A_195 = tpu.memref_slice %arg6[%run_scoped3A_170, %dma_start3A_193, %dma_start3A_194] : memref<2x128x256xf32, #tpu.memory_space<vmem>> -> memref<1x128x256xf32, #tpu.memory_space<vmem>>
      %dma_start3A_196 = tpu.memref_squeeze %dma_start3A_195 : memref<1x128x256xf32, #tpu.memory_space<vmem>> -> memref<128x256xf32, #tpu.memory_space<vmem>>
      tpu.enqueue_dma source(%dma_start3A_196 : memref<128x256xf32, #tpu.memory_space<vmem>>) target(%dma_start3A_192 : memref<128x256xf32, #tpu.memory_space<hbm>>) target_semaphore(%run_scoped3A_184 : memref<!tpu.dma_semaphore, #tpu.memory_space<semaphore_mem>>)
      %dma_wait3A_197 = arith.constant 0 : i32
      %dma_wait3A_198 = arith.constant 0 : i32
      %dma_wait3A_199 = tpu.memref_slice %arg6[%run_scoped3A_170, %dma_wait3A_197, %dma_wait3A_198] : memref<2x128x256xf32, #tpu.memory_space<vmem>> -> memref<1x128x256xf32, #tpu.memory_space<vmem>>
      %dma_wait3A_200 = tpu.memref_squeeze %dma_wait3A_199 : memref<1x128x256xf32, #tpu.memory_space<vmem>> -> memref<128x256xf32, #tpu.memory_space<vmem>>
      %dma_wait3A_201 = arith.constant 0 : i32
      %dma_wait3A_202 = tpu.memref_slice %arg4[%add3A_169, %dma_wait3A_201] : memref<32768x256xf32, #tpu.memory_space<hbm>> -> memref<128x256xf32, #tpu.memory_space<hbm>>
      %dma_wait3A_203 = arith.constant 0 : i32
      %dma_wait3A_204 = tpu.memref_slice %arg4[%add3A_169, %dma_wait3A_203] : memref<32768x256xf32, #tpu.memory_space<hbm>> -> memref<128x256xf32, #tpu.memory_space<hbm>>
      %dma_wait3A_205 = arith.constant 0 : i32
      %dma_wait3A_206 = arith.constant 0 : i32
      %dma_wait3A_207 = tpu.memref_slice %arg6[%run_scoped3A_170, %dma_wait3A_205, %dma_wait3A_206] : memref<2x128x256xf32, #tpu.memory_space<vmem>> -> memref<1x128x256xf32, #tpu.memory_space<vmem>>
      %dma_wait3A_208 = tpu.memref_squeeze %dma_wait3A_207 : memref<1x128x256xf32, #tpu.memory_space<vmem>> -> memref<128x256xf32, #tpu.memory_space<vmem>>
      tpu.wait_dma2 semaphore(%run_scoped3A_184 : memref<!tpu.dma_semaphore, #tpu.memory_space<semaphore_mem>>) src(%dma_wait3A_208 : memref<128x256xf32, #tpu.memory_space<vmem>>) dst(%dma_wait3A_204 : memref<128x256xf32, #tpu.memory_space<hbm>>)
      tpu.yield
    }) : () -> ()
    %dma_wait3A_171 = arith.constant 1 : i32
    %dma_wait3A_172 = arith.constant 0 : i32
    %dma_wait3A_173 = arith.constant 0 : i32
    %dma_wait3A_174 = tpu.memref_slice %arg6[%dma_wait3A_171, %dma_wait3A_172, %dma_wait3A_173] : memref<2x128x256xf32, #tpu.memory_space<vmem>> -> memref<1x128x256xf32, #tpu.memory_space<vmem>>
    %dma_wait3A_175 = tpu.memref_squeeze %dma_wait3A_174 : memref<1x128x256xf32, #tpu.memory_space<vmem>> -> memref<128x256xf32, #tpu.memory_space<vmem>>
    %dma_wait3A_176 = arith.constant 896 : i32
    %dma_wait3A_177 = tpu.memref_slice %arg5[%dma_wait3A_176] : memref<1024xi32, #tpu.memory_space<vmem>> -> memref<128xi32, #tpu.memory_space<vmem>>
    %dma_wait3A_178 = arith.constant 0 : i32
    %dma_wait3A_179 = arith.constant 0 : i32
    %dma_wait3A_180 = tpu.memref_slice %arg2[%dma_wait3A_178, %dma_wait3A_179] : memref<8192x256xf32, #tpu.memory_space<hbm>> -> memref<8192x256xf32, #tpu.memory_space<hbm>>
    tpu.wait_indirect_dma semaphore(%arg8 : memref<!tpu.dma_semaphore, #tpu.memory_space<semaphore_mem>>) src(%dma_wait3A_180 : memref<8192x256xf32, #tpu.memory_space<hbm>>) dst(%dma_wait3A_175 : memref<128x256xf32, #tpu.memory_space<vmem>>)
    %add3A_181 = arith.constant 896 : i32
    %add3A_182 = arith.addi %mul3A_2, %add3A_181 : i32
    %run_scoped3A_183 = arith.constant 1 : i32
    "tpu.region"() ({
      %run_scoped3A_184 = tpu.sem_alloc : memref<!tpu.dma_semaphore, #tpu.memory_space<semaphore_mem>>
      %dma_start3A_185 = arith.constant 0 : i32
      %dma_start3A_186 = arith.constant 0 : i32
      %dma_start3A_187 = tpu.memref_slice %arg6[%run_scoped3A_183, %dma_start3A_185, %dma_start3A_186] : memref<2x128x256xf32, #tpu.memory_space<vmem>> -> memref<1x128x256xf32, #tpu.memory_space<vmem>>
      %dma_start3A_188 = tpu.memref_squeeze %dma_start3A_187 : memref<1x128x256xf32, #tpu.memory_space<vmem>> -> memref<128x256xf32, #tpu.memory_space<vmem>>
      %dma_start3A_189 = arith.constant 0 : i32
      %dma_start3A_190 = tpu.memref_slice %arg4[%add3A_182, %dma_start3A_189] : memref<32768x256xf32, #tpu.memory_space<hbm>> -> memref<128x256xf32, #tpu.memory_space<hbm>>
      %dma_start3A_191 = arith.constant 0 : i32
      %dma_start3A_192 = tpu.memref_slice %arg4[%add3A_182, %dma_start3A_191] : memref<32768x256xf32, #tpu.memory_space<hbm>> -> memref<128x256xf32, #tpu.memory_space<hbm>>
      %dma_start3A_193 = arith.constant 0 : i32
      %dma_start3A_194 = arith.constant 0 : i32
      %dma_start3A_195 = tpu.memref_slice %arg6[%run_scoped3A_183, %dma_start3A_193, %dma_start3A_194] : memref<2x128x256xf32, #tpu.memory_space<vmem>> -> memref<1x128x256xf32, #tpu.memory_space<vmem>>
      %dma_start3A_196 = tpu.memref_squeeze %dma_start3A_195 : memref<1x128x256xf32, #tpu.memory_space<vmem>> -> memref<128x256xf32, #tpu.memory_space<vmem>>
      tpu.enqueue_dma source(%dma_start3A_196 : memref<128x256xf32, #tpu.memory_space<vmem>>) target(%dma_start3A_192 : memref<128x256xf32, #tpu.memory_space<hbm>>) target_semaphore(%run_scoped3A_184 : memref<!tpu.dma_semaphore, #tpu.memory_space<semaphore_mem>>)
      %dma_wait3A_197 = arith.constant 0 : i32
      %dma_wait3A_198 = arith.constant 0 : i32
      %dma_wait3A_199 = tpu.memref_slice %arg6[%run_scoped3A_183, %dma_wait3A_197, %dma_wait3A_198] : memref<2x128x256xf32, #tpu.memory_space<vmem>> -> memref<1x128x256xf32, #tpu.memory_space<vmem>>
      %dma_wait3A_200 = tpu.memref_squeeze %dma_wait3A_199 : memref<1x128x256xf32, #tpu.memory_space<vmem>> -> memref<128x256xf32, #tpu.memory_space<vmem>>
      %dma_wait3A_201 = arith.constant 0 : i32
      %dma_wait3A_202 = tpu.memref_slice %arg4[%add3A_182, %dma_wait3A_201] : memref<32768x256xf32, #tpu.memory_space<hbm>> -> memref<128x256xf32, #tpu.memory_space<hbm>>
      %dma_wait3A_203 = arith.constant 0 : i32
      %dma_wait3A_204 = tpu.memref_slice %arg4[%add3A_182, %dma_wait3A_203] : memref<32768x256xf32, #tpu.memory_space<hbm>> -> memref<128x256xf32, #tpu.memory_space<hbm>>
      %dma_wait3A_205 = arith.constant 0 : i32
      %dma_wait3A_206 = arith.constant 0 : i32
      %dma_wait3A_207 = tpu.memref_slice %arg6[%run_scoped3A_183, %dma_wait3A_205, %dma_wait3A_206] : memref<2x128x256xf32, #tpu.memory_space<vmem>> -> memref<1x128x256xf32, #tpu.memory_space<vmem>>
      %dma_wait3A_208 = tpu.memref_squeeze %dma_wait3A_207 : memref<1x128x256xf32, #tpu.memory_space<vmem>> -> memref<128x256xf32, #tpu.memory_space<vmem>>
      tpu.wait_dma2 semaphore(%run_scoped3A_184 : memref<!tpu.dma_semaphore, #tpu.memory_space<semaphore_mem>>) src(%dma_wait3A_208 : memref<128x256xf32, #tpu.memory_space<vmem>>) dst(%dma_wait3A_204 : memref<128x256xf32, #tpu.memory_space<hbm>>)
      tpu.yield
    }) : () -> ()
    return
  }
}

module attributes {stable_mosaic.version = 14 : i64} {
  func.func @_argmin_body(%arg0: i32, %arg1: memref<1024x256xf32, #tpu.memory_space<vmem>>, %arg2: memref<8192x256xf32, #tpu.memory_space<vmem>>, %arg3: memref<1x8192xf32, #tpu.memory_space<vmem>>, %arg4: memref<1024x1xi32, #tpu.memory_space<vmem>>, %arg5: memref<1024x8192xf32, #tpu.memory_space<vmem>>) attributes {dimension_semantics = [#tpu.dimension_semantics<arbitrary>], iteration_bounds = array<i64: 32>, scalar_prefetch = 0 : i64, scratch_operands = 1 : i64, tpu.core_type = #tpu.core_type<tc>, window_params = [{transform_indices = @transform_0, window_bounds = array<i64: 1024, 256>}, {pipeline_mode = #tpu.pipeline_mode<synchronous>, transform_indices = @transform_1, window_bounds = array<i64: 8192, 256>}, {pipeline_mode = #tpu.pipeline_mode<synchronous>, transform_indices = @transform_2, window_bounds = array<i64: 1, 8192>}, {transform_indices = @transform_3, window_bounds = array<i64: 1024, 1>}]} {
    %get3A = arith.constant 0 : index
    %get3A_0 = arith.constant 0 : index
    %get3A_1 = vector.load %arg1[%get3A, %get3A_0] : memref<1024x256xf32, #tpu.memory_space<vmem>>, vector<1024x256xf32>
    %mul3A = arith.constant -2.000000e+00 : f32
    %mul3A_2 = vector.broadcast %mul3A : f32 to vector<1024x256xf32>
    %mul3A_3 = arith.mulf %get3A_1, %mul3A_2 : vector<1024x256xf32>
    %get3A_4 = arith.constant 0 : index
    %get3A_5 = arith.constant 0 : index
    %get3A_6 = vector.load %arg2[%get3A_4, %get3A_5] : memref<8192x256xf32, #tpu.memory_space<vmem>>, vector<8192x256xf32>
    %dot_general3A = arith.constant dense<0.000000e+00> : vector<1024x8192xf32>
    %dot_general3A_7 = tpu.matmul %mul3A_3, %get3A_6, %dot_general3A {dimension_numbers = #tpu.dot_dimension_numbers<[1], [1], [0], [0], [0, 0, 1, 0], [], []>, transpose_lhs_hint = false} : vector<1024x256xf32>, vector<8192x256xf32>, vector<1024x8192xf32> -> vector<1024x8192xf32>
    %swap3A = arith.constant 0 : index
    %swap3A_8 = arith.constant 0 : index
    %swap3A_9 = vector.load %arg5[%swap3A, %swap3A_8] : memref<1024x8192xf32, #tpu.memory_space<vmem>>, vector<1024x8192xf32>
    tpu.vector_store %arg5[%swap3A, %swap3A_8], %dot_general3A_7 {strides = array<i32>} : memref<1024x8192xf32, #tpu.memory_space<vmem>>, vector<1024x8192xf32>,
    %iota3A = tpu.iota {dimensions = array<i32: 1>} : vector<1024x128xi32>
    %scan3A = arith.constant 0 : i32
    %mul3A_10 = arith.constant 1024 : i32
    %mul3A_11 = arith.muli %scan3A, %mul3A_10 : i32
    %get3A_12 = arith.index_cast %mul3A_11 : i32 to index
    %get3A_13 = arith.constant 0 : index
    %get3A_14 = vector.load %arg1[%get3A_12, %get3A_13] : memref<1024x256xf32, #tpu.memory_space<vmem>>, vector<1024x256xf32>
    %mul3A_15 = arith.mulf %get3A_14, %get3A_14 : vector<1024x256xf32>
    %reduce_sum3A = arith.constant dense<0.000000e+00> : vector<1024xf32>
    %reduce_sum3A_16 = vector.multi_reduction <add>, %mul3A_15, %reduce_sum3A [1] : vector<1024x256xf32> to vector<1024xf32>
    %broadcast_in_dim3A = vector.shape_cast %reduce_sum3A_16 : vector<1024xf32> to vector<1024x1xf32>
    %broadcast_in_dim3A_17 = arith.constant 0x7F800000 : f32
    %broadcast_in_dim3A_18 = vector.broadcast %broadcast_in_dim3A_17 : f32 to vector<1024x128xf32>
    %broadcast_in_dim3A_19 = arith.constant 0 : i32
    %broadcast_in_dim3A_20 = vector.broadcast %broadcast_in_dim3A_19 : i32 to vector<1024x128xi32>
    %mul3A_21 = arith.constant 1024 : i32
    %mul3A_22 = arith.muli %scan3A, %mul3A_21 : i32
    %get3A_23 = arith.index_cast %mul3A_22 : i32 to index
    %get3A_24 = arith.constant 0 : index
    %get3A_25 = vector.load %arg5[%get3A_23, %get3A_24] : memref<1024x8192xf32, #tpu.memory_space<vmem>>, vector<1024x128xf32>
    %get3A_26 = arith.constant 0 : index
    %get3A_27 = arith.constant 0 : index
    %get3A_28 = vector.load %arg3[%get3A_26, %get3A_27] : memref<1x8192xf32, #tpu.memory_space<vmem>>, vector<1x128xf32>
    %add3A = vector.broadcast %get3A_28 : vector<1x128xf32> to vector<1024x128xf32>
    %add3A_29 = arith.addf %add3A, %get3A_25 : vector<1024x128xf32>
    %add3A_30 = vector.broadcast %broadcast_in_dim3A : vector<1024x1xf32> to vector<1024x128xf32>
    %add3A_31 = arith.addf %add3A_29, %add3A_30 : vector<1024x128xf32>
    %lt3A = arith.cmpf olt, %add3A_31, %broadcast_in_dim3A_18 : vector<1024x128xf32>
    %jit3A = arith.constant 0 : i32
    %broadcast_in_dim3A_32 = vector.broadcast %jit3A : i32 to vector<1024x128xi32>
    %select_n3A = arith.select %lt3A, %broadcast_in_dim3A_32, %broadcast_in_dim3A_20 : vector<1024x128xi1>, vector<1024x128xi32>
    %min3A = arith.minimumf %broadcast_in_dim3A_18, %add3A_31 : vector<1024x128xf32>
    %mul3A_33 = arith.constant 1024 : i32
    %mul3A_34 = arith.muli %scan3A, %mul3A_33 : i32
    %get3A_35 = arith.index_cast %mul3A_34 : i32 to index
    %get3A_36 = arith.constant 128 : index
    %get3A_37 = vector.load %arg5[%get3A_35, %get3A_36] : memref<1024x8192xf32, #tpu.memory_space<vmem>>, vector<1024x128xf32>
    %get3A_38 = arith.constant 0 : index
    %get3A_39 = arith.constant 128 : index
    %get3A_40 = vector.load %arg3[%get3A_38, %get3A_39] : memref<1x8192xf32, #tpu.memory_space<vmem>>, vector<1x128xf32>
    %add3A_41 = vector.broadcast %get3A_40 : vector<1x128xf32> to vector<1024x128xf32>
    %add3A_42 = arith.addf %add3A_41, %get3A_37 : vector<1024x128xf32>
    %add3A_43 = vector.broadcast %broadcast_in_dim3A : vector<1024x1xf32> to vector<1024x128xf32>
    %add3A_44 = arith.addf %add3A_42, %add3A_43 : vector<1024x128xf32>
    %lt3A_45 = arith.cmpf olt, %add3A_44, %min3A : vector<1024x128xf32>
    %jit3A_46 = arith.constant 1 : i32
    %broadcast_in_dim3A_47 = vector.broadcast %jit3A_46 : i32 to vector<1024x128xi32>
    %select_n3A_48 = arith.select %lt3A_45, %broadcast_in_dim3A_47, %select_n3A : vector<1024x128xi1>, vector<1024x128xi32>
    %min3A_49 = arith.minimumf %min3A, %add3A_44 : vector<1024x128xf32>
    %mul3A_50 = arith.constant 1024 : i32
    %mul3A_51 = arith.muli %scan3A, %mul3A_50 : i32
    %get3A_52 = arith.index_cast %mul3A_51 : i32 to index
    %get3A_53 = arith.constant 256 : index
    %get3A_54 = vector.load %arg5[%get3A_52, %get3A_53] : memref<1024x8192xf32, #tpu.memory_space<vmem>>, vector<1024x128xf32>
    %get3A_55 = arith.constant 0 : index
    %get3A_56 = arith.constant 256 : index
    %get3A_57 = vector.load %arg3[%get3A_55, %get3A_56] : memref<1x8192xf32, #tpu.memory_space<vmem>>, vector<1x128xf32>
    %add3A_58 = vector.broadcast %get3A_57 : vector<1x128xf32> to vector<1024x128xf32>
    %add3A_59 = arith.addf %add3A_58, %get3A_54 : vector<1024x128xf32>
    %add3A_60 = vector.broadcast %broadcast_in_dim3A : vector<1024x1xf32> to vector<1024x128xf32>
    %add3A_61 = arith.addf %add3A_59, %add3A_60 : vector<1024x128xf32>
    %lt3A_62 = arith.cmpf olt, %add3A_61, %min3A_49 : vector<1024x128xf32>
    %jit3A_63 = arith.constant 2 : i32
    %broadcast_in_dim3A_64 = vector.broadcast %jit3A_63 : i32 to vector<1024x128xi32>
    %select_n3A_65 = arith.select %lt3A_62, %broadcast_in_dim3A_64, %select_n3A_48 : vector<1024x128xi1>, vector<1024x128xi32>
    %min3A_66 = arith.minimumf %min3A_49, %add3A_61 : vector<1024x128xf32>
    %mul3A_67 = arith.constant 1024 : i32
    %mul3A_68 = arith.muli %scan3A, %mul3A_67 : i32
    %get3A_69 = arith.index_cast %mul3A_68 : i32 to index
    %get3A_70 = arith.constant 384 : index
    %get3A_71 = vector.load %arg5[%get3A_69, %get3A_70] : memref<1024x8192xf32, #tpu.memory_space<vmem>>, vector<1024x128xf32>
    %get3A_72 = arith.constant 0 : index
    %get3A_73 = arith.constant 384 : index
    %get3A_74 = vector.load %arg3[%get3A_72, %get3A_73] : memref<1x8192xf32, #tpu.memory_space<vmem>>, vector<1x128xf32>
    %add3A_75 = vector.broadcast %get3A_74 : vector<1x128xf32> to vector<1024x128xf32>
    %add3A_76 = arith.addf %add3A_75, %get3A_71 : vector<1024x128xf32>
    %add3A_77 = vector.broadcast %broadcast_in_dim3A : vector<1024x1xf32> to vector<1024x128xf32>
    %add3A_78 = arith.addf %add3A_76, %add3A_77 : vector<1024x128xf32>
    %lt3A_79 = arith.cmpf olt, %add3A_78, %min3A_66 : vector<1024x128xf32>
    %jit3A_80 = arith.constant 3 : i32
    %broadcast_in_dim3A_81 = vector.broadcast %jit3A_80 : i32 to vector<1024x128xi32>
    %select_n3A_82 = arith.select %lt3A_79, %broadcast_in_dim3A_81, %select_n3A_65 : vector<1024x128xi1>, vector<1024x128xi32>
    %min3A_83 = arith.minimumf %min3A_66, %add3A_78 : vector<1024x128xf32>
    %mul3A_84 = arith.constant 1024 : i32
    %mul3A_85 = arith.muli %scan3A, %mul3A_84 : i32
    %get3A_86 = arith.index_cast %mul3A_85 : i32 to index
    %get3A_87 = arith.constant 512 : index
    %get3A_88 = vector.load %arg5[%get3A_86, %get3A_87] : memref<1024x8192xf32, #tpu.memory_space<vmem>>, vector<1024x128xf32>
    %get3A_89 = arith.constant 0 : index
    %get3A_90 = arith.constant 512 : index
    %get3A_91 = vector.load %arg3[%get3A_89, %get3A_90] : memref<1x8192xf32, #tpu.memory_space<vmem>>, vector<1x128xf32>
    %add3A_92 = vector.broadcast %get3A_91 : vector<1x128xf32> to vector<1024x128xf32>
    %add3A_93 = arith.addf %add3A_92, %get3A_88 : vector<1024x128xf32>
    %add3A_94 = vector.broadcast %broadcast_in_dim3A : vector<1024x1xf32> to vector<1024x128xf32>
    %add3A_95 = arith.addf %add3A_93, %add3A_94 : vector<1024x128xf32>
    %lt3A_96 = arith.cmpf olt, %add3A_95, %min3A_83 : vector<1024x128xf32>
    %jit3A_97 = arith.constant 4 : i32
    %broadcast_in_dim3A_98 = vector.broadcast %jit3A_97 : i32 to vector<1024x128xi32>
    %select_n3A_99 = arith.select %lt3A_96, %broadcast_in_dim3A_98, %select_n3A_82 : vector<1024x128xi1>, vector<1024x128xi32>
    %min3A_100 = arith.minimumf %min3A_83, %add3A_95 : vector<1024x128xf32>
    %mul3A_101 = arith.constant 1024 : i32
    %mul3A_102 = arith.muli %scan3A, %mul3A_101 : i32
    %get3A_103 = arith.index_cast %mul3A_102 : i32 to index
    %get3A_104 = arith.constant 640 : index
    %get3A_105 = vector.load %arg5[%get3A_103, %get3A_104] : memref<1024x8192xf32, #tpu.memory_space<vmem>>, vector<1024x128xf32>
    %get3A_106 = arith.constant 0 : index
    %get3A_107 = arith.constant 640 : index
    %get3A_108 = vector.load %arg3[%get3A_106, %get3A_107] : memref<1x8192xf32, #tpu.memory_space<vmem>>, vector<1x128xf32>
    %add3A_109 = vector.broadcast %get3A_108 : vector<1x128xf32> to vector<1024x128xf32>
    %add3A_110 = arith.addf %add3A_109, %get3A_105 : vector<1024x128xf32>
    %add3A_111 = vector.broadcast %broadcast_in_dim3A : vector<1024x1xf32> to vector<1024x128xf32>
    %add3A_112 = arith.addf %add3A_110, %add3A_111 : vector<1024x128xf32>
    %lt3A_113 = arith.cmpf olt, %add3A_112, %min3A_100 : vector<1024x128xf32>
    %jit3A_114 = arith.constant 5 : i32
    %broadcast_in_dim3A_115 = vector.broadcast %jit3A_114 : i32 to vector<1024x128xi32>
    %select_n3A_116 = arith.select %lt3A_113, %broadcast_in_dim3A_115, %select_n3A_99 : vector<1024x128xi1>, vector<1024x128xi32>
    %min3A_117 = arith.minimumf %min3A_100, %add3A_112 : vector<1024x128xf32>
    %mul3A_118 = arith.constant 1024 : i32
    %mul3A_119 = arith.muli %scan3A, %mul3A_118 : i32
    %get3A_120 = arith.index_cast %mul3A_119 : i32 to index
    %get3A_121 = arith.constant 768 : index
    %get3A_122 = vector.load %arg5[%get3A_120, %get3A_121] : memref<1024x8192xf32, #tpu.memory_space<vmem>>, vector<1024x128xf32>
    %get3A_123 = arith.constant 0 : index
    %get3A_124 = arith.constant 768 : index
    %get3A_125 = vector.load %arg3[%get3A_123, %get3A_124] : memref<1x8192xf32, #tpu.memory_space<vmem>>, vector<1x128xf32>
    %add3A_126 = vector.broadcast %get3A_125 : vector<1x128xf32> to vector<1024x128xf32>
    %add3A_127 = arith.addf %add3A_126, %get3A_122 : vector<1024x128xf32>
    %add3A_128 = vector.broadcast %broadcast_in_dim3A : vector<1024x1xf32> to vector<1024x128xf32>
    %add3A_129 = arith.addf %add3A_127, %add3A_128 : vector<1024x128xf32>
    %lt3A_130 = arith.cmpf olt, %add3A_129, %min3A_117 : vector<1024x128xf32>
    %jit3A_131 = arith.constant 6 : i32
    %broadcast_in_dim3A_132 = vector.broadcast %jit3A_131 : i32 to vector<1024x128xi32>
    %select_n3A_133 = arith.select %lt3A_130, %broadcast_in_dim3A_132, %select_n3A_116 : vector<1024x128xi1>, vector<1024x128xi32>
    %min3A_134 = arith.minimumf %min3A_117, %add3A_129 : vector<1024x128xf32>
    %mul3A_135 = arith.constant 1024 : i32
    %mul3A_136 = arith.muli %scan3A, %mul3A_135 : i32
    %get3A_137 = arith.index_cast %mul3A_136 : i32 to index
    %get3A_138 = arith.constant 896 : index
    %get3A_139 = vector.load %arg5[%get3A_137, %get3A_138] : memref<1024x8192xf32, #tpu.memory_space<vmem>>, vector<1024x128xf32>
    %get3A_140 = arith.constant 0 : index
    %get3A_141 = arith.constant 896 : index
    %get3A_142 = vector.load %arg3[%get3A_140, %get3A_141] : memref<1x8192xf32, #tpu.memory_space<vmem>>, vector<1x128xf32>
    %add3A_143 = vector.broadcast %get3A_142 : vector<1x128xf32> to vector<1024x128xf32>
    %add3A_144 = arith.addf %add3A_143, %get3A_139 : vector<1024x128xf32>
    %add3A_145 = vector.broadcast %broadcast_in_dim3A : vector<1024x1xf32> to vector<1024x128xf32>
    %add3A_146 = arith.addf %add3A_144, %add3A_145 : vector<1024x128xf32>
    %lt3A_147 = arith.cmpf olt, %add3A_146, %min3A_134 : vector<1024x128xf32>
    %jit3A_148 = arith.constant 7 : i32
    %broadcast_in_dim3A_149 = vector.broadcast %jit3A_148 : i32 to vector<1024x128xi32>
    %select_n3A_150 = arith.select %lt3A_147, %broadcast_in_dim3A_149, %select_n3A_133 : vector<1024x128xi1>, vector<1024x128xi32>
    %min3A_151 = arith.minimumf %min3A_134, %add3A_146 : vector<1024x128xf32>
    %mul3A_152 = arith.constant 1024 : i32
    %mul3A_153 = arith.muli %scan3A, %mul3A_152 : i32
    %get3A_154 = arith.index_cast %mul3A_153 : i32 to index
    %get3A_155 = arith.constant 1024 : index
    %get3A_156 = vector.load %arg5[%get3A_154, %get3A_155] : memref<1024x8192xf32, #tpu.memory_space<vmem>>, vector<1024x128xf32>
    %get3A_157 = arith.constant 0 : index
    %get3A_158 = arith.constant 1024 : index
    %get3A_159 = vector.load %arg3[%get3A_157, %get3A_158] : memref<1x8192xf32, #tpu.memory_space<vmem>>, vector<1x128xf32>
    %add3A_160 = vector.broadcast %get3A_159 : vector<1x128xf32> to vector<1024x128xf32>
    %add3A_161 = arith.addf %add3A_160, %get3A_156 : vector<1024x128xf32>
    %add3A_162 = vector.broadcast %broadcast_in_dim3A : vector<1024x1xf32> to vector<1024x128xf32>
    %add3A_163 = arith.addf %add3A_161, %add3A_162 : vector<1024x128xf32>
    %lt3A_164 = arith.cmpf olt, %add3A_163, %min3A_151 : vector<1024x128xf32>
    %jit3A_165 = arith.constant 8 : i32
    %broadcast_in_dim3A_166 = vector.broadcast %jit3A_165 : i32 to vector<1024x128xi32>
    %select_n3A_167 = arith.select %lt3A_164, %broadcast_in_dim3A_166, %select_n3A_150 : vector<1024x128xi1>, vector<1024x128xi32>
    %min3A_168 = arith.minimumf %min3A_151, %add3A_163 : vector<1024x128xf32>
    %mul3A_169 = arith.constant 1024 : i32
    %mul3A_170 = arith.muli %scan3A, %mul3A_169 : i32
    %get3A_171 = arith.index_cast %mul3A_170 : i32 to index
    %get3A_172 = arith.constant 1152 : index
    %get3A_173 = vector.load %arg5[%get3A_171, %get3A_172] : memref<1024x8192xf32, #tpu.memory_space<vmem>>, vector<1024x128xf32>
    %get3A_174 = arith.constant 0 : index
    %get3A_175 = arith.constant 1152 : index
    %get3A_176 = vector.load %arg3[%get3A_174, %get3A_175] : memref<1x8192xf32, #tpu.memory_space<vmem>>, vector<1x128xf32>
    %add3A_177 = vector.broadcast %get3A_176 : vector<1x128xf32> to vector<1024x128xf32>
    %add3A_178 = arith.addf %add3A_177, %get3A_173 : vector<1024x128xf32>
    %add3A_179 = vector.broadcast %broadcast_in_dim3A : vector<1024x1xf32> to vector<1024x128xf32>
    %add3A_180 = arith.addf %add3A_178, %add3A_179 : vector<1024x128xf32>
    %lt3A_181 = arith.cmpf olt, %add3A_180, %min3A_168 : vector<1024x128xf32>
    %jit3A_182 = arith.constant 9 : i32
    %broadcast_in_dim3A_183 = vector.broadcast %jit3A_182 : i32 to vector<1024x128xi32>
    %select_n3A_184 = arith.select %lt3A_181, %broadcast_in_dim3A_183, %select_n3A_167 : vector<1024x128xi1>, vector<1024x128xi32>
    %min3A_185 = arith.minimumf %min3A_168, %add3A_180 : vector<1024x128xf32>
    %mul3A_186 = arith.constant 1024 : i32
    %mul3A_187 = arith.muli %scan3A, %mul3A_186 : i32
    %get3A_188 = arith.index_cast %mul3A_187 : i32 to index
    %get3A_189 = arith.constant 1280 : index
    %get3A_190 = vector.load %arg5[%get3A_188, %get3A_189] : memref<1024x8192xf32, #tpu.memory_space<vmem>>, vector<1024x128xf32>
    %get3A_191 = arith.constant 0 : index
    %get3A_192 = arith.constant 1280 : index
    %get3A_193 = vector.load %arg3[%get3A_191, %get3A_192] : memref<1x8192xf32, #tpu.memory_space<vmem>>, vector<1x128xf32>
    %add3A_194 = vector.broadcast %get3A_193 : vector<1x128xf32> to vector<1024x128xf32>
    %add3A_195 = arith.addf %add3A_194, %get3A_190 : vector<1024x128xf32>
    %add3A_196 = vector.broadcast %broadcast_in_dim3A : vector<1024x1xf32> to vector<1024x128xf32>
    %add3A_197 = arith.addf %add3A_195, %add3A_196 : vector<1024x128xf32>
    %lt3A_198 = arith.cmpf olt, %add3A_197, %min3A_185 : vector<1024x128xf32>
    %jit3A_199 = arith.constant 10 : i32
    %broadcast_in_dim3A_200 = vector.broadcast %jit3A_199 : i32 to vector<1024x128xi32>
    %select_n3A_201 = arith.select %lt3A_198, %broadcast_in_dim3A_200, %select_n3A_184 : vector<1024x128xi1>, vector<1024x128xi32>
    %min3A_202 = arith.minimumf %min3A_185, %add3A_197 : vector<1024x128xf32>
    %mul3A_203 = arith.constant 1024 : i32
    %mul3A_204 = arith.muli %scan3A, %mul3A_203 : i32
    %get3A_205 = arith.index_cast %mul3A_204 : i32 to index
    %get3A_206 = arith.constant 1408 : index
    %get3A_207 = vector.load %arg5[%get3A_205, %get3A_206] : memref<1024x8192xf32, #tpu.memory_space<vmem>>, vector<1024x128xf32>
    %get3A_208 = arith.constant 0 : index
    %get3A_209 = arith.constant 1408 : index
    %get3A_210 = vector.load %arg3[%get3A_208, %get3A_209] : memref<1x8192xf32, #tpu.memory_space<vmem>>, vector<1x128xf32>
    %add3A_211 = vector.broadcast %get3A_210 : vector<1x128xf32> to vector<1024x128xf32>
    %add3A_212 = arith.addf %add3A_211, %get3A_207 : vector<1024x128xf32>
    %add3A_213 = vector.broadcast %broadcast_in_dim3A : vector<1024x1xf32> to vector<1024x128xf32>
    %add3A_214 = arith.addf %add3A_212, %add3A_213 : vector<1024x128xf32>
    %lt3A_215 = arith.cmpf olt, %add3A_214, %min3A_202 : vector<1024x128xf32>
    %jit3A_216 = arith.constant 11 : i32
    %broadcast_in_dim3A_217 = vector.broadcast %jit3A_216 : i32 to vector<1024x128xi32>
    %select_n3A_218 = arith.select %lt3A_215, %broadcast_in_dim3A_217, %select_n3A_201 : vector<1024x128xi1>, vector<1024x128xi32>
    %min3A_219 = arith.minimumf %min3A_202, %add3A_214 : vector<1024x128xf32>
    %mul3A_220 = arith.constant 1024 : i32
    %mul3A_221 = arith.muli %scan3A, %mul3A_220 : i32
    %get3A_222 = arith.index_cast %mul3A_221 : i32 to index
    %get3A_223 = arith.constant 1536 : index
    %get3A_224 = vector.load %arg5[%get3A_222, %get3A_223] : memref<1024x8192xf32, #tpu.memory_space<vmem>>, vector<1024x128xf32>
    %get3A_225 = arith.constant 0 : index
    %get3A_226 = arith.constant 1536 : index
    %get3A_227 = vector.load %arg3[%get3A_225, %get3A_226] : memref<1x8192xf32, #tpu.memory_space<vmem>>, vector<1x128xf32>
    %add3A_228 = vector.broadcast %get3A_227 : vector<1x128xf32> to vector<1024x128xf32>
    %add3A_229 = arith.addf %add3A_228, %get3A_224 : vector<1024x128xf32>
    %add3A_230 = vector.broadcast %broadcast_in_dim3A : vector<1024x1xf32> to vector<1024x128xf32>
    %add3A_231 = arith.addf %add3A_229, %add3A_230 : vector<1024x128xf32>
    %lt3A_232 = arith.cmpf olt, %add3A_231, %min3A_219 : vector<1024x128xf32>
    %jit3A_233 = arith.constant 12 : i32
    %broadcast_in_dim3A_234 = vector.broadcast %jit3A_233 : i32 to vector<1024x128xi32>
    %select_n3A_235 = arith.select %lt3A_232, %broadcast_in_dim3A_234, %select_n3A_218 : vector<1024x128xi1>, vector<1024x128xi32>
    %min3A_236 = arith.minimumf %min3A_219, %add3A_231 : vector<1024x128xf32>
    %mul3A_237 = arith.constant 1024 : i32
    %mul3A_238 = arith.muli %scan3A, %mul3A_237 : i32
    %get3A_239 = arith.index_cast %mul3A_238 : i32 to index
    %get3A_240 = arith.constant 1664 : index
    %get3A_241 = vector.load %arg5[%get3A_239, %get3A_240] : memref<1024x8192xf32, #tpu.memory_space<vmem>>, vector<1024x128xf32>
    %get3A_242 = arith.constant 0 : index
    %get3A_243 = arith.constant 1664 : index
    %get3A_244 = vector.load %arg3[%get3A_242, %get3A_243] : memref<1x8192xf32, #tpu.memory_space<vmem>>, vector<1x128xf32>
    %add3A_245 = vector.broadcast %get3A_244 : vector<1x128xf32> to vector<1024x128xf32>
    %add3A_246 = arith.addf %add3A_245, %get3A_241 : vector<1024x128xf32>
    %add3A_247 = vector.broadcast %broadcast_in_dim3A : vector<1024x1xf32> to vector<1024x128xf32>
    %add3A_248 = arith.addf %add3A_246, %add3A_247 : vector<1024x128xf32>
    %lt3A_249 = arith.cmpf olt, %add3A_248, %min3A_236 : vector<1024x128xf32>
    %jit3A_250 = arith.constant 13 : i32
    %broadcast_in_dim3A_251 = vector.broadcast %jit3A_250 : i32 to vector<1024x128xi32>
    %select_n3A_252 = arith.select %lt3A_249, %broadcast_in_dim3A_251, %select_n3A_235 : vector<1024x128xi1>, vector<1024x128xi32>
    %min3A_253 = arith.minimumf %min3A_236, %add3A_248 : vector<1024x128xf32>
    %mul3A_254 = arith.constant 1024 : i32
    %mul3A_255 = arith.muli %scan3A, %mul3A_254 : i32
    %get3A_256 = arith.index_cast %mul3A_255 : i32 to index
    %get3A_257 = arith.constant 1792 : index
    %get3A_258 = vector.load %arg5[%get3A_256, %get3A_257] : memref<1024x8192xf32, #tpu.memory_space<vmem>>, vector<1024x128xf32>
    %get3A_259 = arith.constant 0 : index
    %get3A_260 = arith.constant 1792 : index
    %get3A_261 = vector.load %arg3[%get3A_259, %get3A_260] : memref<1x8192xf32, #tpu.memory_space<vmem>>, vector<1x128xf32>
    %add3A_262 = vector.broadcast %get3A_261 : vector<1x128xf32> to vector<1024x128xf32>
    %add3A_263 = arith.addf %add3A_262, %get3A_258 : vector<1024x128xf32>
    %add3A_264 = vector.broadcast %broadcast_in_dim3A : vector<1024x1xf32> to vector<1024x128xf32>
    %add3A_265 = arith.addf %add3A_263, %add3A_264 : vector<1024x128xf32>
    %lt3A_266 = arith.cmpf olt, %add3A_265, %min3A_253 : vector<1024x128xf32>
    %jit3A_267 = arith.constant 14 : i32
    %broadcast_in_dim3A_268 = vector.broadcast %jit3A_267 : i32 to vector<1024x128xi32>
    %select_n3A_269 = arith.select %lt3A_266, %broadcast_in_dim3A_268, %select_n3A_252 : vector<1024x128xi1>, vector<1024x128xi32>
    %min3A_270 = arith.minimumf %min3A_253, %add3A_265 : vector<1024x128xf32>
    %mul3A_271 = arith.constant 1024 : i32
    %mul3A_272 = arith.muli %scan3A, %mul3A_271 : i32
    %get3A_273 = arith.index_cast %mul3A_272 : i32 to index
    %get3A_274 = arith.constant 1920 : index
    %get3A_275 = vector.load %arg5[%get3A_273, %get3A_274] : memref<1024x8192xf32, #tpu.memory_space<vmem>>, vector<1024x128xf32>
    %get3A_276 = arith.constant 0 : index
    %get3A_277 = arith.constant 1920 : index
    %get3A_278 = vector.load %arg3[%get3A_276, %get3A_277] : memref<1x8192xf32, #tpu.memory_space<vmem>>, vector<1x128xf32>
    %add3A_279 = vector.broadcast %get3A_278 : vector<1x128xf32> to vector<1024x128xf32>
    %add3A_280 = arith.addf %add3A_279, %get3A_275 : vector<1024x128xf32>
    %add3A_281 = vector.broadcast %broadcast_in_dim3A : vector<1024x1xf32> to vector<1024x128xf32>
    %add3A_282 = arith.addf %add3A_280, %add3A_281 : vector<1024x128xf32>
    %lt3A_283 = arith.cmpf olt, %add3A_282, %min3A_270 : vector<1024x128xf32>
    %jit3A_284 = arith.constant 15 : i32
    %broadcast_in_dim3A_285 = vector.broadcast %jit3A_284 : i32 to vector<1024x128xi32>
    %select_n3A_286 = arith.select %lt3A_283, %broadcast_in_dim3A_285, %select_n3A_269 : vector<1024x128xi1>, vector<1024x128xi32>
    %min3A_287 = arith.minimumf %min3A_270, %add3A_282 : vector<1024x128xf32>
    %mul3A_288 = arith.constant 1024 : i32
    %mul3A_289 = arith.muli %scan3A, %mul3A_288 : i32
    %get3A_290 = arith.index_cast %mul3A_289 : i32 to index
    %get3A_291 = arith.constant 2048 : index
    %get3A_292 = vector.load %arg5[%get3A_290, %get3A_291] : memref<1024x8192xf32, #tpu.memory_space<vmem>>, vector<1024x128xf32>
    %get3A_293 = arith.constant 0 : index
    %get3A_294 = arith.constant 2048 : index
    %get3A_295 = vector.load %arg3[%get3A_293, %get3A_294] : memref<1x8192xf32, #tpu.memory_space<vmem>>, vector<1x128xf32>
    %add3A_296 = vector.broadcast %get3A_295 : vector<1x128xf32> to vector<1024x128xf32>
    %add3A_297 = arith.addf %add3A_296, %get3A_292 : vector<1024x128xf32>
    %add3A_298 = vector.broadcast %broadcast_in_dim3A : vector<1024x1xf32> to vector<1024x128xf32>
    %add3A_299 = arith.addf %add3A_297, %add3A_298 : vector<1024x128xf32>
    %lt3A_300 = arith.cmpf olt, %add3A_299, %min3A_287 : vector<1024x128xf32>
    %jit3A_301 = arith.constant 16 : i32
    %broadcast_in_dim3A_302 = vector.broadcast %jit3A_301 : i32 to vector<1024x128xi32>
    %select_n3A_303 = arith.select %lt3A_300, %broadcast_in_dim3A_302, %select_n3A_286 : vector<1024x128xi1>, vector<1024x128xi32>
    %min3A_304 = arith.minimumf %min3A_287, %add3A_299 : vector<1024x128xf32>
    %mul3A_305 = arith.constant 1024 : i32
    %mul3A_306 = arith.muli %scan3A, %mul3A_305 : i32
    %get3A_307 = arith.index_cast %mul3A_306 : i32 to index
    %get3A_308 = arith.constant 2176 : index
    %get3A_309 = vector.load %arg5[%get3A_307, %get3A_308] : memref<1024x8192xf32, #tpu.memory_space<vmem>>, vector<1024x128xf32>
    %get3A_310 = arith.constant 0 : index
    %get3A_311 = arith.constant 2176 : index
    %get3A_312 = vector.load %arg3[%get3A_310, %get3A_311] : memref<1x8192xf32, #tpu.memory_space<vmem>>, vector<1x128xf32>
    %add3A_313 = vector.broadcast %get3A_312 : vector<1x128xf32> to vector<1024x128xf32>
    %add3A_314 = arith.addf %add3A_313, %get3A_309 : vector<1024x128xf32>
    %add3A_315 = vector.broadcast %broadcast_in_dim3A : vector<1024x1xf32> to vector<1024x128xf32>
    %add3A_316 = arith.addf %add3A_314, %add3A_315 : vector<1024x128xf32>
    %lt3A_317 = arith.cmpf olt, %add3A_316, %min3A_304 : vector<1024x128xf32>
    %jit3A_318 = arith.constant 17 : i32
    %broadcast_in_dim3A_319 = vector.broadcast %jit3A_318 : i32 to vector<1024x128xi32>
    %select_n3A_320 = arith.select %lt3A_317, %broadcast_in_dim3A_319, %select_n3A_303 : vector<1024x128xi1>, vector<1024x128xi32>
    %min3A_321 = arith.minimumf %min3A_304, %add3A_316 : vector<1024x128xf32>
    %mul3A_322 = arith.constant 1024 : i32
    %mul3A_323 = arith.muli %scan3A, %mul3A_322 : i32
    %get3A_324 = arith.index_cast %mul3A_323 : i32 to index
    %get3A_325 = arith.constant 2304 : index
    %get3A_326 = vector.load %arg5[%get3A_324, %get3A_325] : memref<1024x8192xf32, #tpu.memory_space<vmem>>, vector<1024x128xf32>
    %get3A_327 = arith.constant 0 : index
    %get3A_328 = arith.constant 2304 : index
    %get3A_329 = vector.load %arg3[%get3A_327, %get3A_328] : memref<1x8192xf32, #tpu.memory_space<vmem>>, vector<1x128xf32>
    %add3A_330 = vector.broadcast %get3A_329 : vector<1x128xf32> to vector<1024x128xf32>
    %add3A_331 = arith.addf %add3A_330, %get3A_326 : vector<1024x128xf32>
    %add3A_332 = vector.broadcast %broadcast_in_dim3A : vector<1024x1xf32> to vector<1024x128xf32>
    %add3A_333 = arith.addf %add3A_331, %add3A_332 : vector<1024x128xf32>
    %lt3A_334 = arith.cmpf olt, %add3A_333, %min3A_321 : vector<1024x128xf32>
    %jit3A_335 = arith.constant 18 : i32
    %broadcast_in_dim3A_336 = vector.broadcast %jit3A_335 : i32 to vector<1024x128xi32>
    %select_n3A_337 = arith.select %lt3A_334, %broadcast_in_dim3A_336, %select_n3A_320 : vector<1024x128xi1>, vector<1024x128xi32>
    %min3A_338 = arith.minimumf %min3A_321, %add3A_333 : vector<1024x128xf32>
    %mul3A_339 = arith.constant 1024 : i32
    %mul3A_340 = arith.muli %scan3A, %mul3A_339 : i32
    %get3A_341 = arith.index_cast %mul3A_340 : i32 to index
    %get3A_342 = arith.constant 2432 : index
    %get3A_343 = vector.load %arg5[%get3A_341, %get3A_342] : memref<1024x8192xf32, #tpu.memory_space<vmem>>, vector<1024x128xf32>
    %get3A_344 = arith.constant 0 : index
    %get3A_345 = arith.constant 2432 : index
    %get3A_346 = vector.load %arg3[%get3A_344, %get3A_345] : memref<1x8192xf32, #tpu.memory_space<vmem>>, vector<1x128xf32>
    %add3A_347 = vector.broadcast %get3A_346 : vector<1x128xf32> to vector<1024x128xf32>
    %add3A_348 = arith.addf %add3A_347, %get3A_343 : vector<1024x128xf32>
    %add3A_349 = vector.broadcast %broadcast_in_dim3A : vector<1024x1xf32> to vector<1024x128xf32>
    %add3A_350 = arith.addf %add3A_348, %add3A_349 : vector<1024x128xf32>
    %lt3A_351 = arith.cmpf olt, %add3A_350, %min3A_338 : vector<1024x128xf32>
    %jit3A_352 = arith.constant 19 : i32
    %broadcast_in_dim3A_353 = vector.broadcast %jit3A_352 : i32 to vector<1024x128xi32>
    %select_n3A_354 = arith.select %lt3A_351, %broadcast_in_dim3A_353, %select_n3A_337 : vector<1024x128xi1>, vector<1024x128xi32>
    %min3A_355 = arith.minimumf %min3A_338, %add3A_350 : vector<1024x128xf32>
    %mul3A_356 = arith.constant 1024 : i32
    %mul3A_357 = arith.muli %scan3A, %mul3A_356 : i32
    %get3A_358 = arith.index_cast %mul3A_357 : i32 to index
    %get3A_359 = arith.constant 2560 : index
    %get3A_360 = vector.load %arg5[%get3A_358, %get3A_359] : memref<1024x8192xf32, #tpu.memory_space<vmem>>, vector<1024x128xf32>
    %get3A_361 = arith.constant 0 : index
    %get3A_362 = arith.constant 2560 : index
    %get3A_363 = vector.load %arg3[%get3A_361, %get3A_362] : memref<1x8192xf32, #tpu.memory_space<vmem>>, vector<1x128xf32>
    %add3A_364 = vector.broadcast %get3A_363 : vector<1x128xf32> to vector<1024x128xf32>
    %add3A_365 = arith.addf %add3A_364, %get3A_360 : vector<1024x128xf32>
    %add3A_366 = vector.broadcast %broadcast_in_dim3A : vector<1024x1xf32> to vector<1024x128xf32>
    %add3A_367 = arith.addf %add3A_365, %add3A_366 : vector<1024x128xf32>
    %lt3A_368 = arith.cmpf olt, %add3A_367, %min3A_355 : vector<1024x128xf32>
    %jit3A_369 = arith.constant 20 : i32
    %broadcast_in_dim3A_370 = vector.broadcast %jit3A_369 : i32 to vector<1024x128xi32>
    %select_n3A_371 = arith.select %lt3A_368, %broadcast_in_dim3A_370, %select_n3A_354 : vector<1024x128xi1>, vector<1024x128xi32>
    %min3A_372 = arith.minimumf %min3A_355, %add3A_367 : vector<1024x128xf32>
    %mul3A_373 = arith.constant 1024 : i32
    %mul3A_374 = arith.muli %scan3A, %mul3A_373 : i32
    %get3A_375 = arith.index_cast %mul3A_374 : i32 to index
    %get3A_376 = arith.constant 2688 : index
    %get3A_377 = vector.load %arg5[%get3A_375, %get3A_376] : memref<1024x8192xf32, #tpu.memory_space<vmem>>, vector<1024x128xf32>
    %get3A_378 = arith.constant 0 : index
    %get3A_379 = arith.constant 2688 : index
    %get3A_380 = vector.load %arg3[%get3A_378, %get3A_379] : memref<1x8192xf32, #tpu.memory_space<vmem>>, vector<1x128xf32>
    %add3A_381 = vector.broadcast %get3A_380 : vector<1x128xf32> to vector<1024x128xf32>
    %add3A_382 = arith.addf %add3A_381, %get3A_377 : vector<1024x128xf32>
    %add3A_383 = vector.broadcast %broadcast_in_dim3A : vector<1024x1xf32> to vector<1024x128xf32>
    %add3A_384 = arith.addf %add3A_382, %add3A_383 : vector<1024x128xf32>
    %lt3A_385 = arith.cmpf olt, %add3A_384, %min3A_372 : vector<1024x128xf32>
    %jit3A_386 = arith.constant 21 : i32
    %broadcast_in_dim3A_387 = vector.broadcast %jit3A_386 : i32 to vector<1024x128xi32>
    %select_n3A_388 = arith.select %lt3A_385, %broadcast_in_dim3A_387, %select_n3A_371 : vector<1024x128xi1>, vector<1024x128xi32>
    %min3A_389 = arith.minimumf %min3A_372, %add3A_384 : vector<1024x128xf32>
    %mul3A_390 = arith.constant 1024 : i32
    %mul3A_391 = arith.muli %scan3A, %mul3A_390 : i32
    %get3A_392 = arith.index_cast %mul3A_391 : i32 to index
    %get3A_393 = arith.constant 2816 : index
    %get3A_394 = vector.load %arg5[%get3A_392, %get3A_393] : memref<1024x8192xf32, #tpu.memory_space<vmem>>, vector<1024x128xf32>
    %get3A_395 = arith.constant 0 : index
    %get3A_396 = arith.constant 2816 : index
    %get3A_397 = vector.load %arg3[%get3A_395, %get3A_396] : memref<1x8192xf32, #tpu.memory_space<vmem>>, vector<1x128xf32>
    %add3A_398 = vector.broadcast %get3A_397 : vector<1x128xf32> to vector<1024x128xf32>
    %add3A_399 = arith.addf %add3A_398, %get3A_394 : vector<1024x128xf32>
    %add3A_400 = vector.broadcast %broadcast_in_dim3A : vector<1024x1xf32> to vector<1024x128xf32>
    %add3A_401 = arith.addf %add3A_399, %add3A_400 : vector<1024x128xf32>
    %lt3A_402 = arith.cmpf olt, %add3A_401, %min3A_389 : vector<1024x128xf32>
    %jit3A_403 = arith.constant 22 : i32
    %broadcast_in_dim3A_404 = vector.broadcast %jit3A_403 : i32 to vector<1024x128xi32>
    %select_n3A_405 = arith.select %lt3A_402, %broadcast_in_dim3A_404, %select_n3A_388 : vector<1024x128xi1>, vector<1024x128xi32>
    %min3A_406 = arith.minimumf %min3A_389, %add3A_401 : vector<1024x128xf32>
    %mul3A_407 = arith.constant 1024 : i32
    %mul3A_408 = arith.muli %scan3A, %mul3A_407 : i32
    %get3A_409 = arith.index_cast %mul3A_408 : i32 to index
    %get3A_410 = arith.constant 2944 : index
    %get3A_411 = vector.load %arg5[%get3A_409, %get3A_410] : memref<1024x8192xf32, #tpu.memory_space<vmem>>, vector<1024x128xf32>
    %get3A_412 = arith.constant 0 : index
    %get3A_413 = arith.constant 2944 : index
    %get3A_414 = vector.load %arg3[%get3A_412, %get3A_413] : memref<1x8192xf32, #tpu.memory_space<vmem>>, vector<1x128xf32>
    %add3A_415 = vector.broadcast %get3A_414 : vector<1x128xf32> to vector<1024x128xf32>
    %add3A_416 = arith.addf %add3A_415, %get3A_411 : vector<1024x128xf32>
    %add3A_417 = vector.broadcast %broadcast_in_dim3A : vector<1024x1xf32> to vector<1024x128xf32>
    %add3A_418 = arith.addf %add3A_416, %add3A_417 : vector<1024x128xf32>
    %lt3A_419 = arith.cmpf olt, %add3A_418, %min3A_406 : vector<1024x128xf32>
    %jit3A_420 = arith.constant 23 : i32
    %broadcast_in_dim3A_421 = vector.broadcast %jit3A_420 : i32 to vector<1024x128xi32>
    %select_n3A_422 = arith.select %lt3A_419, %broadcast_in_dim3A_421, %select_n3A_405 : vector<1024x128xi1>, vector<1024x128xi32>
    %min3A_423 = arith.minimumf %min3A_406, %add3A_418 : vector<1024x128xf32>
    %mul3A_424 = arith.constant 1024 : i32
    %mul3A_425 = arith.muli %scan3A, %mul3A_424 : i32
    %get3A_426 = arith.index_cast %mul3A_425 : i32 to index
    %get3A_427 = arith.constant 3072 : index
    %get3A_428 = vector.load %arg5[%get3A_426, %get3A_427] : memref<1024x8192xf32, #tpu.memory_space<vmem>>, vector<1024x128xf32>
    %get3A_429 = arith.constant 0 : index
    %get3A_430 = arith.constant 3072 : index
    %get3A_431 = vector.load %arg3[%get3A_429, %get3A_430] : memref<1x8192xf32, #tpu.memory_space<vmem>>, vector<1x128xf32>
    %add3A_432 = vector.broadcast %get3A_431 : vector<1x128xf32> to vector<1024x128xf32>
    %add3A_433 = arith.addf %add3A_432, %get3A_428 : vector<1024x128xf32>
    %add3A_434 = vector.broadcast %broadcast_in_dim3A : vector<1024x1xf32> to vector<1024x128xf32>
    %add3A_435 = arith.addf %add3A_433, %add3A_434 : vector<1024x128xf32>
    %lt3A_436 = arith.cmpf olt, %add3A_435, %min3A_423 : vector<1024x128xf32>
    %jit3A_437 = arith.constant 24 : i32
    %broadcast_in_dim3A_438 = vector.broadcast %jit3A_437 : i32 to vector<1024x128xi32>
    %select_n3A_439 = arith.select %lt3A_436, %broadcast_in_dim3A_438, %select_n3A_422 : vector<1024x128xi1>, vector<1024x128xi32>
    %min3A_440 = arith.minimumf %min3A_423, %add3A_435 : vector<1024x128xf32>
    %mul3A_441 = arith.constant 1024 : i32
    %mul3A_442 = arith.muli %scan3A, %mul3A_441 : i32
    %get3A_443 = arith.index_cast %mul3A_442 : i32 to index
    %get3A_444 = arith.constant 3200 : index
    %get3A_445 = vector.load %arg5[%get3A_443, %get3A_444] : memref<1024x8192xf32, #tpu.memory_space<vmem>>, vector<1024x128xf32>
    %get3A_446 = arith.constant 0 : index
    %get3A_447 = arith.constant 3200 : index
    %get3A_448 = vector.load %arg3[%get3A_446, %get3A_447] : memref<1x8192xf32, #tpu.memory_space<vmem>>, vector<1x128xf32>
    %add3A_449 = vector.broadcast %get3A_448 : vector<1x128xf32> to vector<1024x128xf32>
    %add3A_450 = arith.addf %add3A_449, %get3A_445 : vector<1024x128xf32>
    %add3A_451 = vector.broadcast %broadcast_in_dim3A : vector<1024x1xf32> to vector<1024x128xf32>
    %add3A_452 = arith.addf %add3A_450, %add3A_451 : vector<1024x128xf32>
    %lt3A_453 = arith.cmpf olt, %add3A_452, %min3A_440 : vector<1024x128xf32>
    %jit3A_454 = arith.constant 25 : i32
    %broadcast_in_dim3A_455 = vector.broadcast %jit3A_454 : i32 to vector<1024x128xi32>
    %select_n3A_456 = arith.select %lt3A_453, %broadcast_in_dim3A_455, %select_n3A_439 : vector<1024x128xi1>, vector<1024x128xi32>
    %min3A_457 = arith.minimumf %min3A_440, %add3A_452 : vector<1024x128xf32>
    %mul3A_458 = arith.constant 1024 : i32
    %mul3A_459 = arith.muli %scan3A, %mul3A_458 : i32
    %get3A_460 = arith.index_cast %mul3A_459 : i32 to index
    %get3A_461 = arith.constant 3328 : index
    %get3A_462 = vector.load %arg5[%get3A_460, %get3A_461] : memref<1024x8192xf32, #tpu.memory_space<vmem>>, vector<1024x128xf32>
    %get3A_463 = arith.constant 0 : index
    %get3A_464 = arith.constant 3328 : index
    %get3A_465 = vector.load %arg3[%get3A_463, %get3A_464] : memref<1x8192xf32, #tpu.memory_space<vmem>>, vector<1x128xf32>
    %add3A_466 = vector.broadcast %get3A_465 : vector<1x128xf32> to vector<1024x128xf32>
    %add3A_467 = arith.addf %add3A_466, %get3A_462 : vector<1024x128xf32>
    %add3A_468 = vector.broadcast %broadcast_in_dim3A : vector<1024x1xf32> to vector<1024x128xf32>
    %add3A_469 = arith.addf %add3A_467, %add3A_468 : vector<1024x128xf32>
    %lt3A_470 = arith.cmpf olt, %add3A_469, %min3A_457 : vector<1024x128xf32>
    %jit3A_471 = arith.constant 26 : i32
    %broadcast_in_dim3A_472 = vector.broadcast %jit3A_471 : i32 to vector<1024x128xi32>
    %select_n3A_473 = arith.select %lt3A_470, %broadcast_in_dim3A_472, %select_n3A_456 : vector<1024x128xi1>, vector<1024x128xi32>
    %min3A_474 = arith.minimumf %min3A_457, %add3A_469 : vector<1024x128xf32>
    %mul3A_475 = arith.constant 1024 : i32
    %mul3A_476 = arith.muli %scan3A, %mul3A_475 : i32
    %get3A_477 = arith.index_cast %mul3A_476 : i32 to index
    %get3A_478 = arith.constant 3456 : index
    %get3A_479 = vector.load %arg5[%get3A_477, %get3A_478] : memref<1024x8192xf32, #tpu.memory_space<vmem>>, vector<1024x128xf32>
    %get3A_480 = arith.constant 0 : index
    %get3A_481 = arith.constant 3456 : index
    %get3A_482 = vector.load %arg3[%get3A_480, %get3A_481] : memref<1x8192xf32, #tpu.memory_space<vmem>>, vector<1x128xf32>
    %add3A_483 = vector.broadcast %get3A_482 : vector<1x128xf32> to vector<1024x128xf32>
    %add3A_484 = arith.addf %add3A_483, %get3A_479 : vector<1024x128xf32>
    %add3A_485 = vector.broadcast %broadcast_in_dim3A : vector<1024x1xf32> to vector<1024x128xf32>
    %add3A_486 = arith.addf %add3A_484, %add3A_485 : vector<1024x128xf32>
    %lt3A_487 = arith.cmpf olt, %add3A_486, %min3A_474 : vector<1024x128xf32>
    %jit3A_488 = arith.constant 27 : i32
    %broadcast_in_dim3A_489 = vector.broadcast %jit3A_488 : i32 to vector<1024x128xi32>
    %select_n3A_490 = arith.select %lt3A_487, %broadcast_in_dim3A_489, %select_n3A_473 : vector<1024x128xi1>, vector<1024x128xi32>
    %min3A_491 = arith.minimumf %min3A_474, %add3A_486 : vector<1024x128xf32>
    %mul3A_492 = arith.constant 1024 : i32
    %mul3A_493 = arith.muli %scan3A, %mul3A_492 : i32
    %get3A_494 = arith.index_cast %mul3A_493 : i32 to index
    %get3A_495 = arith.constant 3584 : index
    %get3A_496 = vector.load %arg5[%get3A_494, %get3A_495] : memref<1024x8192xf32, #tpu.memory_space<vmem>>, vector<1024x128xf32>
    %get3A_497 = arith.constant 0 : index
    %get3A_498 = arith.constant 3584 : index
    %get3A_499 = vector.load %arg3[%get3A_497, %get3A_498] : memref<1x8192xf32, #tpu.memory_space<vmem>>, vector<1x128xf32>
    %add3A_500 = vector.broadcast %get3A_499 : vector<1x128xf32> to vector<1024x128xf32>
    %add3A_501 = arith.addf %add3A_500, %get3A_496 : vector<1024x128xf32>
    %add3A_502 = vector.broadcast %broadcast_in_dim3A : vector<1024x1xf32> to vector<1024x128xf32>
    %add3A_503 = arith.addf %add3A_501, %add3A_502 : vector<1024x128xf32>
    %lt3A_504 = arith.cmpf olt, %add3A_503, %min3A_491 : vector<1024x128xf32>
    %jit3A_505 = arith.constant 28 : i32
    %broadcast_in_dim3A_506 = vector.broadcast %jit3A_505 : i32 to vector<1024x128xi32>
    %select_n3A_507 = arith.select %lt3A_504, %broadcast_in_dim3A_506, %select_n3A_490 : vector<1024x128xi1>, vector<1024x128xi32>
    %min3A_508 = arith.minimumf %min3A_491, %add3A_503 : vector<1024x128xf32>
    %mul3A_509 = arith.constant 1024 : i32
    %mul3A_510 = arith.muli %scan3A, %mul3A_509 : i32
    %get3A_511 = arith.index_cast %mul3A_510 : i32 to index
    %get3A_512 = arith.constant 3712 : index
    %get3A_513 = vector.load %arg5[%get3A_511, %get3A_512] : memref<1024x8192xf32, #tpu.memory_space<vmem>>, vector<1024x128xf32>
    %get3A_514 = arith.constant 0 : index
    %get3A_515 = arith.constant 3712 : index
    %get3A_516 = vector.load %arg3[%get3A_514, %get3A_515] : memref<1x8192xf32, #tpu.memory_space<vmem>>, vector<1x128xf32>
    %add3A_517 = vector.broadcast %get3A_516 : vector<1x128xf32> to vector<1024x128xf32>
    %add3A_518 = arith.addf %add3A_517, %get3A_513 : vector<1024x128xf32>
    %add3A_519 = vector.broadcast %broadcast_in_dim3A : vector<1024x1xf32> to vector<1024x128xf32>
    %add3A_520 = arith.addf %add3A_518, %add3A_519 : vector<1024x128xf32>
    %lt3A_521 = arith.cmpf olt, %add3A_520, %min3A_508 : vector<1024x128xf32>
    %jit3A_522 = arith.constant 29 : i32
    %broadcast_in_dim3A_523 = vector.broadcast %jit3A_522 : i32 to vector<1024x128xi32>
    %select_n3A_524 = arith.select %lt3A_521, %broadcast_in_dim3A_523, %select_n3A_507 : vector<1024x128xi1>, vector<1024x128xi32>
    %min3A_525 = arith.minimumf %min3A_508, %add3A_520 : vector<1024x128xf32>
    %mul3A_526 = arith.constant 1024 : i32
    %mul3A_527 = arith.muli %scan3A, %mul3A_526 : i32
    %get3A_528 = arith.index_cast %mul3A_527 : i32 to index
    %get3A_529 = arith.constant 3840 : index
    %get3A_530 = vector.load %arg5[%get3A_528, %get3A_529] : memref<1024x8192xf32, #tpu.memory_space<vmem>>, vector<1024x128xf32>
    %get3A_531 = arith.constant 0 : index
    %get3A_532 = arith.constant 3840 : index
    %get3A_533 = vector.load %arg3[%get3A_531, %get3A_532] : memref<1x8192xf32, #tpu.memory_space<vmem>>, vector<1x128xf32>
    %add3A_534 = vector.broadcast %get3A_533 : vector<1x128xf32> to vector<1024x128xf32>
    %add3A_535 = arith.addf %add3A_534, %get3A_530 : vector<1024x128xf32>
    %add3A_536 = vector.broadcast %broadcast_in_dim3A : vector<1024x1xf32> to vector<1024x128xf32>
    %add3A_537 = arith.addf %add3A_535, %add3A_536 : vector<1024x128xf32>
    %lt3A_538 = arith.cmpf olt, %add3A_537, %min3A_525 : vector<1024x128xf32>
    %jit3A_539 = arith.constant 30 : i32
    %broadcast_in_dim3A_540 = vector.broadcast %jit3A_539 : i32 to vector<1024x128xi32>
    %select_n3A_541 = arith.select %lt3A_538, %broadcast_in_dim3A_540, %select_n3A_524 : vector<1024x128xi1>, vector<1024x128xi32>
    %min3A_542 = arith.minimumf %min3A_525, %add3A_537 : vector<1024x128xf32>
    %mul3A_543 = arith.constant 1024 : i32
    %mul3A_544 = arith.muli %scan3A, %mul3A_543 : i32
    %get3A_545 = arith.index_cast %mul3A_544 : i32 to index
    %get3A_546 = arith.constant 3968 : index
    %get3A_547 = vector.load %arg5[%get3A_545, %get3A_546] : memref<1024x8192xf32, #tpu.memory_space<vmem>>, vector<1024x128xf32>
    %get3A_548 = arith.constant 0 : index
    %get3A_549 = arith.constant 3968 : index
    %get3A_550 = vector.load %arg3[%get3A_548, %get3A_549] : memref<1x8192xf32, #tpu.memory_space<vmem>>, vector<1x128xf32>
    %add3A_551 = vector.broadcast %get3A_550 : vector<1x128xf32> to vector<1024x128xf32>
    %add3A_552 = arith.addf %add3A_551, %get3A_547 : vector<1024x128xf32>
    %add3A_553 = vector.broadcast %broadcast_in_dim3A : vector<1024x1xf32> to vector<1024x128xf32>
    %add3A_554 = arith.addf %add3A_552, %add3A_553 : vector<1024x128xf32>
    %lt3A_555 = arith.cmpf olt, %add3A_554, %min3A_542 : vector<1024x128xf32>
    %jit3A_556 = arith.constant 31 : i32
    %broadcast_in_dim3A_557 = vector.broadcast %jit3A_556 : i32 to vector<1024x128xi32>
    %select_n3A_558 = arith.select %lt3A_555, %broadcast_in_dim3A_557, %select_n3A_541 : vector<1024x128xi1>, vector<1024x128xi32>
    %min3A_559 = arith.minimumf %min3A_542, %add3A_554 : vector<1024x128xf32>
    %mul3A_560 = arith.constant 1024 : i32
    %mul3A_561 = arith.muli %scan3A, %mul3A_560 : i32
    %get3A_562 = arith.index_cast %mul3A_561 : i32 to index
    %get3A_563 = arith.constant 4096 : index
    %get3A_564 = vector.load %arg5[%get3A_562, %get3A_563] : memref<1024x8192xf32, #tpu.memory_space<vmem>>, vector<1024x128xf32>
    %get3A_565 = arith.constant 0 : index
    %get3A_566 = arith.constant 4096 : index
    %get3A_567 = vector.load %arg3[%get3A_565, %get3A_566] : memref<1x8192xf32, #tpu.memory_space<vmem>>, vector<1x128xf32>
    %add3A_568 = vector.broadcast %get3A_567 : vector<1x128xf32> to vector<1024x128xf32>
    %add3A_569 = arith.addf %add3A_568, %get3A_564 : vector<1024x128xf32>
    %add3A_570 = vector.broadcast %broadcast_in_dim3A : vector<1024x1xf32> to vector<1024x128xf32>
    %add3A_571 = arith.addf %add3A_569, %add3A_570 : vector<1024x128xf32>
    %lt3A_572 = arith.cmpf olt, %add3A_571, %min3A_559 : vector<1024x128xf32>
    %jit3A_573 = arith.constant 32 : i32
    %broadcast_in_dim3A_574 = vector.broadcast %jit3A_573 : i32 to vector<1024x128xi32>
    %select_n3A_575 = arith.select %lt3A_572, %broadcast_in_dim3A_574, %select_n3A_558 : vector<1024x128xi1>, vector<1024x128xi32>
    %min3A_576 = arith.minimumf %min3A_559, %add3A_571 : vector<1024x128xf32>
    %mul3A_577 = arith.constant 1024 : i32
    %mul3A_578 = arith.muli %scan3A, %mul3A_577 : i32
    %get3A_579 = arith.index_cast %mul3A_578 : i32 to index
    %get3A_580 = arith.constant 4224 : index
    %get3A_581 = vector.load %arg5[%get3A_579, %get3A_580] : memref<1024x8192xf32, #tpu.memory_space<vmem>>, vector<1024x128xf32>
    %get3A_582 = arith.constant 0 : index
    %get3A_583 = arith.constant 4224 : index
    %get3A_584 = vector.load %arg3[%get3A_582, %get3A_583] : memref<1x8192xf32, #tpu.memory_space<vmem>>, vector<1x128xf32>
    %add3A_585 = vector.broadcast %get3A_584 : vector<1x128xf32> to vector<1024x128xf32>
    %add3A_586 = arith.addf %add3A_585, %get3A_581 : vector<1024x128xf32>
    %add3A_587 = vector.broadcast %broadcast_in_dim3A : vector<1024x1xf32> to vector<1024x128xf32>
    %add3A_588 = arith.addf %add3A_586, %add3A_587 : vector<1024x128xf32>
    %lt3A_589 = arith.cmpf olt, %add3A_588, %min3A_576 : vector<1024x128xf32>
    %jit3A_590 = arith.constant 33 : i32
    %broadcast_in_dim3A_591 = vector.broadcast %jit3A_590 : i32 to vector<1024x128xi32>
    %select_n3A_592 = arith.select %lt3A_589, %broadcast_in_dim3A_591, %select_n3A_575 : vector<1024x128xi1>, vector<1024x128xi32>
    %min3A_593 = arith.minimumf %min3A_576, %add3A_588 : vector<1024x128xf32>
    %mul3A_594 = arith.constant 1024 : i32
    %mul3A_595 = arith.muli %scan3A, %mul3A_594 : i32
    %get3A_596 = arith.index_cast %mul3A_595 : i32 to index
    %get3A_597 = arith.constant 4352 : index
    %get3A_598 = vector.load %arg5[%get3A_596, %get3A_597] : memref<1024x8192xf32, #tpu.memory_space<vmem>>, vector<1024x128xf32>
    %get3A_599 = arith.constant 0 : index
    %get3A_600 = arith.constant 4352 : index
    %get3A_601 = vector.load %arg3[%get3A_599, %get3A_600] : memref<1x8192xf32, #tpu.memory_space<vmem>>, vector<1x128xf32>
    %add3A_602 = vector.broadcast %get3A_601 : vector<1x128xf32> to vector<1024x128xf32>
    %add3A_603 = arith.addf %add3A_602, %get3A_598 : vector<1024x128xf32>
    %add3A_604 = vector.broadcast %broadcast_in_dim3A : vector<1024x1xf32> to vector<1024x128xf32>
    %add3A_605 = arith.addf %add3A_603, %add3A_604 : vector<1024x128xf32>
    %lt3A_606 = arith.cmpf olt, %add3A_605, %min3A_593 : vector<1024x128xf32>
    %jit3A_607 = arith.constant 34 : i32
    %broadcast_in_dim3A_608 = vector.broadcast %jit3A_607 : i32 to vector<1024x128xi32>
    %select_n3A_609 = arith.select %lt3A_606, %broadcast_in_dim3A_608, %select_n3A_592 : vector<1024x128xi1>, vector<1024x128xi32>
    %min3A_610 = arith.minimumf %min3A_593, %add3A_605 : vector<1024x128xf32>
    %mul3A_611 = arith.constant 1024 : i32
    %mul3A_612 = arith.muli %scan3A, %mul3A_611 : i32
    %get3A_613 = arith.index_cast %mul3A_612 : i32 to index
    %get3A_614 = arith.constant 4480 : index
    %get3A_615 = vector.load %arg5[%get3A_613, %get3A_614] : memref<1024x8192xf32, #tpu.memory_space<vmem>>, vector<1024x128xf32>
    %get3A_616 = arith.constant 0 : index
    %get3A_617 = arith.constant 4480 : index
    %get3A_618 = vector.load %arg3[%get3A_616, %get3A_617] : memref<1x8192xf32, #tpu.memory_space<vmem>>, vector<1x128xf32>
    %add3A_619 = vector.broadcast %get3A_618 : vector<1x128xf32> to vector<1024x128xf32>
    %add3A_620 = arith.addf %add3A_619, %get3A_615 : vector<1024x128xf32>
    %add3A_621 = vector.broadcast %broadcast_in_dim3A : vector<1024x1xf32> to vector<1024x128xf32>
    %add3A_622 = arith.addf %add3A_620, %add3A_621 : vector<1024x128xf32>
    %lt3A_623 = arith.cmpf olt, %add3A_622, %min3A_610 : vector<1024x128xf32>
    %jit3A_624 = arith.constant 35 : i32
    %broadcast_in_dim3A_625 = vector.broadcast %jit3A_624 : i32 to vector<1024x128xi32>
    %select_n3A_626 = arith.select %lt3A_623, %broadcast_in_dim3A_625, %select_n3A_609 : vector<1024x128xi1>, vector<1024x128xi32>
    %min3A_627 = arith.minimumf %min3A_610, %add3A_622 : vector<1024x128xf32>
    %mul3A_628 = arith.constant 1024 : i32
    %mul3A_629 = arith.muli %scan3A, %mul3A_628 : i32
    %get3A_630 = arith.index_cast %mul3A_629 : i32 to index
    %get3A_631 = arith.constant 4608 : index
    %get3A_632 = vector.load %arg5[%get3A_630, %get3A_631] : memref<1024x8192xf32, #tpu.memory_space<vmem>>, vector<1024x128xf32>
    %get3A_633 = arith.constant 0 : index
    %get3A_634 = arith.constant 4608 : index
    %get3A_635 = vector.load %arg3[%get3A_633, %get3A_634] : memref<1x8192xf32, #tpu.memory_space<vmem>>, vector<1x128xf32>
    %add3A_636 = vector.broadcast %get3A_635 : vector<1x128xf32> to vector<1024x128xf32>
    %add3A_637 = arith.addf %add3A_636, %get3A_632 : vector<1024x128xf32>
    %add3A_638 = vector.broadcast %broadcast_in_dim3A : vector<1024x1xf32> to vector<1024x128xf32>
    %add3A_639 = arith.addf %add3A_637, %add3A_638 : vector<1024x128xf32>
    %lt3A_640 = arith.cmpf olt, %add3A_639, %min3A_627 : vector<1024x128xf32>
    %jit3A_641 = arith.constant 36 : i32
    %broadcast_in_dim3A_642 = vector.broadcast %jit3A_641 : i32 to vector<1024x128xi32>
    %select_n3A_643 = arith.select %lt3A_640, %broadcast_in_dim3A_642, %select_n3A_626 : vector<1024x128xi1>, vector<1024x128xi32>
    %min3A_644 = arith.minimumf %min3A_627, %add3A_639 : vector<1024x128xf32>
    %mul3A_645 = arith.constant 1024 : i32
    %mul3A_646 = arith.muli %scan3A, %mul3A_645 : i32
    %get3A_647 = arith.index_cast %mul3A_646 : i32 to index
    %get3A_648 = arith.constant 4736 : index
    %get3A_649 = vector.load %arg5[%get3A_647, %get3A_648] : memref<1024x8192xf32, #tpu.memory_space<vmem>>, vector<1024x128xf32>
    %get3A_650 = arith.constant 0 : index
    %get3A_651 = arith.constant 4736 : index
    %get3A_652 = vector.load %arg3[%get3A_650, %get3A_651] : memref<1x8192xf32, #tpu.memory_space<vmem>>, vector<1x128xf32>
    %add3A_653 = vector.broadcast %get3A_652 : vector<1x128xf32> to vector<1024x128xf32>
    %add3A_654 = arith.addf %add3A_653, %get3A_649 : vector<1024x128xf32>
    %add3A_655 = vector.broadcast %broadcast_in_dim3A : vector<1024x1xf32> to vector<1024x128xf32>
    %add3A_656 = arith.addf %add3A_654, %add3A_655 : vector<1024x128xf32>
    %lt3A_657 = arith.cmpf olt, %add3A_656, %min3A_644 : vector<1024x128xf32>
    %jit3A_658 = arith.constant 37 : i32
    %broadcast_in_dim3A_659 = vector.broadcast %jit3A_658 : i32 to vector<1024x128xi32>
    %select_n3A_660 = arith.select %lt3A_657, %broadcast_in_dim3A_659, %select_n3A_643 : vector<1024x128xi1>, vector<1024x128xi32>
    %min3A_661 = arith.minimumf %min3A_644, %add3A_656 : vector<1024x128xf32>
    %mul3A_662 = arith.constant 1024 : i32
    %mul3A_663 = arith.muli %scan3A, %mul3A_662 : i32
    %get3A_664 = arith.index_cast %mul3A_663 : i32 to index
    %get3A_665 = arith.constant 4864 : index
    %get3A_666 = vector.load %arg5[%get3A_664, %get3A_665] : memref<1024x8192xf32, #tpu.memory_space<vmem>>, vector<1024x128xf32>
    %get3A_667 = arith.constant 0 : index
    %get3A_668 = arith.constant 4864 : index
    %get3A_669 = vector.load %arg3[%get3A_667, %get3A_668] : memref<1x8192xf32, #tpu.memory_space<vmem>>, vector<1x128xf32>
    %add3A_670 = vector.broadcast %get3A_669 : vector<1x128xf32> to vector<1024x128xf32>
    %add3A_671 = arith.addf %add3A_670, %get3A_666 : vector<1024x128xf32>
    %add3A_672 = vector.broadcast %broadcast_in_dim3A : vector<1024x1xf32> to vector<1024x128xf32>
    %add3A_673 = arith.addf %add3A_671, %add3A_672 : vector<1024x128xf32>
    %lt3A_674 = arith.cmpf olt, %add3A_673, %min3A_661 : vector<1024x128xf32>
    %jit3A_675 = arith.constant 38 : i32
    %broadcast_in_dim3A_676 = vector.broadcast %jit3A_675 : i32 to vector<1024x128xi32>
    %select_n3A_677 = arith.select %lt3A_674, %broadcast_in_dim3A_676, %select_n3A_660 : vector<1024x128xi1>, vector<1024x128xi32>
    %min3A_678 = arith.minimumf %min3A_661, %add3A_673 : vector<1024x128xf32>
    %mul3A_679 = arith.constant 1024 : i32
    %mul3A_680 = arith.muli %scan3A, %mul3A_679 : i32
    %get3A_681 = arith.index_cast %mul3A_680 : i32 to index
    %get3A_682 = arith.constant 4992 : index
    %get3A_683 = vector.load %arg5[%get3A_681, %get3A_682] : memref<1024x8192xf32, #tpu.memory_space<vmem>>, vector<1024x128xf32>
    %get3A_684 = arith.constant 0 : index
    %get3A_685 = arith.constant 4992 : index
    %get3A_686 = vector.load %arg3[%get3A_684, %get3A_685] : memref<1x8192xf32, #tpu.memory_space<vmem>>, vector<1x128xf32>
    %add3A_687 = vector.broadcast %get3A_686 : vector<1x128xf32> to vector<1024x128xf32>
    %add3A_688 = arith.addf %add3A_687, %get3A_683 : vector<1024x128xf32>
    %add3A_689 = vector.broadcast %broadcast_in_dim3A : vector<1024x1xf32> to vector<1024x128xf32>
    %add3A_690 = arith.addf %add3A_688, %add3A_689 : vector<1024x128xf32>
    %lt3A_691 = arith.cmpf olt, %add3A_690, %min3A_678 : vector<1024x128xf32>
    %jit3A_692 = arith.constant 39 : i32
    %broadcast_in_dim3A_693 = vector.broadcast %jit3A_692 : i32 to vector<1024x128xi32>
    %select_n3A_694 = arith.select %lt3A_691, %broadcast_in_dim3A_693, %select_n3A_677 : vector<1024x128xi1>, vector<1024x128xi32>
    %min3A_695 = arith.minimumf %min3A_678, %add3A_690 : vector<1024x128xf32>
    %mul3A_696 = arith.constant 1024 : i32
    %mul3A_697 = arith.muli %scan3A, %mul3A_696 : i32
    %get3A_698 = arith.index_cast %mul3A_697 : i32 to index
    %get3A_699 = arith.constant 5120 : index
    %get3A_700 = vector.load %arg5[%get3A_698, %get3A_699] : memref<1024x8192xf32, #tpu.memory_space<vmem>>, vector<1024x128xf32>
    %get3A_701 = arith.constant 0 : index
    %get3A_702 = arith.constant 5120 : index
    %get3A_703 = vector.load %arg3[%get3A_701, %get3A_702] : memref<1x8192xf32, #tpu.memory_space<vmem>>, vector<1x128xf32>
    %add3A_704 = vector.broadcast %get3A_703 : vector<1x128xf32> to vector<1024x128xf32>
    %add3A_705 = arith.addf %add3A_704, %get3A_700 : vector<1024x128xf32>
    %add3A_706 = vector.broadcast %broadcast_in_dim3A : vector<1024x1xf32> to vector<1024x128xf32>
    %add3A_707 = arith.addf %add3A_705, %add3A_706 : vector<1024x128xf32>
    %lt3A_708 = arith.cmpf olt, %add3A_707, %min3A_695 : vector<1024x128xf32>
    %jit3A_709 = arith.constant 40 : i32
    %broadcast_in_dim3A_710 = vector.broadcast %jit3A_709 : i32 to vector<1024x128xi32>
    %select_n3A_711 = arith.select %lt3A_708, %broadcast_in_dim3A_710, %select_n3A_694 : vector<1024x128xi1>, vector<1024x128xi32>
    %min3A_712 = arith.minimumf %min3A_695, %add3A_707 : vector<1024x128xf32>
    %mul3A_713 = arith.constant 1024 : i32
    %mul3A_714 = arith.muli %scan3A, %mul3A_713 : i32
    %get3A_715 = arith.index_cast %mul3A_714 : i32 to index
    %get3A_716 = arith.constant 5248 : index
    %get3A_717 = vector.load %arg5[%get3A_715, %get3A_716] : memref<1024x8192xf32, #tpu.memory_space<vmem>>, vector<1024x128xf32>
    %get3A_718 = arith.constant 0 : index
    %get3A_719 = arith.constant 5248 : index
    %get3A_720 = vector.load %arg3[%get3A_718, %get3A_719] : memref<1x8192xf32, #tpu.memory_space<vmem>>, vector<1x128xf32>
    %add3A_721 = vector.broadcast %get3A_720 : vector<1x128xf32> to vector<1024x128xf32>
    %add3A_722 = arith.addf %add3A_721, %get3A_717 : vector<1024x128xf32>
    %add3A_723 = vector.broadcast %broadcast_in_dim3A : vector<1024x1xf32> to vector<1024x128xf32>
    %add3A_724 = arith.addf %add3A_722, %add3A_723 : vector<1024x128xf32>
    %lt3A_725 = arith.cmpf olt, %add3A_724, %min3A_712 : vector<1024x128xf32>
    %jit3A_726 = arith.constant 41 : i32
    %broadcast_in_dim3A_727 = vector.broadcast %jit3A_726 : i32 to vector<1024x128xi32>
    %select_n3A_728 = arith.select %lt3A_725, %broadcast_in_dim3A_727, %select_n3A_711 : vector<1024x128xi1>, vector<1024x128xi32>
    %min3A_729 = arith.minimumf %min3A_712, %add3A_724 : vector<1024x128xf32>
    %mul3A_730 = arith.constant 1024 : i32
    %mul3A_731 = arith.muli %scan3A, %mul3A_730 : i32
    %get3A_732 = arith.index_cast %mul3A_731 : i32 to index
    %get3A_733 = arith.constant 5376 : index
    %get3A_734 = vector.load %arg5[%get3A_732, %get3A_733] : memref<1024x8192xf32, #tpu.memory_space<vmem>>, vector<1024x128xf32>
    %get3A_735 = arith.constant 0 : index
    %get3A_736 = arith.constant 5376 : index
    %get3A_737 = vector.load %arg3[%get3A_735, %get3A_736] : memref<1x8192xf32, #tpu.memory_space<vmem>>, vector<1x128xf32>
    %add3A_738 = vector.broadcast %get3A_737 : vector<1x128xf32> to vector<1024x128xf32>
    %add3A_739 = arith.addf %add3A_738, %get3A_734 : vector<1024x128xf32>
    %add3A_740 = vector.broadcast %broadcast_in_dim3A : vector<1024x1xf32> to vector<1024x128xf32>
    %add3A_741 = arith.addf %add3A_739, %add3A_740 : vector<1024x128xf32>
    %lt3A_742 = arith.cmpf olt, %add3A_741, %min3A_729 : vector<1024x128xf32>
    %jit3A_743 = arith.constant 42 : i32
    %broadcast_in_dim3A_744 = vector.broadcast %jit3A_743 : i32 to vector<1024x128xi32>
    %select_n3A_745 = arith.select %lt3A_742, %broadcast_in_dim3A_744, %select_n3A_728 : vector<1024x128xi1>, vector<1024x128xi32>
    %min3A_746 = arith.minimumf %min3A_729, %add3A_741 : vector<1024x128xf32>
    %mul3A_747 = arith.constant 1024 : i32
    %mul3A_748 = arith.muli %scan3A, %mul3A_747 : i32
    %get3A_749 = arith.index_cast %mul3A_748 : i32 to index
    %get3A_750 = arith.constant 5504 : index
    %get3A_751 = vector.load %arg5[%get3A_749, %get3A_750] : memref<1024x8192xf32, #tpu.memory_space<vmem>>, vector<1024x128xf32>
    %get3A_752 = arith.constant 0 : index
    %get3A_753 = arith.constant 5504 : index
    %get3A_754 = vector.load %arg3[%get3A_752, %get3A_753] : memref<1x8192xf32, #tpu.memory_space<vmem>>, vector<1x128xf32>
    %add3A_755 = vector.broadcast %get3A_754 : vector<1x128xf32> to vector<1024x128xf32>
    %add3A_756 = arith.addf %add3A_755, %get3A_751 : vector<1024x128xf32>
    %add3A_757 = vector.broadcast %broadcast_in_dim3A : vector<1024x1xf32> to vector<1024x128xf32>
    %add3A_758 = arith.addf %add3A_756, %add3A_757 : vector<1024x128xf32>
    %lt3A_759 = arith.cmpf olt, %add3A_758, %min3A_746 : vector<1024x128xf32>
    %jit3A_760 = arith.constant 43 : i32
    %broadcast_in_dim3A_761 = vector.broadcast %jit3A_760 : i32 to vector<1024x128xi32>
    %select_n3A_762 = arith.select %lt3A_759, %broadcast_in_dim3A_761, %select_n3A_745 : vector<1024x128xi1>, vector<1024x128xi32>
    %min3A_763 = arith.minimumf %min3A_746, %add3A_758 : vector<1024x128xf32>
    %mul3A_764 = arith.constant 1024 : i32
    %mul3A_765 = arith.muli %scan3A, %mul3A_764 : i32
    %get3A_766 = arith.index_cast %mul3A_765 : i32 to index
    %get3A_767 = arith.constant 5632 : index
    %get3A_768 = vector.load %arg5[%get3A_766, %get3A_767] : memref<1024x8192xf32, #tpu.memory_space<vmem>>, vector<1024x128xf32>
    %get3A_769 = arith.constant 0 : index
    %get3A_770 = arith.constant 5632 : index
    %get3A_771 = vector.load %arg3[%get3A_769, %get3A_770] : memref<1x8192xf32, #tpu.memory_space<vmem>>, vector<1x128xf32>
    %add3A_772 = vector.broadcast %get3A_771 : vector<1x128xf32> to vector<1024x128xf32>
    %add3A_773 = arith.addf %add3A_772, %get3A_768 : vector<1024x128xf32>
    %add3A_774 = vector.broadcast %broadcast_in_dim3A : vector<1024x1xf32> to vector<1024x128xf32>
    %add3A_775 = arith.addf %add3A_773, %add3A_774 : vector<1024x128xf32>
    %lt3A_776 = arith.cmpf olt, %add3A_775, %min3A_763 : vector<1024x128xf32>
    %jit3A_777 = arith.constant 44 : i32
    %broadcast_in_dim3A_778 = vector.broadcast %jit3A_777 : i32 to vector<1024x128xi32>
    %select_n3A_779 = arith.select %lt3A_776, %broadcast_in_dim3A_778, %select_n3A_762 : vector<1024x128xi1>, vector<1024x128xi32>
    %min3A_780 = arith.minimumf %min3A_763, %add3A_775 : vector<1024x128xf32>
    %mul3A_781 = arith.constant 1024 : i32
    %mul3A_782 = arith.muli %scan3A, %mul3A_781 : i32
    %get3A_783 = arith.index_cast %mul3A_782 : i32 to index
    %get3A_784 = arith.constant 5760 : index
    %get3A_785 = vector.load %arg5[%get3A_783, %get3A_784] : memref<1024x8192xf32, #tpu.memory_space<vmem>>, vector<1024x128xf32>
    %get3A_786 = arith.constant 0 : index
    %get3A_787 = arith.constant 5760 : index
    %get3A_788 = vector.load %arg3[%get3A_786, %get3A_787] : memref<1x8192xf32, #tpu.memory_space<vmem>>, vector<1x128xf32>
    %add3A_789 = vector.broadcast %get3A_788 : vector<1x128xf32> to vector<1024x128xf32>
    %add3A_790 = arith.addf %add3A_789, %get3A_785 : vector<1024x128xf32>
    %add3A_791 = vector.broadcast %broadcast_in_dim3A : vector<1024x1xf32> to vector<1024x128xf32>
    %add3A_792 = arith.addf %add3A_790, %add3A_791 : vector<1024x128xf32>
    %lt3A_793 = arith.cmpf olt, %add3A_792, %min3A_780 : vector<1024x128xf32>
    %jit3A_794 = arith.constant 45 : i32
    %broadcast_in_dim3A_795 = vector.broadcast %jit3A_794 : i32 to vector<1024x128xi32>
    %select_n3A_796 = arith.select %lt3A_793, %broadcast_in_dim3A_795, %select_n3A_779 : vector<1024x128xi1>, vector<1024x128xi32>
    %min3A_797 = arith.minimumf %min3A_780, %add3A_792 : vector<1024x128xf32>
    %mul3A_798 = arith.constant 1024 : i32
    %mul3A_799 = arith.muli %scan3A, %mul3A_798 : i32
    %get3A_800 = arith.index_cast %mul3A_799 : i32 to index
    %get3A_801 = arith.constant 5888 : index
    %get3A_802 = vector.load %arg5[%get3A_800, %get3A_801] : memref<1024x8192xf32, #tpu.memory_space<vmem>>, vector<1024x128xf32>
    %get3A_803 = arith.constant 0 : index
    %get3A_804 = arith.constant 5888 : index
    %get3A_805 = vector.load %arg3[%get3A_803, %get3A_804] : memref<1x8192xf32, #tpu.memory_space<vmem>>, vector<1x128xf32>
    %add3A_806 = vector.broadcast %get3A_805 : vector<1x128xf32> to vector<1024x128xf32>
    %add3A_807 = arith.addf %add3A_806, %get3A_802 : vector<1024x128xf32>
    %add3A_808 = vector.broadcast %broadcast_in_dim3A : vector<1024x1xf32> to vector<1024x128xf32>
    %add3A_809 = arith.addf %add3A_807, %add3A_808 : vector<1024x128xf32>
    %lt3A_810 = arith.cmpf olt, %add3A_809, %min3A_797 : vector<1024x128xf32>
    %jit3A_811 = arith.constant 46 : i32
    %broadcast_in_dim3A_812 = vector.broadcast %jit3A_811 : i32 to vector<1024x128xi32>
    %select_n3A_813 = arith.select %lt3A_810, %broadcast_in_dim3A_812, %select_n3A_796 : vector<1024x128xi1>, vector<1024x128xi32>
    %min3A_814 = arith.minimumf %min3A_797, %add3A_809 : vector<1024x128xf32>
    %mul3A_815 = arith.constant 1024 : i32
    %mul3A_816 = arith.muli %scan3A, %mul3A_815 : i32
    %get3A_817 = arith.index_cast %mul3A_816 : i32 to index
    %get3A_818 = arith.constant 6016 : index
    %get3A_819 = vector.load %arg5[%get3A_817, %get3A_818] : memref<1024x8192xf32, #tpu.memory_space<vmem>>, vector<1024x128xf32>
    %get3A_820 = arith.constant 0 : index
    %get3A_821 = arith.constant 6016 : index
    %get3A_822 = vector.load %arg3[%get3A_820, %get3A_821] : memref<1x8192xf32, #tpu.memory_space<vmem>>, vector<1x128xf32>
    %add3A_823 = vector.broadcast %get3A_822 : vector<1x128xf32> to vector<1024x128xf32>
    %add3A_824 = arith.addf %add3A_823, %get3A_819 : vector<1024x128xf32>
    %add3A_825 = vector.broadcast %broadcast_in_dim3A : vector<1024x1xf32> to vector<1024x128xf32>
    %add3A_826 = arith.addf %add3A_824, %add3A_825 : vector<1024x128xf32>
    %lt3A_827 = arith.cmpf olt, %add3A_826, %min3A_814 : vector<1024x128xf32>
    %jit3A_828 = arith.constant 47 : i32
    %broadcast_in_dim3A_829 = vector.broadcast %jit3A_828 : i32 to vector<1024x128xi32>
    %select_n3A_830 = arith.select %lt3A_827, %broadcast_in_dim3A_829, %select_n3A_813 : vector<1024x128xi1>, vector<1024x128xi32>
    %min3A_831 = arith.minimumf %min3A_814, %add3A_826 : vector<1024x128xf32>
    %mul3A_832 = arith.constant 1024 : i32
    %mul3A_833 = arith.muli %scan3A, %mul3A_832 : i32
    %get3A_834 = arith.index_cast %mul3A_833 : i32 to index
    %get3A_835 = arith.constant 6144 : index
    %get3A_836 = vector.load %arg5[%get3A_834, %get3A_835] : memref<1024x8192xf32, #tpu.memory_space<vmem>>, vector<1024x128xf32>
    %get3A_837 = arith.constant 0 : index
    %get3A_838 = arith.constant 6144 : index
    %get3A_839 = vector.load %arg3[%get3A_837, %get3A_838] : memref<1x8192xf32, #tpu.memory_space<vmem>>, vector<1x128xf32>
    %add3A_840 = vector.broadcast %get3A_839 : vector<1x128xf32> to vector<1024x128xf32>
    %add3A_841 = arith.addf %add3A_840, %get3A_836 : vector<1024x128xf32>
    %add3A_842 = vector.broadcast %broadcast_in_dim3A : vector<1024x1xf32> to vector<1024x128xf32>
    %add3A_843 = arith.addf %add3A_841, %add3A_842 : vector<1024x128xf32>
    %lt3A_844 = arith.cmpf olt, %add3A_843, %min3A_831 : vector<1024x128xf32>
    %jit3A_845 = arith.constant 48 : i32
    %broadcast_in_dim3A_846 = vector.broadcast %jit3A_845 : i32 to vector<1024x128xi32>
    %select_n3A_847 = arith.select %lt3A_844, %broadcast_in_dim3A_846, %select_n3A_830 : vector<1024x128xi1>, vector<1024x128xi32>
    %min3A_848 = arith.minimumf %min3A_831, %add3A_843 : vector<1024x128xf32>
    %mul3A_849 = arith.constant 1024 : i32
    %mul3A_850 = arith.muli %scan3A, %mul3A_849 : i32
    %get3A_851 = arith.index_cast %mul3A_850 : i32 to index
    %get3A_852 = arith.constant 6272 : index
    %get3A_853 = vector.load %arg5[%get3A_851, %get3A_852] : memref<1024x8192xf32, #tpu.memory_space<vmem>>, vector<1024x128xf32>
    %get3A_854 = arith.constant 0 : index
    %get3A_855 = arith.constant 6272 : index
    %get3A_856 = vector.load %arg3[%get3A_854, %get3A_855] : memref<1x8192xf32, #tpu.memory_space<vmem>>, vector<1x128xf32>
    %add3A_857 = vector.broadcast %get3A_856 : vector<1x128xf32> to vector<1024x128xf32>
    %add3A_858 = arith.addf %add3A_857, %get3A_853 : vector<1024x128xf32>
    %add3A_859 = vector.broadcast %broadcast_in_dim3A : vector<1024x1xf32> to vector<1024x128xf32>
    %add3A_860 = arith.addf %add3A_858, %add3A_859 : vector<1024x128xf32>
    %lt3A_861 = arith.cmpf olt, %add3A_860, %min3A_848 : vector<1024x128xf32>
    %jit3A_862 = arith.constant 49 : i32
    %broadcast_in_dim3A_863 = vector.broadcast %jit3A_862 : i32 to vector<1024x128xi32>
    %select_n3A_864 = arith.select %lt3A_861, %broadcast_in_dim3A_863, %select_n3A_847 : vector<1024x128xi1>, vector<1024x128xi32>
    %min3A_865 = arith.minimumf %min3A_848, %add3A_860 : vector<1024x128xf32>
    %mul3A_866 = arith.constant 1024 : i32
    %mul3A_867 = arith.muli %scan3A, %mul3A_866 : i32
    %get3A_868 = arith.index_cast %mul3A_867 : i32 to index
    %get3A_869 = arith.constant 6400 : index
    %get3A_870 = vector.load %arg5[%get3A_868, %get3A_869] : memref<1024x8192xf32, #tpu.memory_space<vmem>>, vector<1024x128xf32>
    %get3A_871 = arith.constant 0 : index
    %get3A_872 = arith.constant 6400 : index
    %get3A_873 = vector.load %arg3[%get3A_871, %get3A_872] : memref<1x8192xf32, #tpu.memory_space<vmem>>, vector<1x128xf32>
    %add3A_874 = vector.broadcast %get3A_873 : vector<1x128xf32> to vector<1024x128xf32>
    %add3A_875 = arith.addf %add3A_874, %get3A_870 : vector<1024x128xf32>
    %add3A_876 = vector.broadcast %broadcast_in_dim3A : vector<1024x1xf32> to vector<1024x128xf32>
    %add3A_877 = arith.addf %add3A_875, %add3A_876 : vector<1024x128xf32>
    %lt3A_878 = arith.cmpf olt, %add3A_877, %min3A_865 : vector<1024x128xf32>
    %jit3A_879 = arith.constant 50 : i32
    %broadcast_in_dim3A_880 = vector.broadcast %jit3A_879 : i32 to vector<1024x128xi32>
    %select_n3A_881 = arith.select %lt3A_878, %broadcast_in_dim3A_880, %select_n3A_864 : vector<1024x128xi1>, vector<1024x128xi32>
    %min3A_882 = arith.minimumf %min3A_865, %add3A_877 : vector<1024x128xf32>
    %mul3A_883 = arith.constant 1024 : i32
    %mul3A_884 = arith.muli %scan3A, %mul3A_883 : i32
    %get3A_885 = arith.index_cast %mul3A_884 : i32 to index
    %get3A_886 = arith.constant 6528 : index
    %get3A_887 = vector.load %arg5[%get3A_885, %get3A_886] : memref<1024x8192xf32, #tpu.memory_space<vmem>>, vector<1024x128xf32>
    %get3A_888 = arith.constant 0 : index
    %get3A_889 = arith.constant 6528 : index
    %get3A_890 = vector.load %arg3[%get3A_888, %get3A_889] : memref<1x8192xf32, #tpu.memory_space<vmem>>, vector<1x128xf32>
    %add3A_891 = vector.broadcast %get3A_890 : vector<1x128xf32> to vector<1024x128xf32>
    %add3A_892 = arith.addf %add3A_891, %get3A_887 : vector<1024x128xf32>
    %add3A_893 = vector.broadcast %broadcast_in_dim3A : vector<1024x1xf32> to vector<1024x128xf32>
    %add3A_894 = arith.addf %add3A_892, %add3A_893 : vector<1024x128xf32>
    %lt3A_895 = arith.cmpf olt, %add3A_894, %min3A_882 : vector<1024x128xf32>
    %jit3A_896 = arith.constant 51 : i32
    %broadcast_in_dim3A_897 = vector.broadcast %jit3A_896 : i32 to vector<1024x128xi32>
    %select_n3A_898 = arith.select %lt3A_895, %broadcast_in_dim3A_897, %select_n3A_881 : vector<1024x128xi1>, vector<1024x128xi32>
    %min3A_899 = arith.minimumf %min3A_882, %add3A_894 : vector<1024x128xf32>
    %mul3A_900 = arith.constant 1024 : i32
    %mul3A_901 = arith.muli %scan3A, %mul3A_900 : i32
    %get3A_902 = arith.index_cast %mul3A_901 : i32 to index
    %get3A_903 = arith.constant 6656 : index
    %get3A_904 = vector.load %arg5[%get3A_902, %get3A_903] : memref<1024x8192xf32, #tpu.memory_space<vmem>>, vector<1024x128xf32>
    %get3A_905 = arith.constant 0 : index
    %get3A_906 = arith.constant 6656 : index
    %get3A_907 = vector.load %arg3[%get3A_905, %get3A_906] : memref<1x8192xf32, #tpu.memory_space<vmem>>, vector<1x128xf32>
    %add3A_908 = vector.broadcast %get3A_907 : vector<1x128xf32> to vector<1024x128xf32>
    %add3A_909 = arith.addf %add3A_908, %get3A_904 : vector<1024x128xf32>
    %add3A_910 = vector.broadcast %broadcast_in_dim3A : vector<1024x1xf32> to vector<1024x128xf32>
    %add3A_911 = arith.addf %add3A_909, %add3A_910 : vector<1024x128xf32>
    %lt3A_912 = arith.cmpf olt, %add3A_911, %min3A_899 : vector<1024x128xf32>
    %jit3A_913 = arith.constant 52 : i32
    %broadcast_in_dim3A_914 = vector.broadcast %jit3A_913 : i32 to vector<1024x128xi32>
    %select_n3A_915 = arith.select %lt3A_912, %broadcast_in_dim3A_914, %select_n3A_898 : vector<1024x128xi1>, vector<1024x128xi32>
    %min3A_916 = arith.minimumf %min3A_899, %add3A_911 : vector<1024x128xf32>
    %mul3A_917 = arith.constant 1024 : i32
    %mul3A_918 = arith.muli %scan3A, %mul3A_917 : i32
    %get3A_919 = arith.index_cast %mul3A_918 : i32 to index
    %get3A_920 = arith.constant 6784 : index
    %get3A_921 = vector.load %arg5[%get3A_919, %get3A_920] : memref<1024x8192xf32, #tpu.memory_space<vmem>>, vector<1024x128xf32>
    %get3A_922 = arith.constant 0 : index
    %get3A_923 = arith.constant 6784 : index
    %get3A_924 = vector.load %arg3[%get3A_922, %get3A_923] : memref<1x8192xf32, #tpu.memory_space<vmem>>, vector<1x128xf32>
    %add3A_925 = vector.broadcast %get3A_924 : vector<1x128xf32> to vector<1024x128xf32>
    %add3A_926 = arith.addf %add3A_925, %get3A_921 : vector<1024x128xf32>
    %add3A_927 = vector.broadcast %broadcast_in_dim3A : vector<1024x1xf32> to vector<1024x128xf32>
    %add3A_928 = arith.addf %add3A_926, %add3A_927 : vector<1024x128xf32>
    %lt3A_929 = arith.cmpf olt, %add3A_928, %min3A_916 : vector<1024x128xf32>
    %jit3A_930 = arith.constant 53 : i32
    %broadcast_in_dim3A_931 = vector.broadcast %jit3A_930 : i32 to vector<1024x128xi32>
    %select_n3A_932 = arith.select %lt3A_929, %broadcast_in_dim3A_931, %select_n3A_915 : vector<1024x128xi1>, vector<1024x128xi32>
    %min3A_933 = arith.minimumf %min3A_916, %add3A_928 : vector<1024x128xf32>
    %mul3A_934 = arith.constant 1024 : i32
    %mul3A_935 = arith.muli %scan3A, %mul3A_934 : i32
    %get3A_936 = arith.index_cast %mul3A_935 : i32 to index
    %get3A_937 = arith.constant 6912 : index
    %get3A_938 = vector.load %arg5[%get3A_936, %get3A_937] : memref<1024x8192xf32, #tpu.memory_space<vmem>>, vector<1024x128xf32>
    %get3A_939 = arith.constant 0 : index
    %get3A_940 = arith.constant 6912 : index
    %get3A_941 = vector.load %arg3[%get3A_939, %get3A_940] : memref<1x8192xf32, #tpu.memory_space<vmem>>, vector<1x128xf32>
    %add3A_942 = vector.broadcast %get3A_941 : vector<1x128xf32> to vector<1024x128xf32>
    %add3A_943 = arith.addf %add3A_942, %get3A_938 : vector<1024x128xf32>
    %add3A_944 = vector.broadcast %broadcast_in_dim3A : vector<1024x1xf32> to vector<1024x128xf32>
    %add3A_945 = arith.addf %add3A_943, %add3A_944 : vector<1024x128xf32>
    %lt3A_946 = arith.cmpf olt, %add3A_945, %min3A_933 : vector<1024x128xf32>
    %jit3A_947 = arith.constant 54 : i32
    %broadcast_in_dim3A_948 = vector.broadcast %jit3A_947 : i32 to vector<1024x128xi32>
    %select_n3A_949 = arith.select %lt3A_946, %broadcast_in_dim3A_948, %select_n3A_932 : vector<1024x128xi1>, vector<1024x128xi32>
    %min3A_950 = arith.minimumf %min3A_933, %add3A_945 : vector<1024x128xf32>
    %mul3A_951 = arith.constant 1024 : i32
    %mul3A_952 = arith.muli %scan3A, %mul3A_951 : i32
    %get3A_953 = arith.index_cast %mul3A_952 : i32 to index
    %get3A_954 = arith.constant 7040 : index
    %get3A_955 = vector.load %arg5[%get3A_953, %get3A_954] : memref<1024x8192xf32, #tpu.memory_space<vmem>>, vector<1024x128xf32>
    %get3A_956 = arith.constant 0 : index
    %get3A_957 = arith.constant 7040 : index
    %get3A_958 = vector.load %arg3[%get3A_956, %get3A_957] : memref<1x8192xf32, #tpu.memory_space<vmem>>, vector<1x128xf32>
    %add3A_959 = vector.broadcast %get3A_958 : vector<1x128xf32> to vector<1024x128xf32>
    %add3A_960 = arith.addf %add3A_959, %get3A_955 : vector<1024x128xf32>
    %add3A_961 = vector.broadcast %broadcast_in_dim3A : vector<1024x1xf32> to vector<1024x128xf32>
    %add3A_962 = arith.addf %add3A_960, %add3A_961 : vector<1024x128xf32>
    %lt3A_963 = arith.cmpf olt, %add3A_962, %min3A_950 : vector<1024x128xf32>
    %jit3A_964 = arith.constant 55 : i32
    %broadcast_in_dim3A_965 = vector.broadcast %jit3A_964 : i32 to vector<1024x128xi32>
    %select_n3A_966 = arith.select %lt3A_963, %broadcast_in_dim3A_965, %select_n3A_949 : vector<1024x128xi1>, vector<1024x128xi32>
    %min3A_967 = arith.minimumf %min3A_950, %add3A_962 : vector<1024x128xf32>
    %mul3A_968 = arith.constant 1024 : i32
    %mul3A_969 = arith.muli %scan3A, %mul3A_968 : i32
    %get3A_970 = arith.index_cast %mul3A_969 : i32 to index
    %get3A_971 = arith.constant 7168 : index
    %get3A_972 = vector.load %arg5[%get3A_970, %get3A_971] : memref<1024x8192xf32, #tpu.memory_space<vmem>>, vector<1024x128xf32>
    %get3A_973 = arith.constant 0 : index
    %get3A_974 = arith.constant 7168 : index
    %get3A_975 = vector.load %arg3[%get3A_973, %get3A_974] : memref<1x8192xf32, #tpu.memory_space<vmem>>, vector<1x128xf32>
    %add3A_976 = vector.broadcast %get3A_975 : vector<1x128xf32> to vector<1024x128xf32>
    %add3A_977 = arith.addf %add3A_976, %get3A_972 : vector<1024x128xf32>
    %add3A_978 = vector.broadcast %broadcast_in_dim3A : vector<1024x1xf32> to vector<1024x128xf32>
    %add3A_979 = arith.addf %add3A_977, %add3A_978 : vector<1024x128xf32>
    %lt3A_980 = arith.cmpf olt, %add3A_979, %min3A_967 : vector<1024x128xf32>
    %jit3A_981 = arith.constant 56 : i32
    %broadcast_in_dim3A_982 = vector.broadcast %jit3A_981 : i32 to vector<1024x128xi32>
    %select_n3A_983 = arith.select %lt3A_980, %broadcast_in_dim3A_982, %select_n3A_966 : vector<1024x128xi1>, vector<1024x128xi32>
    %min3A_984 = arith.minimumf %min3A_967, %add3A_979 : vector<1024x128xf32>
    %mul3A_985 = arith.constant 1024 : i32
    %mul3A_986 = arith.muli %scan3A, %mul3A_985 : i32
    %get3A_987 = arith.index_cast %mul3A_986 : i32 to index
    %get3A_988 = arith.constant 7296 : index
    %get3A_989 = vector.load %arg5[%get3A_987, %get3A_988] : memref<1024x8192xf32, #tpu.memory_space<vmem>>, vector<1024x128xf32>
    %get3A_990 = arith.constant 0 : index
    %get3A_991 = arith.constant 7296 : index
    %get3A_992 = vector.load %arg3[%get3A_990, %get3A_991] : memref<1x8192xf32, #tpu.memory_space<vmem>>, vector<1x128xf32>
    %add3A_993 = vector.broadcast %get3A_992 : vector<1x128xf32> to vector<1024x128xf32>
    %add3A_994 = arith.addf %add3A_993, %get3A_989 : vector<1024x128xf32>
    %add3A_995 = vector.broadcast %broadcast_in_dim3A : vector<1024x1xf32> to vector<1024x128xf32>
    %add3A_996 = arith.addf %add3A_994, %add3A_995 : vector<1024x128xf32>
    %lt3A_997 = arith.cmpf olt, %add3A_996, %min3A_984 : vector<1024x128xf32>
    %jit3A_998 = arith.constant 57 : i32
    %broadcast_in_dim3A_999 = vector.broadcast %jit3A_998 : i32 to vector<1024x128xi32>
    %select_n3A_1000 = arith.select %lt3A_997, %broadcast_in_dim3A_999, %select_n3A_983 : vector<1024x128xi1>, vector<1024x128xi32>
    %min3A_1001 = arith.minimumf %min3A_984, %add3A_996 : vector<1024x128xf32>
    %mul3A_1002 = arith.constant 1024 : i32
    %mul3A_1003 = arith.muli %scan3A, %mul3A_1002 : i32
    %get3A_1004 = arith.index_cast %mul3A_1003 : i32 to index
    %get3A_1005 = arith.constant 7424 : index
    %get3A_1006 = vector.load %arg5[%get3A_1004, %get3A_1005] : memref<1024x8192xf32, #tpu.memory_space<vmem>>, vector<1024x128xf32>
    %get3A_1007 = arith.constant 0 : index
    %get3A_1008 = arith.constant 7424 : index
    %get3A_1009 = vector.load %arg3[%get3A_1007, %get3A_1008] : memref<1x8192xf32, #tpu.memory_space<vmem>>, vector<1x128xf32>
    %add3A_1010 = vector.broadcast %get3A_1009 : vector<1x128xf32> to vector<1024x128xf32>
    %add3A_1011 = arith.addf %add3A_1010, %get3A_1006 : vector<1024x128xf32>
    %add3A_1012 = vector.broadcast %broadcast_in_dim3A : vector<1024x1xf32> to vector<1024x128xf32>
    %add3A_1013 = arith.addf %add3A_1011, %add3A_1012 : vector<1024x128xf32>
    %lt3A_1014 = arith.cmpf olt, %add3A_1013, %min3A_1001 : vector<1024x128xf32>
    %jit3A_1015 = arith.constant 58 : i32
    %broadcast_in_dim3A_1016 = vector.broadcast %jit3A_1015 : i32 to vector<1024x128xi32>
    %select_n3A_1017 = arith.select %lt3A_1014, %broadcast_in_dim3A_1016, %select_n3A_1000 : vector<1024x128xi1>, vector<1024x128xi32>
    %min3A_1018 = arith.minimumf %min3A_1001, %add3A_1013 : vector<1024x128xf32>
    %mul3A_1019 = arith.constant 1024 : i32
    %mul3A_1020 = arith.muli %scan3A, %mul3A_1019 : i32
    %get3A_1021 = arith.index_cast %mul3A_1020 : i32 to index
    %get3A_1022 = arith.constant 7552 : index
    %get3A_1023 = vector.load %arg5[%get3A_1021, %get3A_1022] : memref<1024x8192xf32, #tpu.memory_space<vmem>>, vector<1024x128xf32>
    %get3A_1024 = arith.constant 0 : index
    %get3A_1025 = arith.constant 7552 : index
    %get3A_1026 = vector.load %arg3[%get3A_1024, %get3A_1025] : memref<1x8192xf32, #tpu.memory_space<vmem>>, vector<1x128xf32>
    %add3A_1027 = vector.broadcast %get3A_1026 : vector<1x128xf32> to vector<1024x128xf32>
    %add3A_1028 = arith.addf %add3A_1027, %get3A_1023 : vector<1024x128xf32>
    %add3A_1029 = vector.broadcast %broadcast_in_dim3A : vector<1024x1xf32> to vector<1024x128xf32>
    %add3A_1030 = arith.addf %add3A_1028, %add3A_1029 : vector<1024x128xf32>
    %lt3A_1031 = arith.cmpf olt, %add3A_1030, %min3A_1018 : vector<1024x128xf32>
    %jit3A_1032 = arith.constant 59 : i32
    %broadcast_in_dim3A_1033 = vector.broadcast %jit3A_1032 : i32 to vector<1024x128xi32>
    %select_n3A_1034 = arith.select %lt3A_1031, %broadcast_in_dim3A_1033, %select_n3A_1017 : vector<1024x128xi1>, vector<1024x128xi32>
    %min3A_1035 = arith.minimumf %min3A_1018, %add3A_1030 : vector<1024x128xf32>
    %mul3A_1036 = arith.constant 1024 : i32
    %mul3A_1037 = arith.muli %scan3A, %mul3A_1036 : i32
    %get3A_1038 = arith.index_cast %mul3A_1037 : i32 to index
    %get3A_1039 = arith.constant 7680 : index
    %get3A_1040 = vector.load %arg5[%get3A_1038, %get3A_1039] : memref<1024x8192xf32, #tpu.memory_space<vmem>>, vector<1024x128xf32>
    %get3A_1041 = arith.constant 0 : index
    %get3A_1042 = arith.constant 7680 : index
    %get3A_1043 = vector.load %arg3[%get3A_1041, %get3A_1042] : memref<1x8192xf32, #tpu.memory_space<vmem>>, vector<1x128xf32>
    %add3A_1044 = vector.broadcast %get3A_1043 : vector<1x128xf32> to vector<1024x128xf32>
    %add3A_1045 = arith.addf %add3A_1044, %get3A_1040 : vector<1024x128xf32>
    %add3A_1046 = vector.broadcast %broadcast_in_dim3A : vector<1024x1xf32> to vector<1024x128xf32>
    %add3A_1047 = arith.addf %add3A_1045, %add3A_1046 : vector<1024x128xf32>
    %lt3A_1048 = arith.cmpf olt, %add3A_1047, %min3A_1035 : vector<1024x128xf32>
    %jit3A_1049 = arith.constant 60 : i32
    %broadcast_in_dim3A_1050 = vector.broadcast %jit3A_1049 : i32 to vector<1024x128xi32>
    %select_n3A_1051 = arith.select %lt3A_1048, %broadcast_in_dim3A_1050, %select_n3A_1034 : vector<1024x128xi1>, vector<1024x128xi32>
    %min3A_1052 = arith.minimumf %min3A_1035, %add3A_1047 : vector<1024x128xf32>
    %mul3A_1053 = arith.constant 1024 : i32
    %mul3A_1054 = arith.muli %scan3A, %mul3A_1053 : i32
    %get3A_1055 = arith.index_cast %mul3A_1054 : i32 to index
    %get3A_1056 = arith.constant 7808 : index
    %get3A_1057 = vector.load %arg5[%get3A_1055, %get3A_1056] : memref<1024x8192xf32, #tpu.memory_space<vmem>>, vector<1024x128xf32>
    %get3A_1058 = arith.constant 0 : index
    %get3A_1059 = arith.constant 7808 : index
    %get3A_1060 = vector.load %arg3[%get3A_1058, %get3A_1059] : memref<1x8192xf32, #tpu.memory_space<vmem>>, vector<1x128xf32>
    %add3A_1061 = vector.broadcast %get3A_1060 : vector<1x128xf32> to vector<1024x128xf32>
    %add3A_1062 = arith.addf %add3A_1061, %get3A_1057 : vector<1024x128xf32>
    %add3A_1063 = vector.broadcast %broadcast_in_dim3A : vector<1024x1xf32> to vector<1024x128xf32>
    %add3A_1064 = arith.addf %add3A_1062, %add3A_1063 : vector<1024x128xf32>
    %lt3A_1065 = arith.cmpf olt, %add3A_1064, %min3A_1052 : vector<1024x128xf32>
    %jit3A_1066 = arith.constant 61 : i32
    %broadcast_in_dim3A_1067 = vector.broadcast %jit3A_1066 : i32 to vector<1024x128xi32>
    %select_n3A_1068 = arith.select %lt3A_1065, %broadcast_in_dim3A_1067, %select_n3A_1051 : vector<1024x128xi1>, vector<1024x128xi32>
    %min3A_1069 = arith.minimumf %min3A_1052, %add3A_1064 : vector<1024x128xf32>
    %mul3A_1070 = arith.constant 1024 : i32
    %mul3A_1071 = arith.muli %scan3A, %mul3A_1070 : i32
    %get3A_1072 = arith.index_cast %mul3A_1071 : i32 to index
    %get3A_1073 = arith.constant 7936 : index
    %get3A_1074 = vector.load %arg5[%get3A_1072, %get3A_1073] : memref<1024x8192xf32, #tpu.memory_space<vmem>>, vector<1024x128xf32>
    %get3A_1075 = arith.constant 0 : index
    %get3A_1076 = arith.constant 7936 : index
    %get3A_1077 = vector.load %arg3[%get3A_1075, %get3A_1076] : memref<1x8192xf32, #tpu.memory_space<vmem>>, vector<1x128xf32>
    %add3A_1078 = vector.broadcast %get3A_1077 : vector<1x128xf32> to vector<1024x128xf32>
    %add3A_1079 = arith.addf %add3A_1078, %get3A_1074 : vector<1024x128xf32>
    %add3A_1080 = vector.broadcast %broadcast_in_dim3A : vector<1024x1xf32> to vector<1024x128xf32>
    %add3A_1081 = arith.addf %add3A_1079, %add3A_1080 : vector<1024x128xf32>
    %lt3A_1082 = arith.cmpf olt, %add3A_1081, %min3A_1069 : vector<1024x128xf32>
    %jit3A_1083 = arith.constant 62 : i32
    %broadcast_in_dim3A_1084 = vector.broadcast %jit3A_1083 : i32 to vector<1024x128xi32>
    %select_n3A_1085 = arith.select %lt3A_1082, %broadcast_in_dim3A_1084, %select_n3A_1068 : vector<1024x128xi1>, vector<1024x128xi32>
    %min3A_1086 = arith.minimumf %min3A_1069, %add3A_1081 : vector<1024x128xf32>
    %mul3A_1087 = arith.constant 1024 : i32
    %mul3A_1088 = arith.muli %scan3A, %mul3A_1087 : i32
    %get3A_1089 = arith.index_cast %mul3A_1088 : i32 to index
    %get3A_1090 = arith.constant 8064 : index
    %get3A_1091 = vector.load %arg5[%get3A_1089, %get3A_1090] : memref<1024x8192xf32, #tpu.memory_space<vmem>>, vector<1024x128xf32>
    %get3A_1092 = arith.constant 0 : index
    %get3A_1093 = arith.constant 8064 : index
    %get3A_1094 = vector.load %arg3[%get3A_1092, %get3A_1093] : memref<1x8192xf32, #tpu.memory_space<vmem>>, vector<1x128xf32>
    %add3A_1095 = vector.broadcast %get3A_1094 : vector<1x128xf32> to vector<1024x128xf32>
    %add3A_1096 = arith.addf %add3A_1095, %get3A_1091 : vector<1024x128xf32>
    %add3A_1097 = vector.broadcast %broadcast_in_dim3A : vector<1024x1xf32> to vector<1024x128xf32>
    %add3A_1098 = arith.addf %add3A_1096, %add3A_1097 : vector<1024x128xf32>
    %lt3A_1099 = arith.cmpf olt, %add3A_1098, %min3A_1086 : vector<1024x128xf32>
    %jit3A_1100 = arith.constant 63 : i32
    %broadcast_in_dim3A_1101 = vector.broadcast %jit3A_1100 : i32 to vector<1024x128xi32>
    %select_n3A_1102 = arith.select %lt3A_1099, %broadcast_in_dim3A_1101, %select_n3A_1085 : vector<1024x128xi1>, vector<1024x128xi32>
    %min3A_1103 = arith.minimumf %min3A_1086, %add3A_1098 : vector<1024x128xf32>
    %reduce_min3A = arith.constant dense<0x7F800000> : vector<1024xf32>
    %reduce_min3A_1104 = vector.multi_reduction <minimumf>, %min3A_1103, %reduce_min3A [1] : vector<1024x128xf32> to vector<1024xf32>
    %broadcast_in_dim3A_1105 = vector.shape_cast %reduce_min3A_1104 : vector<1024xf32> to vector<1024x1xf32>
    %mul3A_1106 = arith.constant 128 : i32
    %mul3A_1107 = vector.broadcast %mul3A_1106 : i32 to vector<1024x128xi32>
    %mul3A_1108 = arith.muli %select_n3A_1102, %mul3A_1107 : vector<1024x128xi32>
    %add3A_1109 = arith.addi %mul3A_1108, %iota3A : vector<1024x128xi32>
    %eq3A = vector.broadcast %broadcast_in_dim3A_1105 : vector<1024x1xf32> to vector<1024x128xf32>
    %eq3A_1110 = arith.cmpf oeq, %min3A_1103, %eq3A : vector<1024x128xf32>
    %jit3A_1111 = arith.constant 8192 : i32
    %broadcast_in_dim3A_1112 = vector.broadcast %jit3A_1111 : i32 to vector<1024x128xi32>
    %select_n3A_1113 = arith.select %eq3A_1110, %add3A_1109, %broadcast_in_dim3A_1112 : vector<1024x128xi1>, vector<1024x128xi32>
    %reduce_min3A_1114 = arith.constant dense<2147483647> : vector<1024xi32>
    %reduce_min3A_1115 = vector.multi_reduction <minsi>, %select_n3A_1113, %reduce_min3A_1114 [1] : vector<1024x128xi32> to vector<1024xi32>
    %broadcast_in_dim3A_1116 = vector.shape_cast %reduce_min3A_1115 : vector<1024xi32> to vector<1024x1xi32>
    %mul3A_1117 = arith.constant 1024 : i32
    %mul3A_1118 = arith.muli %scan3A, %mul3A_1117 : i32
    %swap3A_1119 = arith.index_cast %mul3A_1118 : i32 to index
    %swap3A_1120 = arith.constant 0 : index
    %swap3A_1121 = vector.load %arg4[%swap3A_1119, %swap3A_1120] : memref<1024x1xi32, #tpu.memory_space<vmem>>, vector<1024x1xi32>
    tpu.vector_store %arg4[%swap3A_1119, %swap3A_1120], %broadcast_in_dim3A_1116 {strides = array<i32>} : memref<1024x1xi32, #tpu.memory_space<vmem>>, vector<1024x1xi32>,
    %scan3A_1122 = arith.constant 1 : i32
    return
  }
  func.func @transform_0(%arg0: i32) -> (i32, i32) {
    %c0_i32 = arith.constant 0 : i32
    %c0_i32_0 = arith.constant 0 : i32
    return %arg0, %c0_i32 : i32, i32
  }
  func.func @transform_1(%arg0: i32) -> (i32, i32) {
    %c0_i32 = arith.constant 0 : i32
    %c0_i32_0 = arith.constant 0 : i32
    %c0_i32_1 = arith.constant 0 : i32
    return %c0_i32, %c0_i32_0 : i32, i32
  }
  func.func @transform_2(%arg0: i32) -> (i32, i32) {
    %c0_i32 = arith.constant 0 : i32
    %c0_i32_0 = arith.constant 0 : i32
    %c0_i32_1 = arith.constant 0 : i32
    return %c0_i32, %c0_i32_0 : i32, i32
  }
  func.func @transform_3(%arg0: i32) -> (i32, i32) {
    %c0_i32 = arith.constant 0 : i32
    %c0_i32_0 = arith.constant 0 : i32
    return %arg0, %c0_i32 : i32, i32
  }
}

</mosaic_0001>

<sc_bundles>
// kernel: kernel.4.cloned.1.call-start
scs
__scs_entry_jumppad:
0x0: {  	(pc) =	sbr.rel $0x88, $3  }
0x1: {  	(tag) =	ssettag $0x0;
	lr =	simm.s32 $0x1  }
0x2: {  	[smem:$0x3F9F] =	sst lr;
	_ =	strace $0xD0000000  }
0x3: {  	_ = 	snop  }
0x4: {  	_ = 	snop  }
0x5: {  	_ = 	snop  }
0x6: {  	_ = 	snop  }
0x7: {  	_ = 	snop  }
__scs_overlays_trampoline_lowered:
0x8: {  	[smem:$0x3FAE] =	sst s0  }
0x9: {  	[smem:$0x3FAF] =	sst s1  }
0xa: {  	[smem:$0x3FB0] =	sst s2  }
0xb: {  	[smem:$0x3FB1] =	sst s3  }
0xc: {  	[smem:$0x3FB2] =	sst s4  }
0xd: {  	[smem:$0x3FB3] =	sst s5  }
0xe: {  	[smem:$0x3FB4] =	sst s6  }
0xf: {  	[smem:$0x3FB5] =	sst s7  }
0x10: {  	[smem:$0x3FB6] =	sst s8  }
0x11: {  	[smem:$0x3FB7] =	sst s9;
	s0 =	simm.s32 @!p0 $0x0  }
0x12: {  	s1 =	sld [smem:$0x3F9D];
	s0 =	simm.s32 @p0 $0x1  }
0x13: {  	[smem:$0x3FB8] =	sst s0;
	s0 =	simm.s32 @!p1 $0x0  }
0x14: {  	s2 =	sld [smem:$0x3F9C];
	s0 =	simm.s32 @p1 $0x1  }
0x15: {  	[smem:$0x3FB9] =	sst s0;
	s0 =	simm.s32 @!p2 $0x0  }
0x16: {  	s3 =	sld [smem:$0x3FDB];
	s0 =	simm.s32 @p2 $0x1  }
0x17: {  	s4 =	simm.s32 $0x1BF5;
	[smem:$0x3FBB] =	sst s0  }
0x18: {  	s0 =	sld [smem:$0x3F9E];
	_ =	swait.ge [sflag:s4], $0x0  }
0x19: {  	s7 =	sld [smem:$0x3F9F]  }
0x1a: {  	s8 =	sadd.s32 $0xFFFFE003, lr  }
0x1b: {  	s9 =	sadd.s32 $0xFFFFFEF7, lr;
	s5 =	simm.s32 $0xFFFFFFFF;
	p2 =	slt.u32 s8, $0xFFFFF086  }
0x1c: {  	p1 =	slt.u32 s9, $0xF7A;
	s5 =	simm.s32 @!p2 $0x0  }
0x1d: {  	s5 =	simm.s32 @p1 $0x1;
	p0 =	seq.s32 s7, s2  }
0x1e: {  	s7 =	smul.u32 @!p0 $0xF7A, s2;
	p2 =	seq.s32 @!p0 s5, $0x0  }
0x1f: {  	s9 =	smul.u32 $0xF7A, s1;
	s8 =	simm.s32 @!p0 $0x1BF5;
	p2 =	por !p2, p0  }
0x20: {  	[sflag:s8] =	ssyncset.s32 @!p0 $0xFFFFF086;
	s6 =	sadd.s32 @!p0 s3, s7;
	s7 =	simm.s32 @!p0 $0x108  }
0x21: {  	s3 =	sadd.s32 s3, s9;
	s6 =	sadd.s32 @!p0 $0x88, s6;
	s7 =	simm.s32 @p2 $0x1082  }
0x22: {  	[simem:s7], [sflag:s8] =	dma.local @!p0 [hbm:s6], $0xF7A  }
0x23: {  	s9 =	sor.u32 $0xD0000000, s2;
	s6 =	simm.s32 $0x108;
	_ =	swait.ge @!p0 [sflag:s8], $0x0  }
0x24: {  	s3 =	sadd.s32 $0x88, s3;
	s6 =	simm.s32 @!p1 $0x1082;
	[sflag:s4] =	ssyncset.s32 $0xFFFFF086  }
0x25: {  	[simem:s6], [sflag:s4] =	dma.local [hbm:s3], $0xF7A  }
0x26: {  	[smem:$0x3F9F] =	sst s1;
	(tag) =	ssettag s2;
	_ =	strace s9  }
0x27: {  	s1 =	sld [smem:$0x3FAF]  }
0x28: {  	s2 =	sld [smem:$0x3FB0]  }
0x29: {  	s4 =	sld [smem:$0x3FB2]  }
0x2a: {  	p0 =	seq.s32 s5, $0x0;
	s5 =	sld [smem:$0x3FB3]  }
0x2b: {  	s6 =	sld [smem:$0x3FB4]  }
0x2c: {  	s7 =	sld [smem:$0x3FB5]  }
0x2d: {  	s3 =	simm.s32 $0x108;
	s8 =	sld [smem:$0x3FB6]  }
0x2e: {  	s3 =	simm.s32 @!p0 $0x1082;
	s9 =	sld [smem:$0x3FB7]  }
0x2f: {  	lr =	sadd.s32 s0, s3;
	s0 =	sld [smem:$0x3FAE]  }
0x30: {  	s3 =	sld [smem:$0x3FB1]  }
0x31: {  	[smem:$0x3FBA] =	sst s10  }
0x32: {  	s10 =	sld [smem:$0x3FB8];
	_ =	sdelay $0x3  }
0x33: {  	p0 =	seq.s32 s10, $0x1;
	s10 =	sld [smem:$0x3FBA];
	_ =	sdelay $0x3  }
0x34: {  	[smem:$0x3FBA] =	sst s10  }
0x35: {  	s10 =	sld [smem:$0x3FB9];
	_ =	sdelay $0x3  }
0x36: {  	p1 =	seq.s32 s10, $0x1;
	s10 =	sld [smem:$0x3FBA];
	_ =	sdelay $0x3  }
0x37: {  	[smem:$0x3FBA] =	sst s10  }
0x38: {  	s10 =	sld [smem:$0x3FBB]  }
0x39: {  	_ = 	snop;
	(pc) =	sbr.ind lr, $3  }
0x3a: {  	_ = 	snop  }
0x3b: {  	_ = 	snop  }
0x3c: {  	p2 =	seq.s32 s10, $0x1;
	s10 =	sld [smem:$0x3FBA]  }
0x3d: {  	_ =	shalt  }
0x3e: {  	_ =	shalt  }
0x3f: {  	_ =	shalt  }
0x40: {  	_ =	shalt  }
0x41: {  	_ =	shalt  }
0x42: {  	_ =	shalt  }
0x43: {  	_ =	shalt  }
0x44: {  	_ =	shalt  }
0x45: {  	_ =	shalt  }
0x46: {  	_ =	shalt  }
0x47: {  	_ =	shalt  }
0x48: {  	_ =	shalt  }
0x49: {  	_ =	shalt  }
0x4a: {  	_ =	shalt  }
0x4b: {  	_ =	shalt  }
0x4c: {  	_ =	shalt  }
0x4d: {  	_ =	shalt  }
0x4e: {  	_ =	shalt  }
0x4f: {  	_ =	shalt  }
0x50: {  	_ =	shalt  }
0x51: {  	_ =	shalt  }
0x52: {  	_ =	shalt  }
0x53: {  	_ =	shalt  }
0x54: {  	_ =	shalt  }
0x55: {  	_ =	shalt  }
0x56: {  	_ =	shalt  }
0x57: {  	_ =	shalt  }
0x58: {  	_ =	shalt  }
0x59: {  	_ =	shalt  }
0x5a: {  	_ =	shalt  }
0x5b: {  	_ =	shalt  }
0x5c: {  	_ =	shalt  }
0x5d: {  	_ =	shalt  }
0x5e: {  	_ =	shalt  }
0x5f: {  	_ =	shalt  }
0x60: {  	_ =	shalt  }
0x61: {  	_ =	shalt  }
0x62: {  	_ =	shalt  }
0x63: {  	_ =	shalt  }
0x64: {  	_ =	shalt  }
0x65: {  	_ =	shalt  }
0x66: {  	_ =	shalt  }
0x67: {  	_ =	shalt  }
0x68: {  	_ =	shalt  }
0x69: {  	_ =	shalt  }
0x6a: {  	_ =	shalt  }
0x6b: {  	_ =	shalt  }
0x6c: {  	_ =	shalt  }
0x6d: {  	_ =	shalt  }
0x6e: {  	_ =	shalt  }
0x6f: {  	_ =	shalt  }
0x70: {  	_ =	shalt  }
0x71: {  	_ =	shalt  }
0x72: {  	_ =	shalt  }
0x73: {  	_ =	shalt  }
0x74: {  	_ =	shalt  }
0x75: {  	_ =	shalt  }
0x76: {  	_ =	shalt  }
0x77: {  	_ =	shalt  }
0x78: {  	_ =	shalt  }
0x79: {  	_ =	shalt  }
0x7a: {  	_ =	shalt  }
0x7b: {  	_ =	shalt  }
0x7c: {  	_ =	shalt  }
0x7d: {  	_ =	shalt  }
0x7e: {  	_ =	shalt  }
0x7f: {  	_ =	shalt  }
0x80: {  	_ =	shalt  }
0x81: {  	_ =	shalt  }
0x82: {  	_ =	shalt  }
0x83: {  	_ =	shalt  }
0x84: {  	_ =	shalt  }
0x85: {  	_ =	shalt  }
0x86: {  	_ =	shalt  }
0x87: {  	_ =	shalt  }
.Lfunc_end0:
.L_simem_size_0:
called_computation_lowered:
.L_overlay_start_0:
0x88: {  	s2 =	sld [smem:$0x3FD9]  }
0x89: {  	s3 =	sld [smem:$0x3FFE];
	_ =	sdelay $0x1  }
0x8a: {  	s1 =	srdreg.scid  }
0x8b: {  	s0 =	sand.u32 $0x1, s1  }
0x8c: {  	s15 =	sshll.u32 s0, $0xA;
	s2 =	sadd.s32 s3, s2  }
0x8d: {  	s2 =	sadd.s32 s2, s15  }
0x8e: {  	[smem:$0x3FC6] =	sst s2  }
0x8f: {  	_ = 	snop  }
0x90: {  	s2 =	sld [smem:$0x3FD0];
	_ =	sdelay $0x2  }
0x91: {  	s4 =	simm.s32 $0xA;
	s5 =	simm.s32 $0x10;
	s16 =	sld [smem:$0x3FC8]  }
0x92: {  	[smem:s5], [sflag:s4] =	dma.local [hbm:s2], $0x1  }
0x93: {  	_ =	swait.eq [sflag:s4], $0x1  }
0x94: {  	[sflag:s4] =	ssyncset.done $0x0  }
0x95: {  	s17 =	sld [smem:$0x10];
	[sflag:s4] =	ssyncadd.s32 $0xFFFFFFFF  }
0x96: {  	s18 =	sld [smem:$0x11];
	(tm) =	ssettm $0x1  }
0x97: {  	s19 =	sld [smem:$0x3FFB];
	_ =	sdelay $0x3  }
0x98: {  	_ =	strace s19  }
0x99: {  	s5 =	sld [smem:$0x3FFC];
	_ =	sdelay $0x3  }
0x9a: {  	_ =	strace s5  }
0x9b: {  	s5 =	sld [smem:$0x3FFD];
	_ =	sdelay $0x3  }
0x9c: {  	_ =	strace s5  }
0x9d: {  	_ =	strace $0x8FFFFFFF  }
0x9e: {  	s20 =	sld [smem:$0x3FDB];
	_ =	sdelay $0x1  }
0x9f: {  	s6 =	simm.s32 $_scs_section_size  }
0xa0: {  	s7 =	simm.s32 $_size__tile_overlayer_lowered;
	s8 =	simm.s32 $_tile_overlayer_lowered  }
0xa1: {  	s23 =	simm.s32 $0x1BFF;
	s22 =	sshll.u32 s8, $0x1;
	s5 =	sadd.s32 s6, s20  }
0xa2: {  	s9 =	simm.s32 $0x0;
	s21 =	sshll.u32 s7, $0x1;
	s7 =	sadd.s32 s22, s5  }
0xa3: {  	[timem:s9], [sflag:s23] =	dma.local [hbm:s7], s21  }
0xa4: {  	_ =	swait.ge [sflag:s23], s21  }
0xa5: {  	s6 =	ssub.s32 $0x0, s21;
	[sflag:s23] =	ssyncset.done $0x0  }
0xa6: {  	[sflag:s23] =	ssyncadd.s32 s6;
	_ =	sdelay $0x1  }
0xa7: {  	s24 =	simm.s32 $0x1B8B  }
0xa8: {  	_ =	swait.ge [sflag:s24], $0x1  }
0xa9: {  	[sflag:s24] =	ssyncset.done $0x0  }
0xaa: {  	s25 =	simm.s32 $0x1B8E;
	[sflag:s24] =	ssyncadd.s32 $0xFFFFFFFF  }
0xab: {  	s26 =	simm.s32 $execute0_lowered;
	[smem:$0x3FD2] =	sst s25  }
0xac: {  	s6 =	sshll.u32 s26, $0x1;
	_ =	strace $0x80000046;
	[dreg:$0x1] =	wrdreg $0xFFFFFFFF  }
0xad: {  	s28 =	simm.s32 $_size_execute0_lowered;
	s5 =	sadd.s32 s5, s6;
	[dreg:$0x0] =	wrdreg $0x0  }
0xae: {  	s6 =	sshll.u32 s28, $0x1;
	[dreg:$0x2] =	wrdreg s5  }
0xaf: {  	[dreg:$0x3] =	wrdreg s6  }
0xb0: {  	[dreg:$0x4] =	wrdreg $0xC0  }
0xb1: {  	_ =	task [dreg:s9], $0x5FFFF  }
0xb2: {  	[dreg:$0x1] =	wrdreg $0xFFFFFFFF  }
0xb3: {  	[dreg:$0x0] =	wrdreg $0x60  }
0xb4: {  	[dreg:$0x2] =	wrdreg s16  }
0xb5: {  	[dreg:$0x3] =	wrdreg s18  }
0xb6: {  	[dreg:$0x4] =	wrdreg s17  }
0xb7: {  	[dreg:$0x5] =	wrdreg $0x9  }
0xb8: {  	_ =	task.clear_ibuf [dreg:s9], $0x6FFFF;
	_ =	strace $0x90000046  }
0xb9: {  	s29 =	simm.s32 $0x9;
	_ =	strace $0x80000048  }
0xba: {  	_ =	swait.ge [sflag:s29], $0x1  }
0xbb: {  	[sflag:s29] =	ssyncadd.s32 $0xFFFFFFFF  }
0xbc: {  	_ =	strace $0x90000048  }
0xbd: {  	_ =	sfence  }
0xbe: {  	s30 =	sld [smem:$0x0];
	_ =	sdelay $0x2  }
0xbf: {  	s31 =	sshll.u32 s1, $0xD;
	s1 =	sshrl.u32 s1, $0x2  }
0xc0: {  	s3 =	sand.u32 $0x4000, s31;
	s1 =	sadd.s32 s1, s30  }
0xc1: {  	s0 =	sor.u32 s3, s0;
	s1 =	sshll.u32 s1, $0x11  }
0xc2: {  	s0 =	sor.u32 s1, s0  }
0xc3: {  	s0 =	sadd.s32 $0x8F2B, s0  }
0xc4: {  	[sflag:s0] =	ssyncadd.remote.s32 $0x1  }
0xc5: {  	_ =	sfence.sel $0xFFFF  }
0xc6: {  	[dreg:$0x0] =	wrdreg $0xFFFFFFFF;
	(pc) =	sbr.abs _section_cstart, $3  }
0xc7: {  	[dreg:$0x1] =	wrdreg $0xFFFFFFFF  }
0xc8: {  	_ =	task.clear_ibuf [dreg:s9], $0x2FFFF;
	_ =	strace $0x9FFFFFFF  }
0xc9: {  	(tm) =	ssettm $0x7FFFFFFF  }
tec
execute0_lowered:
.L_overlay_start_1:
0x0: {  	(tag) =	ssettag $0x1  }
0x1: {  	s0 =	srdreg.scid  }
0x2: {  	s3 =	stileid.u32;
	s0 =	sand.u32 $0x1, s0  }
0x3: {  	s1 =	rddreg [dreg:$0x0];
	s5 =	sshll.u32 s3, $0xB;
	s6 =	sshll.u32 s0, $0xA  }
0x4: {  	s2 =	rddreg [dreg:$0x1];
	s5 =	sor.u32 s6, s5  }
0x5: {  	s4 =	rddreg [dreg:$0x2];
	s3 =	simm.s32 $0x0;
	s6 =	sshrl.u32 s5, $0x3  }
0x6: {  	[smem:$0x7FF] =	sst s3;
	s5 =	sshll.u32 s5, $0x5;
	s2 =	sadd.s32 s2, s6  }
0x7: {  	_ =	strace $0x80000047;
	s5 =	sadd.s32 s4, s5;
	[dreg:$0x4] =	wrdreg s2  }
0x8: {  	s13 =	simm.s32 $0x1;
	s23 =	sadd.s32 $0x1000, s5;
	[dreg:$0xc] =	wrdreg s5  }
0x9: {  	s14 =	simm.s32 $0x2;
	s24 =	sadd.s32 $0x2000, s5;
	[dreg:$0x5] =	wrdreg s23  }
0xa: {  	s0 =	ssub.s32 $0x2, s0;
	s25 =	sadd.s32 $0x3000, s5;
	[dreg:$0x6] =	wrdreg s24  }
0xb: {  	s30 =	sshrl.u32 s0, $0x1;
	s26 =	sadd.s32 $0x4000, s5;
	[dreg:$0x7] =	wrdreg s25  }
0xc: {  	s0 =	ssub.s32 s0, s30;
	s28 =	sadd.s32 $0x5000, s5;
	[dreg:$0x8] =	wrdreg s26  }
0xd: {  	v2 =	vlaneseq.u32;
	s6 =	simm.s32 $0x3;
	s29 =	sadd.s32 $0x6000, s5;
	[dreg:$0x9] =	wrdreg s28  }
0xe: {  	vm0 =	vmmov $0xffff;
	v1 =	vshrl.u32 v2, $0x3;
	s31 =	sadd.s32 $0x7000, s5;
	s5 =	smax.u32 s0, $0x1;
	[dreg:$0xa] =	wrdreg s29  }
0xf: {  	v0 =	vand.u32 $0x7, v2;
	v2 =	vor.u32 $0x8, v2;
	v1 =	vmul.u32 $0x8, v1;
	[dreg:$0xb] =	wrdreg s31;
	s24 =	simm.s32 $0x400;
	s23 =	simm.s32 $0x8400  }
.LBB2_1:
0x10: {  	s15 =	rddreg [dreg:$0x4]  }
0x11: {  	[tilespmem:s3], [sflag:$0x3] =	stream.linear.gather [hbm4b:s15+s3], $0x400, $0x38;
	[tilespmem:$0x10400] =	vst v63  }
0x12: {  	_ =	swait.ge [sflag:s6], $0x400  }
0x13: {  	[sflag:s6] =	ssyncset.done $0x0  }
0x14: {  	[sflag:s6] =	ssyncadd.s32 $0xFFFFFC00  }
0x15: {  	v3 =	vld [tilespmem:$0x0];
	_ =	sdelay $0x4  }
0x16: {  	v4 =	vshll.u32 v3, $0x1  }
0x17: {  	v3 =	vand.u32 $0x7, v3;
	v4 =	vand.u32 $0xFFFFFFF0, v4  }
0x18: {  	v3 =	vor.u32 v3, v4  }
0x19: {  	v4 =	vperm.xlane v3, v0;
	_ =	sdelay $0x1  }
0x1a: {  	v3 =	vperm.xlane v3, v2;
	v4 =	vadd.s32 v1, v4;
	_ =	sdelay $0x1  }
0x1b: {  	v3 =	vadd.s32 v1, v3;
	_ =	sdelay $0x2  }
0x1c: {  	[tilespmem:s24], [sflag:$0x1] =	stream.indirect_vreg.gather [hbm4b:s1+s3], $0x80, v4, vm0, $0xb8;
	[tilespmem:$0x10400] =	vst v63  }
0x1d: {  	s0 =	simm.s32 $0xC00  }
0x1e: {  	[tilespmem:s0], [sflag:$0x1] =	stream.indirect_vreg.gather [hbm4b:s1+s3], $0x80, v3, vm0, $0xb8;
	[tilespmem:$0x10400] =	vst v63  }
0x1f: {  	v3 =	vld [tilespmem:$0x10];
	_ =	sdelay $0x4  }
0x20: {  	v57 =	vshll.u32 v3, $0x1  }
0x21: {  	v3 =	vand.u32 $0x7, v3;
	v4 =	vand.u32 $0xFFFFFFF0, v57  }
0x22: {  	v3 =	vor.u32 v3, v4  }
0x23: {  	v4 =	vperm.xlane v3, v0;
	_ =	sdelay $0x1  }
0x24: {  	v3 =	vperm.xlane v3, v2;
	v4 =	vadd.s32 v1, v4;
	_ =	sdelay $0x1  }
0x25: {  	v3 =	vadd.s32 v1, v3;
	_ =	sdelay $0x1  }
0x26: {  	s28 =	simm.s32 $0x1400  }
0x27: {  	[tilespmem:s28], [sflag:$0x1] =	stream.indirect_vreg.gather [hbm4b:s1+s3], $0x80, v4, vm0, $0xb8;
	[tilespmem:$0x10400] =	vst v63  }
0x28: {  	s29 =	simm.s32 $0x1C00  }
0x29: {  	[tilespmem:s29], [sflag:$0x1] =	stream.indirect_vreg.gather [hbm4b:s1+s3], $0x80, v3, vm0, $0xb8;
	[tilespmem:$0x10400] =	vst v63  }
0x2a: {  	v3 =	vld [tilespmem:$0x20];
	_ =	sdelay $0x4  }
0x2b: {  	v58 =	vshll.u32 v3, $0x1  }
0x2c: {  	v3 =	vand.u32 $0x7, v3;
	v4 =	vand.u32 $0xFFFFFFF0, v58  }
0x2d: {  	v3 =	vor.u32 v3, v4  }
0x2e: {  	v4 =	vperm.xlane v3, v0;
	_ =	sdelay $0x1  }
0x2f: {  	v3 =	vperm.xlane v3, v2;
	v4 =	vadd.s32 v1, v4;
	_ =	sdelay $0x1  }
0x30: {  	v3 =	vadd.s32 v1, v3;
	_ =	sdelay $0x1  }
0x31: {  	s30 =	simm.s32 $0x2400  }
0x32: {  	[tilespmem:s30], [sflag:$0x1] =	stream.indirect_vreg.gather [hbm4b:s1+s3], $0x80, v4, vm0, $0xb8;
	[tilespmem:$0x10400] =	vst v63  }
0x33: {  	s31 =	simm.s32 $0x2C00  }
0x34: {  	[tilespmem:s31], [sflag:$0x1] =	stream.indirect_vreg.gather [hbm4b:s1+s3], $0x80, v3, vm0, $0xb8;
	[tilespmem:$0x10400] =	vst v63  }
0x35: {  	v3 =	vld [tilespmem:$0x30];
	_ =	sdelay $0x4  }
0x36: {  	v59 =	vshll.u32 v3, $0x1  }
0x37: {  	v3 =	vand.u32 $0x7, v3;
	v4 =	vand.u32 $0xFFFFFFF0, v59  }
0x38: {  	v3 =	vor.u32 v3, v4  }
0x39: {  	v4 =	vperm.xlane v3, v0;
	_ =	sdelay $0x1  }
0x3a: {  	v3 =	vperm.xlane v3, v2;
	v4 =	vadd.s32 v1, v4;
	_ =	sdelay $0x1  }
0x3b: {  	v3 =	vadd.s32 v1, v3;
	_ =	sdelay $0x1  }
0x3c: {  	s2 =	simm.s32 $0x3400  }
0x3d: {  	[tilespmem:s2], [sflag:$0x1] =	stream.indirect_vreg.gather [hbm4b:s1+s3], $0x80, v4, vm0, $0xb8;
	[tilespmem:$0x10400] =	vst v63  }
0x3e: {  	s10 =	simm.s32 $0x3C00  }
0x3f: {  	[tilespmem:s10], [sflag:$0x1] =	stream.indirect_vreg.gather [hbm4b:s1+s3], $0x80, v3, vm0, $0xb8;
	[tilespmem:$0x10400] =	vst v63  }
0x40: {  	v3 =	vld [tilespmem:$0x40];
	_ =	sdelay $0x4  }
0x41: {  	v60 =	vshll.u32 v3, $0x1  }
0x42: {  	v3 =	vand.u32 $0x7, v3;
	v4 =	vand.u32 $0xFFFFFFF0, v60  }
0x43: {  	v3 =	vor.u32 v3, v4  }
0x44: {  	v4 =	vperm.xlane v3, v0;
	_ =	sdelay $0x1  }
0x45: {  	v3 =	vperm.xlane v3, v2;
	v4 =	vadd.s32 v1, v4;
	_ =	sdelay $0x1  }
0x46: {  	v3 =	vadd.s32 v1, v3;
	_ =	sdelay $0x1  }
0x47: {  	s11 =	simm.s32 $0x4400  }
0x48: {  	[tilespmem:s11], [sflag:$0x1] =	stream.indirect_vreg.gather [hbm4b:s1+s3], $0x80, v4, vm0, $0xb8;
	[tilespmem:$0x10400] =	vst v63  }
0x49: {  	s12 =	simm.s32 $0x4C00  }
0x4a: {  	[tilespmem:s12], [sflag:$0x1] =	stream.indirect_vreg.gather [hbm4b:s1+s3], $0x80, v3, vm0, $0xb8;
	[tilespmem:$0x10400] =	vst v63  }
0x4b: {  	v3 =	vld [tilespmem:$0x50];
	_ =	sdelay $0x4  }
0x4c: {  	v61 =	vshll.u32 v3, $0x1  }
0x4d: {  	v3 =	vand.u32 $0x7, v3;
	v4 =	vand.u32 $0xFFFFFFF0, v61  }
0x4e: {  	v3 =	vor.u32 v3, v4  }
0x4f: {  	v4 =	vperm.xlane v3, v0;
	_ =	sdelay $0x1  }
0x50: {  	v3 =	vperm.xlane v3, v2;
	v4 =	vadd.s32 v1, v4;
	_ =	sdelay $0x1  }
0x51: {  	v3 =	vadd.s32 v1, v3;
	_ =	sdelay $0x1  }
0x52: {  	s15 =	simm.s32 $0x5400  }
0x53: {  	[tilespmem:s15], [sflag:$0x1] =	stream.indirect_vreg.gather [hbm4b:s1+s3], $0x80, v4, vm0, $0xb8;
	[tilespmem:$0x10400] =	vst v63  }
0x54: {  	s16 =	simm.s32 $0x5C00  }
0x55: {  	[tilespmem:s16], [sflag:$0x1] =	stream.indirect_vreg.gather [hbm4b:s1+s3], $0x80, v3, vm0, $0xb8;
	[tilespmem:$0x10400] =	vst v63  }
0x56: {  	v3 =	vld [tilespmem:$0x60];
	_ =	sdelay $0x4  }
0x57: {  	v62 =	vshll.u32 v3, $0x1  }
0x58: {  	v3 =	vand.u32 $0x7, v3;
	v4 =	vand.u32 $0xFFFFFFF0, v62  }
0x59: {  	v3 =	vor.u32 v3, v4  }
0x5a: {  	v4 =	vperm.xlane v3, v0;
	_ =	sdelay $0x1  }
0x5b: {  	v3 =	vperm.xlane v3, v2;
	v4 =	vadd.s32 v1, v4;
	_ =	sdelay $0x1  }
0x5c: {  	v3 =	vadd.s32 v1, v3;
	_ =	sdelay $0x1  }
0x5d: {  	s17 =	simm.s32 $0x6400  }
0x5e: {  	[tilespmem:s17], [sflag:$0x1] =	stream.indirect_vreg.gather [hbm4b:s1+s3], $0x80, v4, vm0, $0xb8;
	[tilespmem:$0x10400] =	vst v63  }
0x5f: {  	s18 =	simm.s32 $0x6C00  }
0x60: {  	[tilespmem:s18], [sflag:$0x1] =	stream.indirect_vreg.gather [hbm4b:s1+s3], $0x80, v3, vm0, $0xb8;
	[tilespmem:$0x10400] =	vst v63  }
0x61: {  	v3 =	vld [tilespmem:$0x70];
	_ =	sdelay $0x4  }
0x62: {  	v63 =	vshll.u32 v3, $0x1  }
0x63: {  	v3 =	vand.u32 $0x7, v3;
	v4 =	vand.u32 $0xFFFFFFF0, v63  }
0x64: {  	v3 =	vor.u32 v3, v4  }
0x65: {  	v4 =	vperm.xlane v3, v0;
	_ =	sdelay $0x1  }
0x66: {  	v3 =	vperm.xlane v3, v2;
	v4 =	vadd.s32 v1, v4;
	_ =	sdelay $0x1  }
0x67: {  	v3 =	vadd.s32 v1, v3;
	_ =	sdelay $0x1  }
0x68: {  	s19 =	simm.s32 $0x7400  }
0x69: {  	[tilespmem:s19], [sflag:$0x1] =	stream.indirect_vreg.gather [hbm4b:s1+s3], $0x80, v4, vm0, $0xb8;
	[tilespmem:$0x10400] =	vst v63  }
0x6a: {  	s20 =	simm.s32 $0x7C00  }
0x6b: {  	[tilespmem:s20], [sflag:$0x1] =	stream.indirect_vreg.gather [hbm4b:s1+s3], $0x80, v3, vm0, $0xb8;
	[tilespmem:$0x10400] =	vst v63  }
0x6c: {  	v3 =	vld [tilespmem:$0x80];
	_ =	sdelay $0x4  }
0x6d: {  	v8 =	vshll.u32 v3, $0x1  }
0x6e: {  	v3 =	vand.u32 $0x7, v3;
	v4 =	vand.u32 $0xFFFFFFF0, v8  }
0x6f: {  	v3 =	vor.u32 v3, v4  }
0x70: {  	v4 =	vperm.xlane v3, v0;
	_ =	sdelay $0x1  }
0x71: {  	v3 =	vperm.xlane v3, v2;
	v4 =	vadd.s32 v1, v4;
	_ =	sdelay $0x1  }
0x72: {  	v3 =	vadd.s32 v1, v3;
	_ =	sdelay $0x2  }
0x73: {  	[tilespmem:s23], [sflag:$0x2] =	stream.indirect_vreg.gather [hbm4b:s1+s3], $0x80, v4, vm0, $0xb8;
	[tilespmem:$0x10400] =	vst v63  }
0x74: {  	s21 =	simm.s32 $0x8C00  }
0x75: {  	[tilespmem:s21], [sflag:$0x2] =	stream.indirect_vreg.gather [hbm4b:s1+s3], $0x80, v3, vm0, $0xb8;
	[tilespmem:$0x10400] =	vst v63  }
0x76: {  	v3 =	vld [tilespmem:$0x90];
	_ =	sdelay $0x4  }
0x77: {  	v9 =	vshll.u32 v3, $0x1  }
0x78: {  	v3 =	vand.u32 $0x7, v3;
	v4 =	vand.u32 $0xFFFFFFF0, v9  }
0x79: {  	v3 =	vor.u32 v3, v4  }
0x7a: {  	v4 =	vperm.xlane v3, v0;
	_ =	sdelay $0x1  }
0x7b: {  	v3 =	vperm.xlane v3, v2;
	v4 =	vadd.s32 v1, v4;
	_ =	sdelay $0x1  }
0x7c: {  	v3 =	vadd.s32 v1, v3;
	_ =	sdelay $0x1  }
0x7d: {  	s22 =	simm.s32 $0x9400  }
0x7e: {  	[tilespmem:s22], [sflag:$0x2] =	stream.indirect_vreg.gather [hbm4b:s1+s3], $0x80, v4, vm0, $0xb8;
	[tilespmem:$0x10400] =	vst v63  }
0x7f: {  	s25 =	simm.s32 $0x9C00  }
0x80: {  	[tilespmem:s25], [sflag:$0x2] =	stream.indirect_vreg.gather [hbm4b:s1+s3], $0x80, v3, vm0, $0xb8;
	[tilespmem:$0x10400] =	vst v63  }
0x81: {  	v3 =	vld [tilespmem:$0xA0];
	_ =	sdelay $0x4  }
0x82: {  	v10 =	vshll.u32 v3, $0x1  }
0x83: {  	v3 =	vand.u32 $0x7, v3;
	v4 =	vand.u32 $0xFFFFFFF0, v10  }
0x84: {  	v3 =	vor.u32 v3, v4  }
0x85: {  	v4 =	vperm.xlane v3, v0;
	_ =	sdelay $0x1  }
0x86: {  	v3 =	vperm.xlane v3, v2;
	v4 =	vadd.s32 v1, v4;
	_ =	sdelay $0x1  }
0x87: {  	v3 =	vadd.s32 v1, v3;
	_ =	sdelay $0x1  }
0x88: {  	s26 =	simm.s32 $0xA400  }
0x89: {  	[tilespmem:s26], [sflag:$0x2] =	stream.indirect_vreg.gather [hbm4b:s1+s3], $0x80, v4, vm0, $0xb8;
	[tilespmem:$0x10400] =	vst v63  }
0x8a: {  	s28 =	simm.s32 $0xAC00  }
0x8b: {  	[tilespmem:s28], [sflag:$0x2] =	stream.indirect_vreg.gather [hbm4b:s1+s3], $0x80, v3, vm0, $0xb8;
	[tilespmem:$0x10400] =	vst v63  }
0x8c: {  	v3 =	vld [tilespmem:$0xB0];
	_ =	sdelay $0x4  }
0x8d: {  	v11 =	vshll.u32 v3, $0x1  }
0x8e: {  	v3 =	vand.u32 $0x7, v3;
	v4 =	vand.u32 $0xFFFFFFF0, v11  }
0x8f: {  	v3 =	vor.u32 v3, v4  }
0x90: {  	v4 =	vperm.xlane v3, v0;
	_ =	sdelay $0x1  }
0x91: {  	v3 =	vperm.xlane v3, v2;
	v4 =	vadd.s32 v1, v4;
	_ =	sdelay $0x1  }
0x92: {  	v3 =	vadd.s32 v1, v3;
	_ =	sdelay $0x1  }
0x93: {  	s29 =	simm.s32 $0xB400  }
0x94: {  	[tilespmem:s29], [sflag:$0x2] =	stream.indirect_vreg.gather [hbm4b:s1+s3], $0x80, v4, vm0, $0xb8;
	[tilespmem:$0x10400] =	vst v63  }
0x95: {  	s30 =	simm.s32 $0xBC00  }
0x96: {  	[tilespmem:s30], [sflag:$0x2] =	stream.indirect_vreg.gather [hbm4b:s1+s3], $0x80, v3, vm0, $0xb8;
	[tilespmem:$0x10400] =	vst v63  }
0x97: {  	v3 =	vld [tilespmem:$0xC0];
	_ =	sdelay $0x4  }
0x98: {  	v12 =	vshll.u32 v3, $0x1  }
0x99: {  	v3 =	vand.u32 $0x7, v3;
	v4 =	vand.u32 $0xFFFFFFF0, v12  }
0x9a: {  	v3 =	vor.u32 v3, v4  }
0x9b: {  	v4 =	vperm.xlane v3, v0;
	_ =	sdelay $0x1  }
0x9c: {  	v3 =	vperm.xlane v3, v2;
	v4 =	vadd.s32 v1, v4;
	_ =	sdelay $0x1  }
0x9d: {  	v3 =	vadd.s32 v1, v3;
	_ =	sdelay $0x1  }
0x9e: {  	s31 =	simm.s32 $0xC400  }
0x9f: {  	[tilespmem:s31], [sflag:$0x2] =	stream.indirect_vreg.gather [hbm4b:s1+s3], $0x80, v4, vm0, $0xb8;
	[tilespmem:$0x10400] =	vst v63  }
0xa0: {  	s0 =	simm.s32 $0xCC00  }
0xa1: {  	[tilespmem:s0], [sflag:$0x2] =	stream.indirect_vreg.gather [hbm4b:s1+s3], $0x80, v3, vm0, $0xb8;
	[tilespmem:$0x10400] =	vst v63  }
0xa2: {  	v3 =	vld [tilespmem:$0xD0];
	_ =	sdelay $0x4  }
0xa3: {  	v13 =	vshll.u32 v3, $0x1  }
0xa4: {  	v3 =	vand.u32 $0x7, v3;
	v4 =	vand.u32 $0xFFFFFFF0, v13  }
0xa5: {  	v3 =	vor.u32 v3, v4  }
0xa6: {  	v4 =	vperm.xlane v3, v0;
	_ =	sdelay $0x1  }
0xa7: {  	v3 =	vperm.xlane v3, v2;
	v4 =	vadd.s32 v1, v4;
	_ =	sdelay $0x1  }
0xa8: {  	v3 =	vadd.s32 v1, v3;
	_ =	sdelay $0x1  }
0xa9: {  	s11 =	simm.s32 $0xD400  }
0xaa: {  	[tilespmem:s11], [sflag:$0x2] =	stream.indirect_vreg.gather [hbm4b:s1+s3], $0x80, v4, vm0, $0xb8;
	[tilespmem:$0x10400] =	vst v63  }
0xab: {  	s12 =	simm.s32 $0xDC00  }
0xac: {  	[tilespmem:s12], [sflag:$0x2] =	stream.indirect_vreg.gather [hbm4b:s1+s3], $0x80, v3, vm0, $0xb8;
	[tilespmem:$0x10400] =	vst v63  }
0xad: {  	v3 =	vld [tilespmem:$0xE0];
	_ =	sdelay $0x4  }
0xae: {  	v14 =	vshll.u32 v3, $0x1  }
0xaf: {  	v3 =	vand.u32 $0x7, v3;
	v4 =	vand.u32 $0xFFFFFFF0, v14  }
0xb0: {  	v3 =	vor.u32 v3, v4  }
0xb1: {  	v4 =	vperm.xlane v3, v0;
	_ =	sdelay $0x1  }
0xb2: {  	v3 =	vperm.xlane v3, v2;
	v4 =	vadd.s32 v1, v4;
	_ =	sdelay $0x1  }
0xb3: {  	v3 =	vadd.s32 v1, v3;
	_ =	sdelay $0x1  }
0xb4: {  	s17 =	simm.s32 $0xE400  }
0xb5: {  	[tilespmem:s17], [sflag:$0x2] =	stream.indirect_vreg.gather [hbm4b:s1+s3], $0x80, v4, vm0, $0xb8;
	[tilespmem:$0x10400] =	vst v63  }
0xb6: {  	s18 =	simm.s32 $0xEC00  }
0xb7: {  	[tilespmem:s18], [sflag:$0x2] =	stream.indirect_vreg.gather [hbm4b:s1+s3], $0x80, v3, vm0, $0xb8;
	[tilespmem:$0x10400] =	vst v63  }
0xb8: {  	v3 =	vld [tilespmem:$0xF0];
	_ =	sdelay $0x4  }
0xb9: {  	v15 =	vshll.u32 v3, $0x1  }
0xba: {  	v3 =	vand.u32 $0x7, v3;
	v4 =	vand.u32 $0xFFFFFFF0, v15  }
0xbb: {  	v3 =	vor.u32 v3, v4  }
0xbc: {  	v4 =	vperm.xlane v3, v0;
	_ =	sdelay $0x1  }
0xbd: {  	v3 =	vperm.xlane v3, v2;
	v4 =	vadd.s32 v1, v4;
	_ =	sdelay $0x1  }
0xbe: {  	v3 =	vadd.s32 v1, v3;
	_ =	sdelay $0x1  }
0xbf: {  	s20 =	simm.s32 $0xF400  }
0xc0: {  	[tilespmem:s20], [sflag:$0x2] =	stream.indirect_vreg.gather [hbm4b:s1+s3], $0x80, v4, vm0, $0xb8;
	[tilespmem:$0x10400] =	vst v63  }
0xc1: {  	s26 =	simm.s32 $0xFC00  }
0xc2: {  	[tilespmem:s26], [sflag:$0x2] =	stream.indirect_vreg.gather [hbm4b:s1+s3], $0x80, v3, vm0, $0xb8;
	[tilespmem:$0x10400] =	vst v63  }
0xc3: {  	_ =	swait.ge [sflag:s13], $0x8000  }
0xc4: {  	[sflag:s13] =	ssyncset.done $0x0  }
0xc5: {  	s0 =	rddreg [dreg:$0xc];
	[sflag:s13] =	ssyncadd.s32 $0xFFFF8000  }
0xc6: {  	[hbm4b:s0+s3] =	stream.linear.scatter [tilespmem:s24], [sflag:$0x3], $0x8000, $0x38;
	[tilespmem:$0x10400] =	vst v63  }
0xc7: {  	_ =	swait.ge [sflag:s6], $0x8000  }
0xc8: {  	[sflag:s6] =	ssyncset.done $0x0  }
0xc9: {  	[sflag:s6] =	ssyncadd.s32 $0xFFFF8000  }
0xca: {  	v3 =	vld [tilespmem:$0x100];
	_ =	sdelay $0x4  }
0xcb: {  	v16 =	vshll.u32 v3, $0x1  }
0xcc: {  	v3 =	vand.u32 $0x7, v3;
	v4 =	vand.u32 $0xFFFFFFF0, v16  }
0xcd: {  	v3 =	vor.u32 v3, v4  }
0xce: {  	v4 =	vperm.xlane v3, v0;
	_ =	sdelay $0x1  }
0xcf: {  	v3 =	vperm.xlane v3, v2;
	v4 =	vadd.s32 v1, v4;
	_ =	sdelay $0x1  }
0xd0: {  	v3 =	vadd.s32 v1, v3;
	_ =	sdelay $0x2  }
0xd1: {  	[tilespmem:s24], [sflag:$0x1] =	stream.indirect_vreg.gather [hbm4b:s1+s3], $0x80, v4, vm0, $0xb8;
	[tilespmem:$0x10400] =	vst v63  }
0xd2: {  	s8 =	simm.s32 $0xC00  }
0xd3: {  	[tilespmem:s8], [sflag:$0x1] =	stream.indirect_vreg.gather [hbm4b:s1+s3], $0x80, v3, vm0, $0xb8;
	[tilespmem:$0x10400] =	vst v63  }
0xd4: {  	v3 =	vld [tilespmem:$0x110];
	_ =	sdelay $0x4  }
0xd5: {  	v17 =	vshll.u32 v3, $0x1  }
0xd6: {  	v3 =	vand.u32 $0x7, v3;
	v4 =	vand.u32 $0xFFFFFFF0, v17  }
0xd7: {  	v3 =	vor.u32 v3, v4  }
0xd8: {  	v4 =	vperm.xlane v3, v0;
	_ =	sdelay $0x1  }
0xd9: {  	v3 =	vperm.xlane v3, v2;
	v4 =	vadd.s32 v1, v4;
	_ =	sdelay $0x1  }
0xda: {  	v3 =	vadd.s32 v1, v3;
	_ =	sdelay $0x1  }
0xdb: {  	s4 =	simm.s32 $0x1400  }
0xdc: {  	[tilespmem:s4], [sflag:$0x1] =	stream.indirect_vreg.gather [hbm4b:s1+s3], $0x80, v4, vm0, $0xb8;
	[tilespmem:$0x10400] =	vst v63  }
0xdd: {  	s20 =	simm.s32 $0x1C00  }
0xde: {  	[tilespmem:s20], [sflag:$0x1] =	stream.indirect_vreg.gather [hbm4b:s1+s3], $0x80, v3, vm0, $0xb8;
	[tilespmem:$0x10400] =	vst v63  }
0xdf: {  	v3 =	vld [tilespmem:$0x120];
	_ =	sdelay $0x4  }
0xe0: {  	v18 =	vshll.u32 v3, $0x1  }
0xe1: {  	v3 =	vand.u32 $0x7, v3;
	v4 =	vand.u32 $0xFFFFFFF0, v18  }
0xe2: {  	v3 =	vor.u32 v3, v4  }
0xe3: {  	v4 =	vperm.xlane v3, v0;
	_ =	sdelay $0x1  }
0xe4: {  	v3 =	vperm.xlane v3, v2;
	v4 =	vadd.s32 v1, v4;
	_ =	sdelay $0x1  }
0xe5: {  	v3 =	vadd.s32 v1, v3;
	_ =	sdelay $0x1  }
0xe6: {  	s7 =	simm.s32 $0x2400  }
0xe7: {  	[tilespmem:s7], [sflag:$0x1] =	stream.indirect_vreg.gather [hbm4b:s1+s3], $0x80, v4, vm0, $0xb8;
	[tilespmem:$0x10400] =	vst v63  }
0xe8: {  	s9 =	simm.s32 $0x2C00  }
0xe9: {  	[tilespmem:s9], [sflag:$0x1] =	stream.indirect_vreg.gather [hbm4b:s1+s3], $0x80, v3, vm0, $0xb8;
	[tilespmem:$0x10400] =	vst v63  }
0xea: {  	v3 =	vld [tilespmem:$0x130];
	_ =	sdelay $0x4  }
0xeb: {  	v19 =	vshll.u32 v3, $0x1  }
0xec: {  	v3 =	vand.u32 $0x7, v3;
	v4 =	vand.u32 $0xFFFFFFF0, v19  }
0xed: {  	v3 =	vor.u32 v3, v4  }
0xee: {  	v4 =	vperm.xlane v3, v0;
	_ =	sdelay $0x1  }
0xef: {  	v3 =	vperm.xlane v3, v2;
	v4 =	vadd.s32 v1, v4;
	_ =	sdelay $0x1  }
0xf0: {  	v3 =	vadd.s32 v1, v3;
	_ =	sdelay $0x1  }
0xf1: {  	s8 =	simm.s32 $0x3400  }
0xf2: {  	[tilespmem:s8], [sflag:$0x1] =	stream.indirect_vreg.gather [hbm4b:s1+s3], $0x80, v4, vm0, $0xb8;
	[tilespmem:$0x10400] =	vst v63  }
0xf3: {  	s11 =	simm.s32 $0x3C00  }
0xf4: {  	[tilespmem:s11], [sflag:$0x1] =	stream.indirect_vreg.gather [hbm4b:s1+s3], $0x80, v3, vm0, $0xb8;
	[tilespmem:$0x10400] =	vst v63  }
0xf5: {  	v3 =	vld [tilespmem:$0x140];
	_ =	sdelay $0x4  }
0xf6: {  	v20 =	vshll.u32 v3, $0x1  }
0xf7: {  	v3 =	vand.u32 $0x7, v3;
	v4 =	vand.u32 $0xFFFFFFF0, v20  }
0xf8: {  	v3 =	vor.u32 v3, v4  }
0xf9: {  	v4 =	vperm.xlane v3, v0;
	_ =	sdelay $0x1  }
0xfa: {  	v3 =	vperm.xlane v3, v2;
	v4 =	vadd.s32 v1, v4;
	_ =	sdelay $0x1  }
0xfb: {  	v3 =	vadd.s32 v1, v3;
	_ =	sdelay $0x1  }
0xfc: {  	s9 =	simm.s32 $0x4400  }
0xfd: {  	[tilespmem:s9], [sflag:$0x1] =	stream.indirect_vreg.gather [hbm4b:s1+s3], $0x80, v4, vm0, $0xb8;
	[tilespmem:$0x10400] =	vst v63  }
0xfe: {  	s12 =	simm.s32 $0x4C00  }
0xff: {  	[tilespmem:s12], [sflag:$0x1] =	stream.indirect_vreg.gather [hbm4b:s1+s3], $0x80, v3, vm0, $0xb8;
	[tilespmem:$0x10400] =	vst v63  }
0x100: {  	v3 =	vld [tilespmem:$0x150];
	_ =	sdelay $0x4  }
0x101: {  	v21 =	vshll.u32 v3, $0x1  }
0x102: {  	v3 =	vand.u32 $0x7, v3;
	v4 =	vand.u32 $0xFFFFFFF0, v21  }
0x103: {  	v3 =	vor.u32 v3, v4  }
0x104: {  	v4 =	vperm.xlane v3, v0;
	_ =	sdelay $0x1  }
0x105: {  	v3 =	vperm.xlane v3, v2;
	v4 =	vadd.s32 v1, v4;
	_ =	sdelay $0x1  }
0x106: {  	v3 =	vadd.s32 v1, v3;
	_ =	sdelay $0x1  }
0x107: {  	s10 =	simm.s32 $0x5400  }
0x108: {  	[tilespmem:s10], [sflag:$0x1] =	stream.indirect_vreg.gather [hbm4b:s1+s3], $0x80, v4, vm0, $0xb8;
	[tilespmem:$0x10400] =	vst v63  }
0x109: {  	s16 =	simm.s32 $0x5C00  }
0x10a: {  	[tilespmem:s16], [sflag:$0x1] =	stream.indirect_vreg.gather [hbm4b:s1+s3], $0x80, v3, vm0, $0xb8;
	[tilespmem:$0x10400] =	vst v63  }
0x10b: {  	v3 =	vld [tilespmem:$0x160];
	_ =	sdelay $0x4  }
0x10c: {  	v22 =	vshll.u32 v3, $0x1  }
0x10d: {  	v3 =	vand.u32 $0x7, v3;
	v4 =	vand.u32 $0xFFFFFFF0, v22  }
0x10e: {  	v3 =	vor.u32 v3, v4  }
0x10f: {  	v4 =	vperm.xlane v3, v0;
	_ =	sdelay $0x1  }
0x110: {  	v3 =	vperm.xlane v3, v2;
	v4 =	vadd.s32 v1, v4;
	_ =	sdelay $0x1  }
0x111: {  	v3 =	vadd.s32 v1, v3;
	_ =	sdelay $0x1  }
0x112: {  	s16 =	simm.s32 $0x6400  }
0x113: {  	[tilespmem:s16], [sflag:$0x1] =	stream.indirect_vreg.gather [hbm4b:s1+s3], $0x80, v4, vm0, $0xb8;
	[tilespmem:$0x10400] =	vst v63  }
0x114: {  	s17 =	simm.s32 $0x6C00  }
0x115: {  	[tilespmem:s17], [sflag:$0x1] =	stream.indirect_vreg.gather [hbm4b:s1+s3], $0x80, v3, vm0, $0xb8;
	[tilespmem:$0x10400] =	vst v63  }
0x116: {  	v3 =	vld [tilespmem:$0x170];
	_ =	sdelay $0x4  }
0x117: {  	v23 =	vshll.u32 v3, $0x1  }
0x118: {  	v3 =	vand.u32 $0x7, v3;
	v4 =	vand.u32 $0xFFFFFFF0, v23  }
0x119: {  	v3 =	vor.u32 v3, v4  }
0x11a: {  	v4 =	vperm.xlane v3, v0;
	_ =	sdelay $0x1  }
0x11b: {  	v3 =	vperm.xlane v3, v2;
	v4 =	vadd.s32 v1, v4;
	_ =	sdelay $0x1  }
0x11c: {  	v3 =	vadd.s32 v1, v3;
	_ =	sdelay $0x1  }
0x11d: {  	s18 =	simm.s32 $0x7400  }
0x11e: {  	[tilespmem:s18], [sflag:$0x1] =	stream.indirect_vreg.gather [hbm4b:s1+s3], $0x80, v4, vm0, $0xb8;
	[tilespmem:$0x10400] =	vst v63  }
0x11f: {  	s10 =	simm.s32 $0x7C00  }
0x120: {  	[tilespmem:s10], [sflag:$0x1] =	stream.indirect_vreg.gather [hbm4b:s1+s3], $0x80, v3, vm0, $0xb8;
	[tilespmem:$0x10400] =	vst v63  }
0x121: {  	_ =	swait.ge [sflag:s14], $0x8000  }
0x122: {  	[sflag:s14] =	ssyncset.done $0x0  }
0x123: {  	s7 =	rddreg [dreg:$0x5];
	[sflag:s14] =	ssyncadd.s32 $0xFFFF8000  }
0x124: {  	[hbm4b:s7+s3] =	stream.linear.scatter [tilespmem:s23], [sflag:$0x3], $0x8000, $0x38;
	[tilespmem:$0x10400] =	vst v63  }
0x125: {  	_ =	swait.ge [sflag:s6], $0x8000  }
0x126: {  	[sflag:s6] =	ssyncset.done $0x0  }
0x127: {  	[sflag:s6] =	ssyncadd.s32 $0xFFFF8000  }
0x128: {  	v3 =	vld [tilespmem:$0x180];
	_ =	sdelay $0x4  }
0x129: {  	v24 =	vshll.u32 v3, $0x1  }
0x12a: {  	v3 =	vand.u32 $0x7, v3;
	v4 =	vand.u32 $0xFFFFFFF0, v24  }
0x12b: {  	v3 =	vor.u32 v3, v4  }
0x12c: {  	v4 =	vperm.xlane v3, v0;
	_ =	sdelay $0x1  }
0x12d: {  	v3 =	vperm.xlane v3, v2;
	v4 =	vadd.s32 v1, v4;
	_ =	sdelay $0x1  }
0x12e: {  	v3 =	vadd.s32 v1, v3;
	_ =	sdelay $0x2  }
0x12f: {  	[tilespmem:s23], [sflag:$0x2] =	stream.indirect_vreg.gather [hbm4b:s1+s3], $0x80, v4, vm0, $0xb8;
	[tilespmem:$0x10400] =	vst v63  }
0x130: {  	s2 =	simm.s32 $0x8C00  }
0x131: {  	[tilespmem:s2], [sflag:$0x2] =	stream.indirect_vreg.gather [hbm4b:s1+s3], $0x80, v3, vm0, $0xb8;
	[tilespmem:$0x10400] =	vst v63  }
0x132: {  	v3 =	vld [tilespmem:$0x190];
	_ =	sdelay $0x4  }
0x133: {  	v25 =	vshll.u32 v3, $0x1  }
0x134: {  	v3 =	vand.u32 $0x7, v3;
	v4 =	vand.u32 $0xFFFFFFF0, v25  }
0x135: {  	v3 =	vor.u32 v3, v4  }
0x136: {  	v4 =	vperm.xlane v3, v0;
	_ =	sdelay $0x1  }
0x137: {  	v3 =	vperm.xlane v3, v2;
	v4 =	vadd.s32 v1, v4;
	_ =	sdelay $0x1  }
0x138: {  	v3 =	vadd.s32 v1, v3;
	_ =	sdelay $0x1  }
0x139: {  	s0 =	simm.s32 $0x9400  }
0x13a: {  	[tilespmem:s0], [sflag:$0x2] =	stream.indirect_vreg.gather [hbm4b:s1+s3], $0x80, v4, vm0, $0xb8;
	[tilespmem:$0x10400] =	vst v63  }
0x13b: {  	s4 =	simm.s32 $0x9C00  }
0x13c: {  	[tilespmem:s4], [sflag:$0x2] =	stream.indirect_vreg.gather [hbm4b:s1+s3], $0x80, v3, vm0, $0xb8;
	[tilespmem:$0x10400] =	vst v63  }
0x13d: {  	v3 =	vld [tilespmem:$0x1A0];
	_ =	sdelay $0x4  }
0x13e: {  	v26 =	vshll.u32 v3, $0x1  }
0x13f: {  	v3 =	vand.u32 $0x7, v3;
	v4 =	vand.u32 $0xFFFFFFF0, v26  }
0x140: {  	v3 =	vor.u32 v3, v4  }
0x141: {  	v4 =	vperm.xlane v3, v0;
	_ =	sdelay $0x1  }
0x142: {  	v3 =	vperm.xlane v3, v2;
	v4 =	vadd.s32 v1, v4;
	_ =	sdelay $0x1  }
0x143: {  	v3 =	vadd.s32 v1, v3;
	_ =	sdelay $0x1  }
0x144: {  	s2 =	simm.s32 $0xA400  }
0x145: {  	[tilespmem:s2], [sflag:$0x2] =	stream.indirect_vreg.gather [hbm4b:s1+s3], $0x80, v4, vm0, $0xb8;
	[tilespmem:$0x10400] =	vst v63  }
0x146: {  	s7 =	simm.s32 $0xAC00  }
0x147: {  	[tilespmem:s7], [sflag:$0x2] =	stream.indirect_vreg.gather [hbm4b:s1+s3], $0x80, v3, vm0, $0xb8;
	[tilespmem:$0x10400] =	vst v63  }
0x148: {  	v3 =	vld [tilespmem:$0x1B0];
	_ =	sdelay $0x4  }
0x149: {  	v27 =	vshll.u32 v3, $0x1  }
0x14a: {  	v3 =	vand.u32 $0x7, v3;
	v4 =	vand.u32 $0xFFFFFFF0, v27  }
0x14b: {  	v3 =	vor.u32 v3, v4  }
0x14c: {  	v4 =	vperm.xlane v3, v0;
	_ =	sdelay $0x1  }
0x14d: {  	v3 =	vperm.xlane v3, v2;
	v4 =	vadd.s32 v1, v4;
	_ =	sdelay $0x1  }
0x14e: {  	v3 =	vadd.s32 v1, v3;
	_ =	sdelay $0x1  }
0x14f: {  	s28 =	simm.s32 $0xB400  }
0x150: {  	[tilespmem:s28], [sflag:$0x2] =	stream.indirect_vreg.gather [hbm4b:s1+s3], $0x80, v4, vm0, $0xb8;
	[tilespmem:$0x10400] =	vst v63  }
0x151: {  	s21 =	simm.s32 $0xBC00  }
0x152: {  	[tilespmem:s21], [sflag:$0x2] =	stream.indirect_vreg.gather [hbm4b:s1+s3], $0x80, v3, vm0, $0xb8;
	[tilespmem:$0x10400] =	vst v63  }
0x153: {  	v3 =	vld [tilespmem:$0x1C0];
	_ =	sdelay $0x4  }
0x154: {  	v28 =	vshll.u32 v3, $0x1  }
0x155: {  	v3 =	vand.u32 $0x7, v3;
	v4 =	vand.u32 $0xFFFFFFF0, v28  }
0x156: {  	v3 =	vor.u32 v3, v4  }
0x157: {  	v4 =	vperm.xlane v3, v0;
	_ =	sdelay $0x1  }
0x158: {  	v3 =	vperm.xlane v3, v2;
	v4 =	vadd.s32 v1, v4;
	_ =	sdelay $0x1  }
0x159: {  	v3 =	vadd.s32 v1, v3;
	_ =	sdelay $0x1  }
0x15a: {  	s31 =	simm.s32 $0xC400  }
0x15b: {  	[tilespmem:s31], [sflag:$0x2] =	stream.indirect_vreg.gather [hbm4b:s1+s3], $0x80, v4, vm0, $0xb8;
	[tilespmem:$0x10400] =	vst v63  }
0x15c: {  	s19 =	simm.s32 $0xCC00  }
0x15d: {  	[tilespmem:s19], [sflag:$0x2] =	stream.indirect_vreg.gather [hbm4b:s1+s3], $0x80, v3, vm0, $0xb8;
	[tilespmem:$0x10400] =	vst v63  }
0x15e: {  	v3 =	vld [tilespmem:$0x1D0];
	_ =	sdelay $0x4  }
0x15f: {  	v29 =	vshll.u32 v3, $0x1  }
0x160: {  	v3 =	vand.u32 $0x7, v3;
	v4 =	vand.u32 $0xFFFFFFF0, v29  }
0x161: {  	v3 =	vor.u32 v3, v4  }
0x162: {  	v4 =	vperm.xlane v3, v0;
	_ =	sdelay $0x1  }
0x163: {  	v3 =	vperm.xlane v3, v2;
	v4 =	vadd.s32 v1, v4;
	_ =	sdelay $0x1  }
0x164: {  	v3 =	vadd.s32 v1, v3;
	_ =	sdelay $0x1  }
0x165: {  	s31 =	simm.s32 $0xD400  }
0x166: {  	[tilespmem:s31], [sflag:$0x2] =	stream.indirect_vreg.gather [hbm4b:s1+s3], $0x80, v4, vm0, $0xb8;
	[tilespmem:$0x10400] =	vst v63  }
0x167: {  	s22 =	simm.s32 $0xDC00  }
0x168: {  	[tilespmem:s22], [sflag:$0x2] =	stream.indirect_vreg.gather [hbm4b:s1+s3], $0x80, v3, vm0, $0xb8;
	[tilespmem:$0x10400] =	vst v63  }
0x169: {  	v3 =	vld [tilespmem:$0x1E0];
	_ =	sdelay $0x4  }
0x16a: {  	v30 =	vshll.u32 v3, $0x1  }
0x16b: {  	v3 =	vand.u32 $0x7, v3;
	v4 =	vand.u32 $0xFFFFFFF0, v30  }
0x16c: {  	v3 =	vor.u32 v3, v4  }
0x16d: {  	v4 =	vperm.xlane v3, v0;
	_ =	sdelay $0x1  }
0x16e: {  	v3 =	vperm.xlane v3, v2;
	v4 =	vadd.s32 v1, v4;
	_ =	sdelay $0x1  }
0x16f: {  	v3 =	vadd.s32 v1, v3;
	_ =	sdelay $0x1  }
0x170: {  	s29 =	simm.s32 $0xE400  }
0x171: {  	[tilespmem:s29], [sflag:$0x2] =	stream.indirect_vreg.gather [hbm4b:s1+s3], $0x80, v4, vm0, $0xb8;
	[tilespmem:$0x10400] =	vst v63  }
0x172: {  	s25 =	simm.s32 $0xEC00  }
0x173: {  	[tilespmem:s25], [sflag:$0x2] =	stream.indirect_vreg.gather [hbm4b:s1+s3], $0x80, v3, vm0, $0xb8;
	[tilespmem:$0x10400] =	vst v63  }
0x174: {  	v3 =	vld [tilespmem:$0x1F0];
	_ =	sdelay $0x4  }
0x175: {  	v31 =	vshll.u32 v3, $0x1  }
0x176: {  	v3 =	vand.u32 $0x7, v3;
	v4 =	vand.u32 $0xFFFFFFF0, v31  }
0x177: {  	v3 =	vor.u32 v3, v4  }
0x178: {  	v4 =	vperm.xlane v3, v0;
	_ =	sdelay $0x1  }
0x179: {  	v3 =	vperm.xlane v3, v2;
	v4 =	vadd.s32 v1, v4;
	_ =	sdelay $0x1  }
0x17a: {  	v3 =	vadd.s32 v1, v3;
	_ =	sdelay $0x1  }
0x17b: {  	s30 =	simm.s32 $0xF400  }
0x17c: {  	[tilespmem:s30], [sflag:$0x2] =	stream.indirect_vreg.gather [hbm4b:s1+s3], $0x80, v4, vm0, $0xb8;
	[tilespmem:$0x10400] =	vst v63  }
0x17d: {  	s26 =	simm.s32 $0xFC00  }
0x17e: {  	[tilespmem:s26], [sflag:$0x2] =	stream.indirect_vreg.gather [hbm4b:s1+s3], $0x80, v3, vm0, $0xb8;
	[tilespmem:$0x10400] =	vst v63  }
0x17f: {  	_ =	swait.ge [sflag:s13], $0x8000  }
0x180: {  	[sflag:s13] =	ssyncset.done $0x0  }
0x181: {  	s29 =	rddreg [dreg:$0x6];
	[sflag:s13] =	ssyncadd.s32 $0xFFFF8000  }
0x182: {  	[hbm4b:s29+s3] =	stream.linear.scatter [tilespmem:s24], [sflag:$0x3], $0x8000, $0x38;
	[tilespmem:$0x10400] =	vst v63  }
0x183: {  	_ =	swait.ge [sflag:s6], $0x8000  }
0x184: {  	[sflag:s6] =	ssyncset.done $0x0  }
0x185: {  	[sflag:s6] =	ssyncadd.s32 $0xFFFF8000  }
0x186: {  	v3 =	vld [tilespmem:$0x200];
	_ =	sdelay $0x4  }
0x187: {  	v32 =	vshll.u32 v3, $0x1  }
0x188: {  	v3 =	vand.u32 $0x7, v3;
	v4 =	vand.u32 $0xFFFFFFF0, v32  }
0x189: {  	v3 =	vor.u32 v3, v4  }
0x18a: {  	v4 =	vperm.xlane v3, v0;
	_ =	sdelay $0x1  }
0x18b: {  	v3 =	vperm.xlane v3, v2;
	v4 =	vadd.s32 v1, v4;
	_ =	sdelay $0x1  }
0x18c: {  	v3 =	vadd.s32 v1, v3;
	_ =	sdelay $0x2  }
0x18d: {  	[tilespmem:s24], [sflag:$0x1] =	stream.indirect_vreg.gather [hbm4b:s1+s3], $0x80, v4, vm0, $0xb8;
	[tilespmem:$0x10400] =	vst v63  }
0x18e: {  	s25 =	simm.s32 $0xC00  }
0x18f: {  	[tilespmem:s25], [sflag:$0x1] =	stream.indirect_vreg.gather [hbm4b:s1+s3], $0x80, v3, vm0, $0xb8;
	[tilespmem:$0x10400] =	vst v63  }
0x190: {  	v3 =	vld [tilespmem:$0x210];
	_ =	sdelay $0x4  }
0x191: {  	v33 =	vshll.u32 v3, $0x1  }
0x192: {  	v3 =	vand.u32 $0x7, v3;
	v4 =	vand.u32 $0xFFFFFFF0, v33  }
0x193: {  	v3 =	vor.u32 v3, v4  }
0x194: {  	v4 =	vperm.xlane v3, v0;
	_ =	sdelay $0x1  }
0x195: {  	v3 =	vperm.xlane v3, v2;
	v4 =	vadd.s32 v1, v4;
	_ =	sdelay $0x1  }
0x196: {  	v3 =	vadd.s32 v1, v3;
	_ =	sdelay $0x1  }
0x197: {  	s26 =	simm.s32 $0x1400  }
0x198: {  	[tilespmem:s26], [sflag:$0x1] =	stream.indirect_vreg.gather [hbm4b:s1+s3], $0x80, v4, vm0, $0xb8;
	[tilespmem:$0x10400] =	vst v63  }
0x199: {  	_ = 	snop  }
0x19a: {  	[tilespmem:s20], [sflag:$0x1] =	stream.indirect_vreg.gather [hbm4b:s1+s3], $0x80, v3, vm0, $0xb8;
	[tilespmem:$0x10400] =	vst v63  }
0x19b: {  	v3 =	vld [tilespmem:$0x220];
	_ =	sdelay $0x4  }
0x19c: {  	v34 =	vshll.u32 v3, $0x1  }
0x19d: {  	v3 =	vand.u32 $0x7, v3;
	v4 =	vand.u32 $0xFFFFFFF0, v34  }
0x19e: {  	v3 =	vor.u32 v3, v4  }
0x19f: {  	v4 =	vperm.xlane v3, v0;
	_ =	sdelay $0x1  }
0x1a0: {  	v3 =	vperm.xlane v3, v2;
	v4 =	vadd.s32 v1, v4;
	_ =	sdelay $0x1  }
0x1a1: {  	v3 =	vadd.s32 v1, v3;
	_ =	sdelay $0x1  }
0x1a2: {  	s29 =	simm.s32 $0x2400  }
0x1a3: {  	[tilespmem:s29], [sflag:$0x1] =	stream.indirect_vreg.gather [hbm4b:s1+s3], $0x80, v4, vm0, $0xb8;
	[tilespmem:$0x10400] =	vst v63  }
0x1a4: {  	s25 =	simm.s32 $0x2C00  }
0x1a5: {  	[tilespmem:s25], [sflag:$0x1] =	stream.indirect_vreg.gather [hbm4b:s1+s3], $0x80, v3, vm0, $0xb8;
	[tilespmem:$0x10400] =	vst v63  }
0x1a6: {  	v3 =	vld [tilespmem:$0x230];
	_ =	sdelay $0x4  }
0x1a7: {  	v35 =	vshll.u32 v3, $0x1  }
0x1a8: {  	v3 =	vand.u32 $0x7, v3;
	v4 =	vand.u32 $0xFFFFFFF0, v35  }
0x1a9: {  	v3 =	vor.u32 v3, v4  }
0x1aa: {  	v4 =	vperm.xlane v3, v0;
	_ =	sdelay $0x1  }
0x1ab: {  	v3 =	vperm.xlane v3, v2;
	v4 =	vadd.s32 v1, v4;
	_ =	sdelay $0x1  }
0x1ac: {  	v3 =	vadd.s32 v1, v3;
	_ =	sdelay $0x2  }
0x1ad: {  	[tilespmem:s8], [sflag:$0x1] =	stream.indirect_vreg.gather [hbm4b:s1+s3], $0x80, v4, vm0, $0xb8;
	[tilespmem:$0x10400] =	vst v63  }
0x1ae: {  	_ = 	snop  }
0x1af: {  	[tilespmem:s11], [sflag:$0x1] =	stream.indirect_vreg.gather [hbm4b:s1+s3], $0x80, v3, vm0, $0xb8;
	[tilespmem:$0x10400] =	vst v63  }
0x1b0: {  	v3 =	vld [tilespmem:$0x240];
	_ =	sdelay $0x4  }
0x1b1: {  	v36 =	vshll.u32 v3, $0x1  }
0x1b2: {  	v3 =	vand.u32 $0x7, v3;
	v4 =	vand.u32 $0xFFFFFFF0, v36  }
0x1b3: {  	v3 =	vor.u32 v3, v4  }
0x1b4: {  	v4 =	vperm.xlane v3, v0;
	_ =	sdelay $0x1  }
0x1b5: {  	v3 =	vperm.xlane v3, v2;
	v4 =	vadd.s32 v1, v4;
	_ =	sdelay $0x1  }
0x1b6: {  	v3 =	vadd.s32 v1, v3;
	_ =	sdelay $0x2  }
0x1b7: {  	[tilespmem:s9], [sflag:$0x1] =	stream.indirect_vreg.gather [hbm4b:s1+s3], $0x80, v4, vm0, $0xb8;
	[tilespmem:$0x10400] =	vst v63  }
0x1b8: {  	_ = 	snop  }
0x1b9: {  	[tilespmem:s12], [sflag:$0x1] =	stream.indirect_vreg.gather [hbm4b:s1+s3], $0x80, v3, vm0, $0xb8;
	[tilespmem:$0x10400] =	vst v63  }
0x1ba: {  	v3 =	vld [tilespmem:$0x250];
	_ =	sdelay $0x4  }
0x1bb: {  	v37 =	vshll.u32 v3, $0x1  }
0x1bc: {  	v3 =	vand.u32 $0x7, v3;
	v4 =	vand.u32 $0xFFFFFFF0, v37  }
0x1bd: {  	v3 =	vor.u32 v3, v4  }
0x1be: {  	v4 =	vperm.xlane v3, v0;
	_ =	sdelay $0x1  }
0x1bf: {  	v3 =	vperm.xlane v3, v2;
	v4 =	vadd.s32 v1, v4;
	_ =	sdelay $0x1  }
0x1c0: {  	v3 =	vadd.s32 v1, v3;
	_ =	sdelay $0x1  }
0x1c1: {  	s26 =	simm.s32 $0x5400  }
0x1c2: {  	[tilespmem:s26], [sflag:$0x1] =	stream.indirect_vreg.gather [hbm4b:s1+s3], $0x80, v4, vm0, $0xb8;
	[tilespmem:$0x10400] =	vst v63  }
0x1c3: {  	s29 =	simm.s32 $0x5C00  }
0x1c4: {  	[tilespmem:s29], [sflag:$0x1] =	stream.indirect_vreg.gather [hbm4b:s1+s3], $0x80, v3, vm0, $0xb8;
	[tilespmem:$0x10400] =	vst v63  }
0x1c5: {  	v3 =	vld [tilespmem:$0x260];
	_ =	sdelay $0x4  }
0x1c6: {  	v38 =	vshll.u32 v3, $0x1  }
0x1c7: {  	v3 =	vand.u32 $0x7, v3;
	v4 =	vand.u32 $0xFFFFFFF0, v38  }
0x1c8: {  	v3 =	vor.u32 v3, v4  }
0x1c9: {  	v4 =	vperm.xlane v3, v0;
	_ =	sdelay $0x1  }
0x1ca: {  	v3 =	vperm.xlane v3, v2;
	v4 =	vadd.s32 v1, v4;
	_ =	sdelay $0x1  }
0x1cb: {  	v3 =	vadd.s32 v1, v3;
	_ =	sdelay $0x2  }
0x1cc: {  	[tilespmem:s16], [sflag:$0x1] =	stream.indirect_vreg.gather [hbm4b:s1+s3], $0x80, v4, vm0, $0xb8;
	[tilespmem:$0x10400] =	vst v63  }
0x1cd: {  	_ = 	snop  }
0x1ce: {  	[tilespmem:s17], [sflag:$0x1] =	stream.indirect_vreg.gather [hbm4b:s1+s3], $0x80, v3, vm0, $0xb8;
	[tilespmem:$0x10400] =	vst v63  }
0x1cf: {  	v3 =	vld [tilespmem:$0x270];
	_ =	sdelay $0x4  }
0x1d0: {  	v39 =	vshll.u32 v3, $0x1  }
0x1d1: {  	v3 =	vand.u32 $0x7, v3;
	v4 =	vand.u32 $0xFFFFFFF0, v39  }
0x1d2: {  	v3 =	vor.u32 v3, v4  }
0x1d3: {  	v4 =	vperm.xlane v3, v0;
	_ =	sdelay $0x1  }
0x1d4: {  	v3 =	vperm.xlane v3, v2;
	v4 =	vadd.s32 v1, v4;
	_ =	sdelay $0x1  }
0x1d5: {  	v3 =	vadd.s32 v1, v3;
	_ =	sdelay $0x2  }
0x1d6: {  	[tilespmem:s18], [sflag:$0x1] =	stream.indirect_vreg.gather [hbm4b:s1+s3], $0x80, v4, vm0, $0xb8;
	[tilespmem:$0x10400] =	vst v63  }
0x1d7: {  	_ = 	snop  }
0x1d8: {  	[tilespmem:s10], [sflag:$0x1] =	stream.indirect_vreg.gather [hbm4b:s1+s3], $0x80, v3, vm0, $0xb8;
	[tilespmem:$0x10400] =	vst v63  }
0x1d9: {  	_ =	swait.ge [sflag:s14], $0x8000  }
0x1da: {  	[sflag:s14] =	ssyncset.done $0x0  }
0x1db: {  	s25 =	rddreg [dreg:$0x7];
	[sflag:s14] =	ssyncadd.s32 $0xFFFF8000  }
0x1dc: {  	[hbm4b:s25+s3] =	stream.linear.scatter [tilespmem:s23], [sflag:$0x3], $0x8000, $0x38;
	[tilespmem:$0x10400] =	vst v63  }
0x1dd: {  	_ =	swait.ge [sflag:s6], $0x8000  }
0x1de: {  	[sflag:s6] =	ssyncset.done $0x0  }
0x1df: {  	[sflag:s6] =	ssyncadd.s32 $0xFFFF8000  }
0x1e0: {  	v3 =	vld [tilespmem:$0x280];
	_ =	sdelay $0x4  }
0x1e1: {  	v40 =	vshll.u32 v3, $0x1  }
0x1e2: {  	v3 =	vand.u32 $0x7, v3;
	v4 =	vand.u32 $0xFFFFFFF0, v40  }
0x1e3: {  	v3 =	vor.u32 v3, v4  }
0x1e4: {  	v4 =	vperm.xlane v3, v0;
	_ =	sdelay $0x1  }
0x1e5: {  	v3 =	vperm.xlane v3, v2;
	v4 =	vadd.s32 v1, v4;
	_ =	sdelay $0x1  }
0x1e6: {  	v3 =	vadd.s32 v1, v3;
	_ =	sdelay $0x2  }
0x1e7: {  	[tilespmem:s23], [sflag:$0x2] =	stream.indirect_vreg.gather [hbm4b:s1+s3], $0x80, v4, vm0, $0xb8;
	[tilespmem:$0x10400] =	vst v63  }
0x1e8: {  	s26 =	simm.s32 $0x8C00  }
0x1e9: {  	[tilespmem:s26], [sflag:$0x2] =	stream.indirect_vreg.gather [hbm4b:s1+s3], $0x80, v3, vm0, $0xb8;
	[tilespmem:$0x10400] =	vst v63  }
0x1ea: {  	v3 =	vld [tilespmem:$0x290];
	_ =	sdelay $0x4  }
0x1eb: {  	v41 =	vshll.u32 v3, $0x1  }
0x1ec: {  	v3 =	vand.u32 $0x7, v3;
	v4 =	vand.u32 $0xFFFFFFF0, v41  }
0x1ed: {  	v3 =	vor.u32 v3, v4  }
0x1ee: {  	v4 =	vperm.xlane v3, v0;
	_ =	sdelay $0x1  }
0x1ef: {  	v3 =	vperm.xlane v3, v2;
	v4 =	vadd.s32 v1, v4;
	_ =	sdelay $0x1  }
0x1f0: {  	v3 =	vadd.s32 v1, v3;
	_ =	sdelay $0x2  }
0x1f1: {  	[tilespmem:s0], [sflag:$0x2] =	stream.indirect_vreg.gather [hbm4b:s1+s3], $0x80, v4, vm0, $0xb8;
	[tilespmem:$0x10400] =	vst v63  }
0x1f2: {  	_ = 	snop  }
0x1f3: {  	[tilespmem:s4], [sflag:$0x2] =	stream.indirect_vreg.gather [hbm4b:s1+s3], $0x80, v3, vm0, $0xb8;
	[tilespmem:$0x10400] =	vst v63  }
0x1f4: {  	v3 =	vld [tilespmem:$0x2A0];
	_ =	sdelay $0x4  }
0x1f5: {  	v42 =	vshll.u32 v3, $0x1  }
0x1f6: {  	v3 =	vand.u32 $0x7, v3;
	v4 =	vand.u32 $0xFFFFFFF0, v42  }
0x1f7: {  	v3 =	vor.u32 v3, v4  }
0x1f8: {  	v4 =	vperm.xlane v3, v0;
	_ =	sdelay $0x1  }
0x1f9: {  	v3 =	vperm.xlane v3, v2;
	v4 =	vadd.s32 v1, v4;
	_ =	sdelay $0x1  }
0x1fa: {  	v3 =	vadd.s32 v1, v3;
	_ =	sdelay $0x2  }
0x1fb: {  	[tilespmem:s2], [sflag:$0x2] =	stream.indirect_vreg.gather [hbm4b:s1+s3], $0x80, v4, vm0, $0xb8;
	[tilespmem:$0x10400] =	vst v63  }
0x1fc: {  	_ = 	snop  }
0x1fd: {  	[tilespmem:s7], [sflag:$0x2] =	stream.indirect_vreg.gather [hbm4b:s1+s3], $0x80, v3, vm0, $0xb8;
	[tilespmem:$0x10400] =	vst v63  }
0x1fe: {  	v3 =	vld [tilespmem:$0x2B0];
	_ =	sdelay $0x4  }
0x1ff: {  	v43 =	vshll.u32 v3, $0x1  }
0x200: {  	v3 =	vand.u32 $0x7, v3;
	v4 =	vand.u32 $0xFFFFFFF0, v43  }
0x201: {  	v3 =	vor.u32 v3, v4  }
0x202: {  	v4 =	vperm.xlane v3, v0;
	_ =	sdelay $0x1  }
0x203: {  	v3 =	vperm.xlane v3, v2;
	v4 =	vadd.s32 v1, v4;
	_ =	sdelay $0x1  }
0x204: {  	v3 =	vadd.s32 v1, v3;
	_ =	sdelay $0x1  }
0x205: {  	s28 =	simm.s32 $0xB400  }
0x206: {  	[tilespmem:s28], [sflag:$0x2] =	stream.indirect_vreg.gather [hbm4b:s1+s3], $0x80, v4, vm0, $0xb8;
	[tilespmem:$0x10400] =	vst v63  }
0x207: {  	s29 =	simm.s32 $0xBC00  }
0x208: {  	[tilespmem:s29], [sflag:$0x2] =	stream.indirect_vreg.gather [hbm4b:s1+s3], $0x80, v3, vm0, $0xb8;
	[tilespmem:$0x10400] =	vst v63  }
0x209: {  	v3 =	vld [tilespmem:$0x2C0];
	_ =	sdelay $0x4  }
0x20a: {  	v44 =	vshll.u32 v3, $0x1  }
0x20b: {  	v3 =	vand.u32 $0x7, v3;
	v4 =	vand.u32 $0xFFFFFFF0, v44  }
0x20c: {  	v3 =	vor.u32 v3, v4  }
0x20d: {  	v4 =	vperm.xlane v3, v0;
	_ =	sdelay $0x1  }
0x20e: {  	v3 =	vperm.xlane v3, v2;
	v4 =	vadd.s32 v1, v4;
	_ =	sdelay $0x1  }
0x20f: {  	v3 =	vadd.s32 v1, v3;
	_ =	sdelay $0x1  }
0x210: {  	s21 =	simm.s32 $0xC400  }
0x211: {  	[tilespmem:s21], [sflag:$0x2] =	stream.indirect_vreg.gather [hbm4b:s1+s3], $0x80, v4, vm0, $0xb8;
	[tilespmem:$0x10400] =	vst v63  }
0x212: {  	s19 =	simm.s32 $0xCC00  }
0x213: {  	[tilespmem:s19], [sflag:$0x2] =	stream.indirect_vreg.gather [hbm4b:s1+s3], $0x80, v3, vm0, $0xb8;
	[tilespmem:$0x10400] =	vst v63  }
0x214: {  	v3 =	vld [tilespmem:$0x2D0];
	_ =	sdelay $0x4  }
0x215: {  	v45 =	vshll.u32 v3, $0x1  }
0x216: {  	v3 =	vand.u32 $0x7, v3;
	v4 =	vand.u32 $0xFFFFFFF0, v45  }
0x217: {  	v3 =	vor.u32 v3, v4  }
0x218: {  	v4 =	vperm.xlane v3, v0;
	_ =	sdelay $0x1  }
0x219: {  	v3 =	vperm.xlane v3, v2;
	v4 =	vadd.s32 v1, v4;
	_ =	sdelay $0x1  }
0x21a: {  	v3 =	vadd.s32 v1, v3;
	_ =	sdelay $0x1  }
0x21b: {  	s19 =	simm.s32 $0xD400  }
0x21c: {  	[tilespmem:s19], [sflag:$0x2] =	stream.indirect_vreg.gather [hbm4b:s1+s3], $0x80, v4, vm0, $0xb8;
	[tilespmem:$0x10400] =	vst v63  }
0x21d: {  	s31 =	simm.s32 $0xDC00  }
0x21e: {  	[tilespmem:s31], [sflag:$0x2] =	stream.indirect_vreg.gather [hbm4b:s1+s3], $0x80, v3, vm0, $0xb8;
	[tilespmem:$0x10400] =	vst v63  }
0x21f: {  	v3 =	vld [tilespmem:$0x2E0];
	_ =	sdelay $0x4  }
0x220: {  	v46 =	vshll.u32 v3, $0x1  }
0x221: {  	v3 =	vand.u32 $0x7, v3;
	v4 =	vand.u32 $0xFFFFFFF0, v46  }
0x222: {  	v3 =	vor.u32 v3, v4  }
0x223: {  	v4 =	vperm.xlane v3, v0;
	_ =	sdelay $0x1  }
0x224: {  	v3 =	vperm.xlane v3, v2;
	v4 =	vadd.s32 v1, v4;
	_ =	sdelay $0x1  }
0x225: {  	v3 =	vadd.s32 v1, v3;
	_ =	sdelay $0x1  }
0x226: {  	s22 =	simm.s32 $0xE400  }
0x227: {  	[tilespmem:s22], [sflag:$0x2] =	stream.indirect_vreg.gather [hbm4b:s1+s3], $0x80, v4, vm0, $0xb8;
	[tilespmem:$0x10400] =	vst v63  }
0x228: {  	s22 =	simm.s32 $0xEC00  }
0x229: {  	[tilespmem:s22], [sflag:$0x2] =	stream.indirect_vreg.gather [hbm4b:s1+s3], $0x80, v3, vm0, $0xb8;
	[tilespmem:$0x10400] =	vst v63  }
0x22a: {  	v3 =	vld [tilespmem:$0x2F0];
	_ =	sdelay $0x4  }
0x22b: {  	v47 =	vshll.u32 v3, $0x1  }
0x22c: {  	v3 =	vand.u32 $0x7, v3;
	v4 =	vand.u32 $0xFFFFFFF0, v47  }
0x22d: {  	v3 =	vor.u32 v3, v4  }
0x22e: {  	v4 =	vperm.xlane v3, v0;
	_ =	sdelay $0x1  }
0x22f: {  	v3 =	vperm.xlane v3, v2;
	v4 =	vadd.s32 v1, v4;
	_ =	sdelay $0x1  }
0x230: {  	v3 =	vadd.s32 v1, v3;
	_ =	sdelay $0x1  }
0x231: {  	s31 =	simm.s32 $0xF400  }
0x232: {  	[tilespmem:s31], [sflag:$0x2] =	stream.indirect_vreg.gather [hbm4b:s1+s3], $0x80, v4, vm0, $0xb8;
	[tilespmem:$0x10400] =	vst v63  }
0x233: {  	s30 =	simm.s32 $0xFC00  }
0x234: {  	[tilespmem:s30], [sflag:$0x2] =	stream.indirect_vreg.gather [hbm4b:s1+s3], $0x80, v3, vm0, $0xb8;
	[tilespmem:$0x10400] =	vst v63  }
0x235: {  	_ =	swait.ge [sflag:s13], $0x8000  }
0x236: {  	[sflag:s13] =	ssyncset.done $0x0  }
0x237: {  	s30 =	rddreg [dreg:$0x8];
	[sflag:s13] =	ssyncadd.s32 $0xFFFF8000  }
0x238: {  	[hbm4b:s30+s3] =	stream.linear.scatter [tilespmem:s24], [sflag:$0x3], $0x8000, $0x38;
	[tilespmem:$0x10400] =	vst v63  }
0x239: {  	_ =	swait.ge [sflag:s6], $0x8000  }
0x23a: {  	[sflag:s6] =	ssyncset.done $0x0  }
0x23b: {  	[sflag:s6] =	ssyncadd.s32 $0xFFFF8000  }
0x23c: {  	v3 =	vld [tilespmem:$0x300];
	_ =	sdelay $0x4  }
0x23d: {  	v48 =	vshll.u32 v3, $0x1  }
0x23e: {  	v3 =	vand.u32 $0x7, v3;
	v4 =	vand.u32 $0xFFFFFFF0, v48  }
0x23f: {  	v3 =	vor.u32 v3, v4  }
0x240: {  	v4 =	vperm.xlane v3, v0;
	_ =	sdelay $0x1  }
0x241: {  	v3 =	vperm.xlane v3, v2;
	v4 =	vadd.s32 v1, v4;
	_ =	sdelay $0x1  }
0x242: {  	v3 =	vadd.s32 v1, v3;
	_ =	sdelay $0x2  }
0x243: {  	[tilespmem:s24], [sflag:$0x1] =	stream.indirect_vreg.gather [hbm4b:s1+s3], $0x80, v4, vm0, $0xb8;
	[tilespmem:$0x10400] =	vst v63  }
0x244: {  	s30 =	simm.s32 $0xC00  }
0x245: {  	[tilespmem:s30], [sflag:$0x1] =	stream.indirect_vreg.gather [hbm4b:s1+s3], $0x80, v3, vm0, $0xb8;
	[tilespmem:$0x10400] =	vst v63  }
0x246: {  	v3 =	vld [tilespmem:$0x310];
	_ =	sdelay $0x4  }
0x247: {  	v49 =	vshll.u32 v3, $0x1  }
0x248: {  	v3 =	vand.u32 $0x7, v3;
	v4 =	vand.u32 $0xFFFFFFF0, v49  }
0x249: {  	v3 =	vor.u32 v3, v4  }
0x24a: {  	v4 =	vperm.xlane v3, v0;
	_ =	sdelay $0x1  }
0x24b: {  	v3 =	vperm.xlane v3, v2;
	v4 =	vadd.s32 v1, v4;
	_ =	sdelay $0x1  }
0x24c: {  	v3 =	vadd.s32 v1, v3;
	_ =	sdelay $0x1  }
0x24d: {  	s30 =	simm.s32 $0x1400  }
0x24e: {  	[tilespmem:s30], [sflag:$0x1] =	stream.indirect_vreg.gather [hbm4b:s1+s3], $0x80, v4, vm0, $0xb8;
	[tilespmem:$0x10400] =	vst v63  }
0x24f: {  	s20 =	simm.s32 $0x1C00  }
0x250: {  	[tilespmem:s20], [sflag:$0x1] =	stream.indirect_vreg.gather [hbm4b:s1+s3], $0x80, v3, vm0, $0xb8;
	[tilespmem:$0x10400] =	vst v63  }
0x251: {  	v3 =	vld [tilespmem:$0x320];
	_ =	sdelay $0x4  }
0x252: {  	v50 =	vshll.u32 v3, $0x1  }
0x253: {  	v3 =	vand.u32 $0x7, v3;
	v4 =	vand.u32 $0xFFFFFFF0, v50  }
0x254: {  	v3 =	vor.u32 v3, v4  }
0x255: {  	v4 =	vperm.xlane v3, v0;
	_ =	sdelay $0x1  }
0x256: {  	v3 =	vperm.xlane v3, v2;
	v4 =	vadd.s32 v1, v4;
	_ =	sdelay $0x1  }
0x257: {  	v3 =	vadd.s32 v1, v3;
	_ =	sdelay $0x1  }
0x258: {  	s20 =	simm.s32 $0x2400  }
0x259: {  	[tilespmem:s20], [sflag:$0x1] =	stream.indirect_vreg.gather [hbm4b:s1+s3], $0x80, v4, vm0, $0xb8;
	[tilespmem:$0x10400] =	vst v63  }
0x25a: {  	s30 =	simm.s32 $0x2C00  }
0x25b: {  	[tilespmem:s30], [sflag:$0x1] =	stream.indirect_vreg.gather [hbm4b:s1+s3], $0x80, v3, vm0, $0xb8;
	[tilespmem:$0x10400] =	vst v63  }
0x25c: {  	v3 =	vld [tilespmem:$0x330];
	_ =	sdelay $0x4  }
0x25d: {  	v51 =	vshll.u32 v3, $0x1  }
0x25e: {  	v3 =	vand.u32 $0x7, v3;
	v4 =	vand.u32 $0xFFFFFFF0, v51  }
0x25f: {  	v3 =	vor.u32 v3, v4  }
0x260: {  	v4 =	vperm.xlane v3, v0;
	_ =	sdelay $0x1  }
0x261: {  	v3 =	vperm.xlane v3, v2;
	v4 =	vadd.s32 v1, v4;
	_ =	sdelay $0x1  }
0x262: {  	v3 =	vadd.s32 v1, v3;
	_ =	sdelay $0x1  }
0x263: {  	s8 =	simm.s32 $0x3400  }
0x264: {  	[tilespmem:s8], [sflag:$0x1] =	stream.indirect_vreg.gather [hbm4b:s1+s3], $0x80, v4, vm0, $0xb8;
	[tilespmem:$0x10400] =	vst v63  }
0x265: {  	s11 =	simm.s32 $0x3C00  }
0x266: {  	[tilespmem:s11], [sflag:$0x1] =	stream.indirect_vreg.gather [hbm4b:s1+s3], $0x80, v3, vm0, $0xb8;
	[tilespmem:$0x10400] =	vst v63  }
0x267: {  	v3 =	vld [tilespmem:$0x340];
	_ =	sdelay $0x4  }
0x268: {  	v52 =	vshll.u32 v3, $0x1  }
0x269: {  	v3 =	vand.u32 $0x7, v3;
	v4 =	vand.u32 $0xFFFFFFF0, v52  }
0x26a: {  	v3 =	vor.u32 v3, v4  }
0x26b: {  	v4 =	vperm.xlane v3, v0;
	_ =	sdelay $0x1  }
0x26c: {  	v3 =	vperm.xlane v3, v2;
	v4 =	vadd.s32 v1, v4;
	_ =	sdelay $0x1  }
0x26d: {  	v3 =	vadd.s32 v1, v3;
	_ =	sdelay $0x1  }
0x26e: {  	s9 =	simm.s32 $0x4400  }
0x26f: {  	[tilespmem:s9], [sflag:$0x1] =	stream.indirect_vreg.gather [hbm4b:s1+s3], $0x80, v4, vm0, $0xb8;
	[tilespmem:$0x10400] =	vst v63  }
0x270: {  	s12 =	simm.s32 $0x4C00  }
0x271: {  	[tilespmem:s12], [sflag:$0x1] =	stream.indirect_vreg.gather [hbm4b:s1+s3], $0x80, v3, vm0, $0xb8;
	[tilespmem:$0x10400] =	vst v63  }
0x272: {  	v3 =	vld [tilespmem:$0x350];
	_ =	sdelay $0x4  }
0x273: {  	v53 =	vshll.u32 v3, $0x1  }
0x274: {  	v3 =	vand.u32 $0x7, v3;
	v4 =	vand.u32 $0xFFFFFFF0, v53  }
0x275: {  	v3 =	vor.u32 v3, v4  }
0x276: {  	v4 =	vperm.xlane v3, v0;
	_ =	sdelay $0x1  }
0x277: {  	v3 =	vperm.xlane v3, v2;
	v4 =	vadd.s32 v1, v4;
	_ =	sdelay $0x1  }
0x278: {  	v3 =	vadd.s32 v1, v3;
	_ =	sdelay $0x1  }
0x279: {  	s12 =	simm.s32 $0x5400  }
0x27a: {  	[tilespmem:s12], [sflag:$0x1] =	stream.indirect_vreg.gather [hbm4b:s1+s3], $0x80, v4, vm0, $0xb8;
	[tilespmem:$0x10400] =	vst v63  }
0x27b: {  	s15 =	simm.s32 $0x5C00  }
0x27c: {  	[tilespmem:s15], [sflag:$0x1] =	stream.indirect_vreg.gather [hbm4b:s1+s3], $0x80, v3, vm0, $0xb8;
	[tilespmem:$0x10400] =	vst v63  }
0x27d: {  	v3 =	vld [tilespmem:$0x360];
	_ =	sdelay $0x4  }
0x27e: {  	v54 =	vshll.u32 v3, $0x1  }
0x27f: {  	v3 =	vand.u32 $0x7, v3;
	v4 =	vand.u32 $0xFFFFFFF0, v54  }
0x280: {  	v3 =	vor.u32 v3, v4  }
0x281: {  	v4 =	vperm.xlane v3, v0;
	_ =	sdelay $0x1  }
0x282: {  	v3 =	vperm.xlane v3, v2;
	v4 =	vadd.s32 v1, v4;
	_ =	sdelay $0x1  }
0x283: {  	v3 =	vadd.s32 v1, v3;
	_ =	sdelay $0x1  }
0x284: {  	s16 =	simm.s32 $0x6400  }
0x285: {  	[tilespmem:s16], [sflag:$0x1] =	stream.indirect_vreg.gather [hbm4b:s1+s3], $0x80, v4, vm0, $0xb8;
	[tilespmem:$0x10400] =	vst v63  }
0x286: {  	s17 =	simm.s32 $0x6C00  }
0x287: {  	[tilespmem:s17], [sflag:$0x1] =	stream.indirect_vreg.gather [hbm4b:s1+s3], $0x80, v3, vm0, $0xb8;
	[tilespmem:$0x10400] =	vst v63  }
0x288: {  	v3 =	vld [tilespmem:$0x370];
	_ =	sdelay $0x4  }
0x289: {  	v55 =	vshll.u32 v3, $0x1  }
0x28a: {  	v3 =	vand.u32 $0x7, v3;
	v4 =	vand.u32 $0xFFFFFFF0, v55  }
0x28b: {  	v3 =	vor.u32 v3, v4  }
0x28c: {  	v4 =	vperm.xlane v3, v0;
	_ =	sdelay $0x1  }
0x28d: {  	v3 =	vperm.xlane v3, v2;
	v4 =	vadd.s32 v1, v4;
	_ =	sdelay $0x1  }
0x28e: {  	v3 =	vadd.s32 v1, v3;
	_ =	sdelay $0x1  }
0x28f: {  	s18 =	simm.s32 $0x7400  }
0x290: {  	[tilespmem:s18], [sflag:$0x1] =	stream.indirect_vreg.gather [hbm4b:s1+s3], $0x80, v4, vm0, $0xb8;
	[tilespmem:$0x10400] =	vst v63  }
0x291: {  	s10 =	simm.s32 $0x7C00  }
0x292: {  	[tilespmem:s10], [sflag:$0x1] =	stream.indirect_vreg.gather [hbm4b:s1+s3], $0x80, v3, vm0, $0xb8;
	[tilespmem:$0x10400] =	vst v63  }
0x293: {  	_ =	swait.ge [sflag:s14], $0x8000  }
0x294: {  	[sflag:s14] =	ssyncset.done $0x0  }
0x295: {  	s18 =	rddreg [dreg:$0x9];
	[sflag:s14] =	ssyncadd.s32 $0xFFFF8000  }
0x296: {  	[hbm4b:s18+s3] =	stream.linear.scatter [tilespmem:s23], [sflag:$0x3], $0x8000, $0x38;
	[tilespmem:$0x10400] =	vst v63  }
0x297: {  	_ =	swait.ge [sflag:s6], $0x8000  }
0x298: {  	[sflag:s6] =	ssyncset.done $0x0  }
0x299: {  	[sflag:s6] =	ssyncadd.s32 $0xFFFF8000  }
0x29a: {  	v3 =	vld [tilespmem:$0x380];
	_ =	sdelay $0x4  }
0x29b: {  	v56 =	vshll.u32 v3, $0x1  }
0x29c: {  	v3 =	vand.u32 $0x7, v3;
	v4 =	vand.u32 $0xFFFFFFF0, v56  }
0x29d: {  	v3 =	vor.u32 v3, v4  }
0x29e: {  	v4 =	vperm.xlane v3, v0;
	_ =	sdelay $0x1  }
0x29f: {  	v3 =	vperm.xlane v3, v2;
	v4 =	vadd.s32 v1, v4;
	_ =	sdelay $0x1  }
0x2a0: {  	v3 =	vadd.s32 v1, v3;
	_ =	sdelay $0x2  }
0x2a1: {  	[tilespmem:s23], [sflag:$0x2] =	stream.indirect_vreg.gather [hbm4b:s1+s3], $0x80, v4, vm0, $0xb8;
	[tilespmem:$0x10400] =	vst v63  }
0x2a2: {  	s20 =	simm.s32 $0x8C00  }
0x2a3: {  	[tilespmem:s20], [sflag:$0x2] =	stream.indirect_vreg.gather [hbm4b:s1+s3], $0x80, v3, vm0, $0xb8;
	[tilespmem:$0x10400] =	vst v63  }
0x2a4: {  	v3 =	vld [tilespmem:$0x390];
	_ =	sdelay $0x4  }
0x2a5: {  	v57 =	vshll.u32 v3, $0x1  }
0x2a6: {  	v3 =	vand.u32 $0x7, v3;
	v4 =	vand.u32 $0xFFFFFFF0, v57  }
0x2a7: {  	v3 =	vor.u32 v3, v4  }
0x2a8: {  	v4 =	vperm.xlane v3, v0;
	_ =	sdelay $0x1  }
0x2a9: {  	v3 =	vperm.xlane v3, v2;
	v4 =	vadd.s32 v1, v4;
	_ =	sdelay $0x1  }
0x2aa: {  	v3 =	vadd.s32 v1, v3;
	_ =	sdelay $0x1  }
0x2ab: {  	s0 =	simm.s32 $0x9400  }
0x2ac: {  	[tilespmem:s0], [sflag:$0x2] =	stream.indirect_vreg.gather [hbm4b:s1+s3], $0x80, v4, vm0, $0xb8;
	[tilespmem:$0x10400] =	vst v63  }
0x2ad: {  	s4 =	simm.s32 $0x9C00  }
0x2ae: {  	[tilespmem:s4], [sflag:$0x2] =	stream.indirect_vreg.gather [hbm4b:s1+s3], $0x80, v3, vm0, $0xb8;
	[tilespmem:$0x10400] =	vst v63  }
0x2af: {  	v3 =	vld [tilespmem:$0x3A0];
	_ =	sdelay $0x4  }
0x2b0: {  	v58 =	vshll.u32 v3, $0x1  }
0x2b1: {  	v3 =	vand.u32 $0x7, v3;
	v4 =	vand.u32 $0xFFFFFFF0, v58  }
0x2b2: {  	v3 =	vor.u32 v3, v4  }
0x2b3: {  	v4 =	vperm.xlane v3, v0;
	_ =	sdelay $0x1  }
0x2b4: {  	v3 =	vperm.xlane v3, v2;
	v4 =	vadd.s32 v1, v4;
	_ =	sdelay $0x1  }
0x2b5: {  	v3 =	vadd.s32 v1, v3;
	_ =	sdelay $0x1  }
0x2b6: {  	s2 =	simm.s32 $0xA400  }
0x2b7: {  	[tilespmem:s2], [sflag:$0x2] =	stream.indirect_vreg.gather [hbm4b:s1+s3], $0x80, v4, vm0, $0xb8;
	[tilespmem:$0x10400] =	vst v63  }
0x2b8: {  	s7 =	simm.s32 $0xAC00  }
0x2b9: {  	[tilespmem:s7], [sflag:$0x2] =	stream.indirect_vreg.gather [hbm4b:s1+s3], $0x80, v3, vm0, $0xb8;
	[tilespmem:$0x10400] =	vst v63  }
0x2ba: {  	v3 =	vld [tilespmem:$0x3B0];
	_ =	sdelay $0x4  }
0x2bb: {  	v59 =	vshll.u32 v3, $0x1  }
0x2bc: {  	v3 =	vand.u32 $0x7, v3;
	v4 =	vand.u32 $0xFFFFFFF0, v59  }
0x2bd: {  	v3 =	vor.u32 v3, v4  }
0x2be: {  	v4 =	vperm.xlane v3, v0;
	_ =	sdelay $0x1  }
0x2bf: {  	v3 =	vperm.xlane v3, v2;
	v4 =	vadd.s32 v1, v4;
	_ =	sdelay $0x1  }
0x2c0: {  	v3 =	vadd.s32 v1, v3;
	_ =	sdelay $0x1  }
0x2c1: {  	s26 =	simm.s32 $0xB400  }
0x2c2: {  	[tilespmem:s26], [sflag:$0x2] =	stream.indirect_vreg.gather [hbm4b:s1+s3], $0x80, v4, vm0, $0xb8;
	[tilespmem:$0x10400] =	vst v63  }
0x2c3: {  	s26 =	simm.s32 $0xBC00  }
0x2c4: {  	[tilespmem:s26], [sflag:$0x2] =	stream.indirect_vreg.gather [hbm4b:s1+s3], $0x80, v3, vm0, $0xb8;
	[tilespmem:$0x10400] =	vst v63  }
0x2c5: {  	v3 =	vld [tilespmem:$0x3C0];
	_ =	sdelay $0x4  }
0x2c6: {  	v60 =	vshll.u32 v3, $0x1  }
0x2c7: {  	v3 =	vand.u32 $0x7, v3;
	v4 =	vand.u32 $0xFFFFFFF0, v60  }
0x2c8: {  	v3 =	vor.u32 v3, v4  }
0x2c9: {  	v4 =	vperm.xlane v3, v0;
	_ =	sdelay $0x1  }
0x2ca: {  	v3 =	vperm.xlane v3, v2;
	v4 =	vadd.s32 v1, v4;
	_ =	sdelay $0x1  }
0x2cb: {  	v3 =	vadd.s32 v1, v3;
	_ =	sdelay $0x1  }
0x2cc: {  	s28 =	simm.s32 $0xC400  }
0x2cd: {  	[tilespmem:s28], [sflag:$0x2] =	stream.indirect_vreg.gather [hbm4b:s1+s3], $0x80, v4, vm0, $0xb8;
	[tilespmem:$0x10400] =	vst v63  }
0x2ce: {  	s21 =	simm.s32 $0xCC00  }
0x2cf: {  	[tilespmem:s21], [sflag:$0x2] =	stream.indirect_vreg.gather [hbm4b:s1+s3], $0x80, v3, vm0, $0xb8;
	[tilespmem:$0x10400] =	vst v63  }
0x2d0: {  	v3 =	vld [tilespmem:$0x3D0];
	_ =	sdelay $0x4  }
0x2d1: {  	v61 =	vshll.u32 v3, $0x1  }
0x2d2: {  	v3 =	vand.u32 $0x7, v3;
	v4 =	vand.u32 $0xFFFFFFF0, v61  }
0x2d3: {  	v3 =	vor.u32 v3, v4  }
0x2d4: {  	v4 =	vperm.xlane v3, v0;
	_ =	sdelay $0x1  }
0x2d5: {  	v3 =	vperm.xlane v3, v2;
	v4 =	vadd.s32 v1, v4;
	_ =	sdelay $0x1  }
0x2d6: {  	v3 =	vadd.s32 v1, v3;
	_ =	sdelay $0x1  }
0x2d7: {  	s29 =	simm.s32 $0xD400  }
0x2d8: {  	[tilespmem:s29], [sflag:$0x2] =	stream.indirect_vreg.gather [hbm4b:s1+s3], $0x80, v4, vm0, $0xb8;
	[tilespmem:$0x10400] =	vst v63  }
0x2d9: {  	s25 =	simm.s32 $0xDC00  }
0x2da: {  	[tilespmem:s25], [sflag:$0x2] =	stream.indirect_vreg.gather [hbm4b:s1+s3], $0x80, v3, vm0, $0xb8;
	[tilespmem:$0x10400] =	vst v63  }
0x2db: {  	v3 =	vld [tilespmem:$0x3E0];
	_ =	sdelay $0x4  }
0x2dc: {  	v62 =	vshll.u32 v3, $0x1  }
0x2dd: {  	v3 =	vand.u32 $0x7, v3;
	v4 =	vand.u32 $0xFFFFFFF0, v62  }
0x2de: {  	v3 =	vor.u32 v3, v4  }
0x2df: {  	v4 =	vperm.xlane v3, v0;
	_ =	sdelay $0x1  }
0x2e0: {  	v3 =	vperm.xlane v3, v2;
	v4 =	vadd.s32 v1, v4;
	_ =	sdelay $0x1  }
0x2e1: {  	v3 =	vadd.s32 v1, v3;
	_ =	sdelay $0x1  }
0x2e2: {  	s19 =	simm.s32 $0xE400  }
0x2e3: {  	[tilespmem:s19], [sflag:$0x2] =	stream.indirect_vreg.gather [hbm4b:s1+s3], $0x80, v4, vm0, $0xb8;
	[tilespmem:$0x10400] =	vst v63  }
0x2e4: {  	s22 =	simm.s32 $0xEC00  }
0x2e5: {  	[tilespmem:s22], [sflag:$0x2] =	stream.indirect_vreg.gather [hbm4b:s1+s3], $0x80, v3, vm0, $0xb8;
	[tilespmem:$0x10400] =	vst v63  }
0x2e6: {  	v3 =	vld [tilespmem:$0x3F0];
	_ =	sdelay $0x4  }
0x2e7: {  	v63 =	vshll.u32 v3, $0x1  }
0x2e8: {  	v3 =	vand.u32 $0x7, v3;
	v4 =	vand.u32 $0xFFFFFFF0, v63  }
0x2e9: {  	v3 =	vor.u32 v3, v4  }
0x2ea: {  	v4 =	vperm.xlane v3, v0;
	_ =	sdelay $0x1  }
0x2eb: {  	v3 =	vperm.xlane v3, v2;
	v4 =	vadd.s32 v1, v4;
	_ =	sdelay $0x1  }
0x2ec: {  	v3 =	vadd.s32 v1, v3;
	_ =	sdelay $0x1  }
0x2ed: {  	s29 =	simm.s32 $0xF400  }
0x2ee: {  	[tilespmem:s29], [sflag:$0x2] =	stream.indirect_vreg.gather [hbm4b:s1+s3], $0x80, v4, vm0, $0xb8;
	[tilespmem:$0x10400] =	vst v63  }
0x2ef: {  	s31 =	simm.s32 $0xFC00  }
0x2f0: {  	[tilespmem:s31], [sflag:$0x2] =	stream.indirect_vreg.gather [hbm4b:s1+s3], $0x80, v3, vm0, $0xb8;
	[tilespmem:$0x10400] =	vst v63  }
0x2f1: {  	_ =	swait.ge [sflag:s13], $0x8000  }
0x2f2: {  	[sflag:s13] =	ssyncset.done $0x0  }
0x2f3: {  	s30 =	rddreg [dreg:$0xa];
	[sflag:s13] =	ssyncadd.s32 $0xFFFF8000  }
0x2f4: {  	[hbm4b:s30+s3] =	stream.linear.scatter [tilespmem:s24], [sflag:$0x3], $0x8000, $0x38;
	[tilespmem:$0x10400] =	vst v63  }
0x2f5: {  	_ =	swait.ge [sflag:s6], $0x8000  }
0x2f6: {  	[sflag:s6] =	ssyncset.done $0x0  }
0x2f7: {  	[sflag:s6] =	ssyncadd.s32 $0xFFFF8000  }
0x2f8: {  	_ =	swait.ge [sflag:s14], $0x8000  }
0x2f9: {  	p0 =	sne.s32 s5, $0x1;
	[sflag:s14] =	ssyncset.done $0x0  }
.Ltmp0:
0x2fa: {  	s31 =	rddreg [dreg:$0xb];
	[sflag:s14] =	ssyncadd.s32 $0xFFFF8000;
	(pc) =	sbr.rel @p0 .LBB2_1-.Ltmp0, $4  }
0x2fb: {  	[hbm4b:s31+s3] =	stream.linear.scatter [tilespmem:s23], [sflag:$0x3], $0x8000, $0x38;
	[tilespmem:$0x10400] =	vst v63  }
0x2fc: {  	_ =	swait.ge [sflag:s6], $0x8000  }
0x2fd: {  	[sflag:s6] =	ssyncset.done $0x0  }
0x2fe: {  	s5 =	sadd.s32 $0xFFFFFFFF, s5;
	[sflag:s6] =	ssyncadd.s32 $0xFFFF8000  }
0x2ff: {  	_ =	sfence.sel $0x180000  }
0x300: {  	[bflag:$0x0] =	sbarrier.arrive $0xFFFF  }
0x301: {  	_ =	strace $0x90000047  }
0x302: {  	s0 =	stileid.u32;
	[bflag:$0x2] =	sbarrier.arrive $0xFFFF  }
0x303: {  	p0 =	sne.s32 s0, $0x0;
	s0 =	rddreg [dreg:$0x3]  }
0x304: {  	s0 =	sadd.s32 @!p0 $0x100000, s0  }
0x305: {  	[sflag:s0] =	ssyncadd.tile.s32 @!p0 $0x1;
	_ =	shalt  }
.Lfunc_end2:
_tile_overlayer_lowered:
.L_overlay_start_2:
0x306: {  	(tag) =	ssettag $0x2  }
0x307: {  	s0 =	rddreg [dreg:$0x0];
	s2 =	stileid.u32  }
0x308: {  	s1 =	rddreg [dreg:$0x1];
	p0 =	sne.s32 s2, $0x0  }
0x309: {  	s3 =	rddreg [dreg:$0x2];
	[bflag:$0x3] =	sbarrier.arrive $0xFFFF;
	s2 =	simm.s32 @!p0 $0x1C03  }
0x30a: {  	[timem:s3], [sflag:s2] =	dma.local @!p0 [hbm:s0], s1  }
0x30b: {  	s0 =	simm.s32 @!p0 $0x3  }
0x30c: {  	_ =	swait.ge @!p0 [sflag:s0], s1  }
0x30d: {  	s1 =	ssub.s32 @!p0 $0x0, s1;
	[sflag:s0] =	ssyncset.done @!p0 $0x0  }
0x30e: {  	[sflag:s0] =	ssyncadd.s32 @!p0 s1  }
0x30f: {  	[bflag:$0x3] =	sbarrier.arrive $0xFFFF  }
0x310: {  	_ =	shalt  }

</sc_bundles>
